<compile_context>
chip_gen: v7x
topology: tpu7x:2x2x1
jax: 0.10.2.dev20260603
libtpu: 0.0.44.dev20260713+nightly
codegen_flags: <defaults>
</compile_context>

<pallas_src>
import functools

import jax
import jax.numpy as jnp
from jax import lax
from jax.experimental import pallas as pl
from jax.experimental.pallas import tpu as pltpu
from jax.experimental.pallas import tpu_sc as plsc

N_NODES = 10000
N_EDGES = 320000
D = 128
NUM_CLASSES = 10

NC = 2
NS = 16
NW = NC * NS
EB = 50
NB = N_EDGES // (NW * EB)
NR = 4
CH = 8
BODY = 2 * CH
STEADY = NB - CH

CHUNK = 640
LAST_CHUNK = N_NODES - (NS - 1) * CHUNK
ZROWS = 40


def _sc_body(x_hbm, idx_hbm, out_hbm, idxs, rows, zbuf, agg_sh,
             semI, semG, semS):
    cid = lax.axis_index("c")
    sid = lax.axis_index("s")
    wid = cid * NS + sid
    srcA, dstA, srcB, dstB = idxs
    semSA, semDA, semSB, semDB = semI

    zrow = jnp.zeros((16,), jnp.float32)

    def zstore(r):
        for c in range(D // 16):
            zbuf[r, pl.ds(c * 16, 16)] = zrow

    pl.loop(0, ZROWS)(zstore)
    nz = lax.select(sid == NS - 1, LAST_CHUNK // ZROWS, CHUNK // ZROWS)

    def zchunk(k):
        pltpu.sync_copy(zbuf, agg_sh.at[pl.ds(sid * CHUNK + k * ZROWS, ZROWS)])

    pl.loop(0, nz)(zchunk)
    plsc.subcore_barrier()

    def g_wait(src_c, k, rs):
        pltpu.make_async_copy(x_hbm.at[src_c.at[k]], rows[rs], semG[rs]).wait()

    def g_start(src_c, k, rs):
        pltpu.async_copy(x_hbm.at[src_c.at[k]], rows[rs], semG[rs])

    def s_start(dst_c, k, rs):
        pltpu.async_copy(rows[rs], agg_sh.at[dst_c.at[k]], semS[rs], add=True)

    def s_wait(dst_c, k, rs):
        pltpu.make_async_copy(rows[rs], agg_sh.at[dst_c.at[k]], semS[rs]).wait()

    def chunk_start(src_c, dst_c, sem_s, sem_d, j):
        pltpu.async_copy(idx_hbm.at[0, wid, pl.ds(j, CH)], src_c, sem_s)
        pltpu.async_copy(idx_hbm.at[1, wid, pl.ds(j, CH)], dst_c, sem_d)

    def chunk_wait(src_c, dst_c, sem_s, sem_d, j):
        pltpu.make_async_copy(idx_hbm.at[0, wid, pl.ds(j, CH)], src_c,
                              sem_s).wait()
        pltpu.make_async_copy(idx_hbm.at[1, wid, pl.ds(j, CH)], dst_c,
                              sem_d).wait()

    pltpu.sync_copy(idx_hbm.at[0, wid, pl.ds(0, CH)], srcA)
    pltpu.sync_copy(idx_hbm.at[1, wid, pl.ds(0, CH)], dstA)
    pltpu.sync_copy(idx_hbm.at[0, wid, pl.ds(CH, CH)], srcB)
    pltpu.sync_copy(idx_hbm.at[1, wid, pl.ds(CH, CH)], dstB)
    for b in range(NR - 1):
        g_start(srcA, b, b)

    def turn(j, b, last_block):
        src_c, dst_c = (srcA, dstA) if b < CH else (srcB, dstB)
        k, rs = b % CH, b % NR
        pb = (b - 1) % BODY
        pdst = dstA if pb < CH else dstB
        g_wait(src_c, k, rs)
        s_start(dst_c, k, rs)
        if b == 0:
            @pl.when(j >= 1)
            def _drain0():
                s_wait(pdst, pb % CH, pb % NR)
        else:
            s_wait(pdst, pb % CH, pb % NR)
        if not last_block:
            if b == 1:
                @pl.when(j >= 1)
                def _refillB():
                    chunk_start(srcB, dstB, semSB, semDB, j + CH)
            if b == CH:
                chunk_start(srcA, dstA, semSA, semDA, j + BODY)
            if b == 5:
                @pl.when(j >= 1)
                def _waitB():
                    chunk_wait(srcB, dstB, semSB, semDB, j + CH)
            if b == CH + 5:
                chunk_wait(srcA, dstA, semSA, semDA, j + BODY)
            nb = b + NR - 1
            nsrc = srcA if (nb < CH or nb >= BODY) else srcB
            g_start(nsrc, nb % CH, nb % NR)
        else:
            if b + NR - 1 < CH:
                g_start(srcA, b + NR - 1, (b + NR - 1) % NR)

    def body(j):
        for b in range(BODY):
            turn(j, b, last_block=False)

    pl.loop(0, STEADY, step=BODY)(body)
    for b in range(CH):
        turn(STEADY, b, last_block=True)
    s_wait(dstA, CH - 1, (NB - 1) % NR)

    plsc.subcore_barrier()

    @pl.when(sid < NS - 1)
    def _w0():
        pltpu.sync_copy(agg_sh.at[pl.ds(sid * CHUNK, CHUNK)],
                        out_hbm.at[cid, pl.ds(sid * CHUNK, CHUNK)])

    @pl.when(sid == NS - 1)
    def _w1():
        pltpu.sync_copy(agg_sh.at[pl.ds((NS - 1) * CHUNK, LAST_CHUNK)],
                        out_hbm.at[cid, pl.ds((NS - 1) * CHUNK, LAST_CHUNK)])


@functools.partial(
    pl.kernel,
    out_type=jax.ShapeDtypeStruct((NC, N_NODES, D), jnp.float32),
    mesh=plsc.VectorSubcoreMesh(core_axis_name="c", subcore_axis_name="s",
                                num_cores=NC, num_subcores=NS),
    scratch_types=[
        tuple(pltpu.VMEM((CH, EB), jnp.int32) for _ in range(4)),
        tuple(pltpu.VMEM((EB, D), jnp.float32) for _ in range(NR)),
        pltpu.VMEM((ZROWS, D), jnp.float32),
        pltpu.VMEM_SHARED((N_NODES, D), jnp.float32),
        tuple(pltpu.SemaphoreType.DMA for _ in range(4)),
        tuple(pltpu.SemaphoreType.DMA for _ in range(NR)),
        tuple(pltpu.SemaphoreType.DMA for _ in range(NR)),
    ],
)
def _sc_aggregate(x_hbm, idx_hbm, out_hbm, idxs, rows, zbuf, agg_sh,
                  semI, semG, semS):
    _sc_body(x_hbm, idx_hbm, out_hbm, idxs, rows, zbuf, agg_sh,
             semI, semG, semS)


ROW_BLK = 5000
GRID = N_NODES // ROW_BLK


def _tc_body(x_ref, p_ref, ws_ref, wn_ref, bg_ref, w1_ref, b1_ref,
             w2_ref, b2_ref, out_ref, acc_ref):
    i = pl.program_id(0)

    @pl.when(i == 0)
    def _init():
        acc_ref[...] = jnp.zeros_like(acc_ref)

    xb = x_ref[...]
    ab = p_ref[0] + p_ref[1]
    h = (jnp.dot(xb, ws_ref[...], preferred_element_type=jnp.float32)
         + jnp.dot(ab, wn_ref[...], preferred_element_type=jnp.float32)
         + bg_ref[...])
    h = jnp.maximum(h, 0.0)
    acc_ref[...] += jnp.sum(h, axis=0, keepdims=True)

    @pl.when(i == GRID - 1)
    def _final():
        emb = acc_ref[...] * (1.0 / N_NODES)
        z = jnp.maximum(
            jnp.dot(emb, w1_ref[...], preferred_element_type=jnp.float32)
            + b1_ref[...], 0.0)
        out_ref[...] = (jnp.dot(z, w2_ref[...], preferred_element_type=jnp.float32)
                        + b2_ref[...])


def _tc_finish(x, partials, W_self, W_nbr, b_gnn, W1, b1, W2, b2):
    return pl.pallas_call(
        _tc_body,
        grid=(GRID,),
        in_specs=[
            pl.BlockSpec((ROW_BLK, D), lambda i: (i, 0)),
            pl.BlockSpec((NC, ROW_BLK, D), lambda i: (0, i, 0)),
            pl.BlockSpec((D, D), lambda i: (0, 0)),
            pl.BlockSpec((D, D), lambda i: (0, 0)),
            pl.BlockSpec((1, D), lambda i: (0, 0)),
            pl.BlockSpec((D, D), lambda i: (0, 0)),
            pl.BlockSpec((1, D), lambda i: (0, 0)),
            pl.BlockSpec((D, NUM_CLASSES), lambda i: (0, 0)),
            pl.BlockSpec((1, NUM_CLASSES), lambda i: (0, 0)),
        ],
        out_specs=pl.BlockSpec((1, NUM_CLASSES), lambda i: (0, 0)),
        out_shape=jax.ShapeDtypeStruct((1, NUM_CLASSES), jnp.float32),
        scratch_shapes=[pltpu.VMEM((1, D), jnp.float32)],
    )(x, partials, W_self, W_nbr, b_gnn, W1, b1, W2, b2)


RELAY_GRID = 4


def _relayout_body(in_ref, out_ref):
    out_ref[...] = in_ref[...].reshape(2, NW // RELAY_GRID, NB, EB)


def _relayout(ei):
    return pl.pallas_call(
        _relayout_body,
        grid=(RELAY_GRID,),
        in_specs=[pl.BlockSpec((2, N_EDGES // RELAY_GRID), lambda g: (0, g))],
        out_specs=pl.BlockSpec((2, NW // RELAY_GRID, NB, EB),
                               lambda g: (0, g, 0, 0)),
        out_shape=jax.ShapeDtypeStruct((2, NW, NB, EB), jnp.int32),
    )(ei)


def kernel(x, edge_index, W_self, W_nbr, b_gnn, W1, b1, W2, b2):
    idx = _relayout(edge_index.astype(jnp.int32))
    partials = _sc_aggregate(x, idx)
    return _tc_finish(x, partials,
                      W_self, W_nbr, b_gnn.reshape(1, D),
                      W1, b1.reshape(1, D), W2, b2.reshape(1, NUM_CLASSES))

# --- scband reference (transcript-rebuilt; emitter-appended) ---
"""Pipeline reference for scband-subgraph-gnn-90194313216605 (READ-ONLY COPY).

The authoritative reference and input builder live on the scoring server;
editing this copy changes nothing except your own understanding.
"""

import jax, jax.numpy as jnp
import numpy as np

N_NODES = 10000
N_EDGES = 320000
D = 128
NUM_CLASSES = 10

def setup_inputs(seed: int = 0) -> dict:
    key = jax.random.key(seed)
    ks = jax.random.split(key, 10)
    x = jax.random.normal(ks[0], (N_NODES, D), dtype=jnp.float32)
    edge_index = jax.random.randint(ks[1], (2, N_EDGES), 0, N_NODES, dtype=jnp.int64)
    # GNN layer weights (GraphConv-style: self transform + neighbor transform)
    W_self = jax.random.normal(ks[2], (D, D), dtype=jnp.float32) * (1.0 / np.sqrt(D))
    W_nbr = jax.random.normal(ks[3], (D, D), dtype=jnp.float32) * (1.0 / np.sqrt(D))
    b_gnn = jnp.zeros((D,), dtype=jnp.float32)
    # classifier: Linear(D, D) -> ReLU -> Linear(D, num_classes)
    W1 = jax.random.normal(ks[4], (D, D), dtype=jnp.float32) * (1.0 / np.sqrt(D))
    b1 = jnp.zeros((D,), dtype=jnp.float32)
    W2 = jax.random.normal(ks[5], (D, NUM_CLASSES), dtype=jnp.float32) * (1.0 / np.sqrt(D))
    b2 = jnp.zeros((NUM_CLASSES,), dtype=jnp.float32)
    return {"x": x, "edge_index": edge_index, "W_self": W_self, "W_nbr": W_nbr, "b_gnn": b_gnn, "W1": W1, "b1": b1, "W2": W2, "b2": b2}

def reference(x, edge_index, W_self, W_nbr, b_gnn, W1, b1, W2, b2):
    src = edge_index[0]
    dst = edge_index[1]
    # message passing: gather source node features, scatter-add to destination
    msgs = jnp.take(x, src, axis=0)
    agg = jax.ops.segment_sum(msgs, dst, num_segments=x.shape[0])
    h = jax.nn.relu(x @ W_self + agg @ W_nbr + b_gnn)
    # global_mean_pool with batch vector of all zeros == mean over all nodes -> [1, D]
    graph_emb = jnp.mean(h, axis=0, keepdims=True)
    # classifier MLP
    z = jax.nn.relu(graph_emb @ W1 + b1)
    out = z @ W2 + b2
    return out

if __name__ == "__main__":
    import jax
    _d = setup_inputs()
    print(jax.jit(kernel)(*tuple(_d.values())))

</pallas_src>

<mosaic_0001>
#map = affine_map<(d0, d1) -> (0, 0)>
#map1 = affine_map<(d0, d1) -> (0, 0, 0, 0)>
#map2 = affine_map<(d0, d1) -> (0, 0, 0)>
module attributes {stable_mosaic.version = 14 : i64} {
  func.func @_sc_aggregate(%arg0: i32, %arg1: i32, %arg2: memref<10000x128xf32, #tpu.memory_space<hbm>>, %arg3: memref<2x32x200x50xi32, #tpu.memory_space<hbm>>, %arg4: memref<2x10000x128xf32, #tpu.memory_space<hbm>>, %arg5: memref<8x50xi32, #tpu.memory_space<vmem>>, %arg6: memref<8x50xi32, #tpu.memory_space<vmem>>, %arg7: memref<8x50xi32, #tpu.memory_space<vmem>>, %arg8: memref<8x50xi32, #tpu.memory_space<vmem>>, %arg9: memref<50x128xf32, #tpu.memory_space<vmem>>, %arg10: memref<50x128xf32, #tpu.memory_space<vmem>>, %arg11: memref<50x128xf32, #tpu.memory_space<vmem>>, %arg12: memref<50x128xf32, #tpu.memory_space<vmem>>, %arg13: memref<40x128xf32, #tpu.memory_space<vmem>>, %arg14: memref<10000x128xf32, #tpu.memory_space<vmem_shared>>, %arg15: memref<!tpu.dma_semaphore, #tpu.memory_space<semaphore_mem>>, %arg16: memref<!tpu.dma_semaphore, #tpu.memory_space<semaphore_mem>>, %arg17: memref<!tpu.dma_semaphore, #tpu.memory_space<semaphore_mem>>, %arg18: memref<!tpu.dma_semaphore, #tpu.memory_space<semaphore_mem>>, %arg19: memref<!tpu.dma_semaphore, #tpu.memory_space<semaphore_mem>>, %arg20: memref<!tpu.dma_semaphore, #tpu.memory_space<semaphore_mem>>, %arg21: memref<!tpu.dma_semaphore, #tpu.memory_space<semaphore_mem>>, %arg22: memref<!tpu.dma_semaphore, #tpu.memory_space<semaphore_mem>>, %arg23: memref<!tpu.dma_semaphore, #tpu.memory_space<semaphore_mem>>, %arg24: memref<!tpu.dma_semaphore, #tpu.memory_space<semaphore_mem>>, %arg25: memref<!tpu.dma_semaphore, #tpu.memory_space<semaphore_mem>>, %arg26: memref<!tpu.dma_semaphore, #tpu.memory_space<semaphore_mem>>) attributes {dimension_semantics = [#tpu.dimension_semantics<core_parallel>, #tpu.dimension_semantics<subcore_parallel>], iteration_bounds = array<i64: 2, 16>, scalar_prefetch = 0 : i64, scratch_operands = 22 : i64, tpu.core_type = #tpu.core_type<sc_vector_subcore>, window_params = [{transform_indices = #map}, {transform_indices = #map1}, {transform_indices = #map2}]} {
    %mul3A = arith.constant 16 : i32
    %mul3A_0 = arith.muli %arg0, %mul3A : i32
    %add3A = arith.addi %mul3A_0, %arg1 : i32
    %broadcast_in_dim3A = arith.constant 0.000000e+00 : f32
    %broadcast_in_dim3A_1 = vector.broadcast %broadcast_in_dim3A : f32 to vector<16xf32>
    %scan3A = arith.constant 0 : i32
    %scan3A_2 = arith.constant 40 : i32
    %scan3A_3 = arith.addi %scan3A, %scan3A_2 : i32
    %scan3A_4 = arith.constant 1 : i32
    scf.for %scan3A_270 = %scan3A to %scan3A_3 step %scan3A_4  : i32 {
      %mul3A_271 = arith.constant 1 : i32
      %mul3A_272 = arith.muli %scan3A_270, %mul3A_271 : i32
      %add3A_273 = arith.constant 0 : i32
      %add3A_274 = arith.addi %add3A_273, %mul3A_272 : i32
      %swap3A = arith.index_cast %add3A_274 : i32 to index
      %swap3A_275 = arith.constant 0 : index
      %swap3A_276 = tpu.vector_load %arg13[%swap3A, %swap3A_275] {strides = array<i32>} : memref<40x128xf32, #tpu.memory_space<vmem>>, vector<1x16xf32>,
      %swap3A_277 = vector.shape_cast %swap3A_276 : vector<1x16xf32> to vector<16xf32>
      %swap3A_278 = vector.shape_cast %broadcast_in_dim3A_1 : vector<16xf32> to vector<1x16xf32>
      tpu.vector_store %arg13[%swap3A, %swap3A_275], %swap3A_278 {strides = array<i32>} : memref<40x128xf32, #tpu.memory_space<vmem>>, vector<1x16xf32>,
      %swap3A_279 = arith.index_cast %add3A_274 : i32 to index
      %swap3A_280 = arith.constant 16 : index
      %swap3A_281 = tpu.vector_load %arg13[%swap3A_279, %swap3A_280] {strides = array<i32>} : memref<40x128xf32, #tpu.memory_space<vmem>>, vector<1x16xf32>,
      %swap3A_282 = vector.shape_cast %swap3A_281 : vector<1x16xf32> to vector<16xf32>
      %swap3A_283 = vector.shape_cast %broadcast_in_dim3A_1 : vector<16xf32> to vector<1x16xf32>
      tpu.vector_store %arg13[%swap3A_279, %swap3A_280], %swap3A_283 {strides = array<i32>} : memref<40x128xf32, #tpu.memory_space<vmem>>, vector<1x16xf32>,
      %swap3A_284 = arith.index_cast %add3A_274 : i32 to index
      %swap3A_285 = arith.constant 32 : index
      %swap3A_286 = tpu.vector_load %arg13[%swap3A_284, %swap3A_285] {strides = array<i32>} : memref<40x128xf32, #tpu.memory_space<vmem>>, vector<1x16xf32>,
      %swap3A_287 = vector.shape_cast %swap3A_286 : vector<1x16xf32> to vector<16xf32>
      %swap3A_288 = vector.shape_cast %broadcast_in_dim3A_1 : vector<16xf32> to vector<1x16xf32>
      tpu.vector_store %arg13[%swap3A_284, %swap3A_285], %swap3A_288 {strides = array<i32>} : memref<40x128xf32, #tpu.memory_space<vmem>>, vector<1x16xf32>,
      %swap3A_289 = arith.index_cast %add3A_274 : i32 to index
      %swap3A_290 = arith.constant 48 : index
      %swap3A_291 = tpu.vector_load %arg13[%swap3A_289, %swap3A_290] {strides = array<i32>} : memref<40x128xf32, #tpu.memory_space<vmem>>, vector<1x16xf32>,
      %swap3A_292 = vector.shape_cast %swap3A_291 : vector<1x16xf32> to vector<16xf32>
      %swap3A_293 = vector.shape_cast %broadcast_in_dim3A_1 : vector<16xf32> to vector<1x16xf32>
      tpu.vector_store %arg13[%swap3A_289, %swap3A_290], %swap3A_293 {strides = array<i32>} : memref<40x128xf32, #tpu.memory_space<vmem>>, vector<1x16xf32>,
      %swap3A_294 = arith.index_cast %add3A_274 : i32 to index
      %swap3A_295 = arith.constant 64 : index
      %swap3A_296 = tpu.vector_load %arg13[%swap3A_294, %swap3A_295] {strides = array<i32>} : memref<40x128xf32, #tpu.memory_space<vmem>>, vector<1x16xf32>,
      %swap3A_297 = vector.shape_cast %swap3A_296 : vector<1x16xf32> to vector<16xf32>
      %swap3A_298 = vector.shape_cast %broadcast_in_dim3A_1 : vector<16xf32> to vector<1x16xf32>
      tpu.vector_store %arg13[%swap3A_294, %swap3A_295], %swap3A_298 {strides = array<i32>} : memref<40x128xf32, #tpu.memory_space<vmem>>, vector<1x16xf32>,
      %swap3A_299 = arith.index_cast %add3A_274 : i32 to index
      %swap3A_300 = arith.constant 80 : index
      %swap3A_301 = tpu.vector_load %arg13[%swap3A_299, %swap3A_300] {strides = array<i32>} : memref<40x128xf32, #tpu.memory_space<vmem>>, vector<1x16xf32>,
      %swap3A_302 = vector.shape_cast %swap3A_301 : vector<1x16xf32> to vector<16xf32>
      %swap3A_303 = vector.shape_cast %broadcast_in_dim3A_1 : vector<16xf32> to vector<1x16xf32>
      tpu.vector_store %arg13[%swap3A_299, %swap3A_300], %swap3A_303 {strides = array<i32>} : memref<40x128xf32, #tpu.memory_space<vmem>>, vector<1x16xf32>,
      %swap3A_304 = arith.index_cast %add3A_274 : i32 to index
      %swap3A_305 = arith.constant 96 : index
      %swap3A_306 = tpu.vector_load %arg13[%swap3A_304, %swap3A_305] {strides = array<i32>} : memref<40x128xf32, #tpu.memory_space<vmem>>, vector<1x16xf32>,
      %swap3A_307 = vector.shape_cast %swap3A_306 : vector<1x16xf32> to vector<16xf32>
      %swap3A_308 = vector.shape_cast %broadcast_in_dim3A_1 : vector<16xf32> to vector<1x16xf32>
      tpu.vector_store %arg13[%swap3A_304, %swap3A_305], %swap3A_308 {strides = array<i32>} : memref<40x128xf32, #tpu.memory_space<vmem>>, vector<1x16xf32>,
      %swap3A_309 = arith.index_cast %add3A_274 : i32 to index
      %swap3A_310 = arith.constant 112 : index
      %swap3A_311 = tpu.vector_load %arg13[%swap3A_309, %swap3A_310] {strides = array<i32>} : memref<40x128xf32, #tpu.memory_space<vmem>>, vector<1x16xf32>,
      %swap3A_312 = vector.shape_cast %swap3A_311 : vector<1x16xf32> to vector<16xf32>
      %swap3A_313 = vector.shape_cast %broadcast_in_dim3A_1 : vector<16xf32> to vector<1x16xf32>
      tpu.vector_store %arg13[%swap3A_309, %swap3A_310], %swap3A_313 {strides = array<i32>} : memref<40x128xf32, #tpu.memory_space<vmem>>, vector<1x16xf32>,
    }
    %scan3A_5 = arith.constant 40 : i32
    %eq3A = arith.constant 15 : i32
    %eq3A_6 = arith.cmpi eq, %arg1, %eq3A : i32
    %select_n3A = arith.constant 16 : i32
    %select_n3A_7 = arith.constant 10 : i32
    %select_n3A_8 = arith.select %eq3A_6, %select_n3A_7, %select_n3A : i32
    %sub3A = arith.constant 0 : i32
    %sub3A_9 = arith.subi %select_n3A_8, %sub3A : i32
    %sub3A_10 = arith.constant 1 : i32
    %sub3A_11 = arith.constant 1 : i32
    %sub3A_12 = arith.subi %sub3A_10, %sub3A_11 : i32
    %add3A_13 = arith.addi %sub3A_9, %sub3A_12 : i32
    %div3A = arith.constant 1 : i32
    %div3A_14 = arith.divsi %add3A_13, %div3A : i32
    %while3A = arith.constant 1 : i32
    %while3A_15 = arith.constant 0 : i32
    %while3A_16 = arith.constant 0 : i32
    %while3A_17 = arith.subi %div3A_14, %while3A_16 : i32
    %while3A_18 = arith.addi %while3A_16, %while3A_17 : i32
    %while3A_19 = arith.constant 1 : i32
    %while3A_20 = arith.divsi %while3A_17, %while3A_19 : i32
    %while3A_21 = arith.muli %while3A_20, %while3A_19 : i32
    %while3A_22 = arith.addi %while3A_16, %while3A_21 : i32
    %while3A_23 = arith.constant 1 : i32
    scf.for %while3A_270 = %while3A_16 to %while3A_22 step %while3A_23  : i32 {
      %mul3A_271 = arith.muli %while3A_270, %while3A : i32
      %add3A_272 = arith.addi %while3A_15, %mul3A_271 : i32
      %mul3A_273 = arith.constant 640 : i32
      %mul3A_274 = arith.muli %arg1, %mul3A_273 : i32
      %mul3A_275 = arith.constant 40 : i32
      %mul3A_276 = arith.muli %add3A_272, %mul3A_275 : i32
      %add3A_277 = arith.addi %mul3A_274, %mul3A_276 : i32
      "tpu.region"() ({
        %run_scoped3A_278 = tpu.sem_alloc : memref<!tpu.dma_semaphore, #tpu.memory_space<semaphore_mem>>
        %dma_start3A_279 = arith.constant 0 : i32
        %dma_start3A_280 = tpu.memref_slice %arg14[%add3A_277, %dma_start3A_279] : memref<10000x128xf32, #tpu.memory_space<vmem_shared>> -> memref<40x128xf32, #tpu.memory_space<vmem_shared>>
        %dma_start3A_281 = arith.constant 0 : i32
        %dma_start3A_282 = tpu.memref_slice %arg14[%add3A_277, %dma_start3A_281] : memref<10000x128xf32, #tpu.memory_space<vmem_shared>> -> memref<40x128xf32, #tpu.memory_space<vmem_shared>>
        tpu.enqueue_dma source(%arg13 : memref<40x128xf32, #tpu.memory_space<vmem>>) target(%dma_start3A_282 : memref<40x128xf32, #tpu.memory_space<vmem_shared>>) target_semaphore(%run_scoped3A_278 : memref<!tpu.dma_semaphore, #tpu.memory_space<semaphore_mem>>)
        %dma_wait3A_283 = arith.constant 0 : i32
        %dma_wait3A_284 = tpu.memref_slice %arg14[%add3A_277, %dma_wait3A_283] : memref<10000x128xf32, #tpu.memory_space<vmem_shared>> -> memref<40x128xf32, #tpu.memory_space<vmem_shared>>
        %dma_wait3A_285 = arith.constant 0 : i32
        %dma_wait3A_286 = tpu.memref_slice %arg14[%add3A_277, %dma_wait3A_285] : memref<10000x128xf32, #tpu.memory_space<vmem_shared>> -> memref<40x128xf32, #tpu.memory_space<vmem_shared>>
        tpu.wait_dma2 semaphore(%run_scoped3A_278 : memref<!tpu.dma_semaphore, #tpu.memory_space<semaphore_mem>>) src(%arg13 : memref<40x128xf32, #tpu.memory_space<vmem>>) dst(%dma_wait3A_286 : memref<40x128xf32, #tpu.memory_space<vmem_shared>>)
        tpu.yield
      }) : () -> ()
    }
    %while3A_24 = arith.constant 1 : i32
    scf.for %while3A_270 = %while3A_22 to %while3A_18 step %while3A_24  : i32 {
      %mul3A_271 = arith.muli %while3A_270, %while3A : i32
      %add3A_272 = arith.addi %while3A_15, %mul3A_271 : i32
      %mul3A_273 = arith.constant 640 : i32
      %mul3A_274 = arith.muli %arg1, %mul3A_273 : i32
      %mul3A_275 = arith.constant 40 : i32
      %mul3A_276 = arith.muli %add3A_272, %mul3A_275 : i32
      %add3A_277 = arith.addi %mul3A_274, %mul3A_276 : i32
      "tpu.region"() ({
        %run_scoped3A_278 = tpu.sem_alloc : memref<!tpu.dma_semaphore, #tpu.memory_space<semaphore_mem>>
        %dma_start3A_279 = arith.constant 0 : i32
        %dma_start3A_280 = tpu.memref_slice %arg14[%add3A_277, %dma_start3A_279] : memref<10000x128xf32, #tpu.memory_space<vmem_shared>> -> memref<40x128xf32, #tpu.memory_space<vmem_shared>>
        %dma_start3A_281 = arith.constant 0 : i32
        %dma_start3A_282 = tpu.memref_slice %arg14[%add3A_277, %dma_start3A_281] : memref<10000x128xf32, #tpu.memory_space<vmem_shared>> -> memref<40x128xf32, #tpu.memory_space<vmem_shared>>
        tpu.enqueue_dma source(%arg13 : memref<40x128xf32, #tpu.memory_space<vmem>>) target(%dma_start3A_282 : memref<40x128xf32, #tpu.memory_space<vmem_shared>>) target_semaphore(%run_scoped3A_278 : memref<!tpu.dma_semaphore, #tpu.memory_space<semaphore_mem>>)
        %dma_wait3A_283 = arith.constant 0 : i32
        %dma_wait3A_284 = tpu.memref_slice %arg14[%add3A_277, %dma_wait3A_283] : memref<10000x128xf32, #tpu.memory_space<vmem_shared>> -> memref<40x128xf32, #tpu.memory_space<vmem_shared>>
        %dma_wait3A_285 = arith.constant 0 : i32
        %dma_wait3A_286 = tpu.memref_slice %arg14[%add3A_277, %dma_wait3A_285] : memref<10000x128xf32, #tpu.memory_space<vmem_shared>> -> memref<40x128xf32, #tpu.memory_space<vmem_shared>>
        tpu.wait_dma2 semaphore(%run_scoped3A_278 : memref<!tpu.dma_semaphore, #tpu.memory_space<semaphore_mem>>) src(%arg13 : memref<40x128xf32, #tpu.memory_space<vmem>>) dst(%dma_wait3A_286 : memref<40x128xf32, #tpu.memory_space<vmem_shared>>)
        tpu.yield
      }) : () -> ()
    }
    %barrier3A = arith.constant 0 : index
    tpu.barrier barrier_id(%barrier3A)
    %run_scoped3A = arith.constant 0 : i32
    "tpu.region"() ({
      %run_scoped3A_270 = tpu.sem_alloc : memref<!tpu.dma_semaphore, #tpu.memory_space<semaphore_mem>>
      %dma_start3A_271 = arith.constant 0 : i32
      %dma_start3A_272 = arith.constant 0 : i32
      %dma_start3A_273 = tpu.memref_slice %arg3[%run_scoped3A, %add3A, %dma_start3A_271, %dma_start3A_272] : memref<2x32x200x50xi32, #tpu.memory_space<hbm>> -> memref<1x1x8x50xi32, #tpu.memory_space<hbm>>
      %dma_start3A_274 = tpu.memref_squeeze %dma_start3A_273 : memref<1x1x8x50xi32, #tpu.memory_space<hbm>> -> memref<8x50xi32, #tpu.memory_space<hbm>>
      %dma_start3A_275 = arith.constant 0 : i32
      %dma_start3A_276 = arith.constant 0 : i32
      %dma_start3A_277 = tpu.memref_slice %arg3[%run_scoped3A, %add3A, %dma_start3A_275, %dma_start3A_276] : memref<2x32x200x50xi32, #tpu.memory_space<hbm>> -> memref<1x1x8x50xi32, #tpu.memory_space<hbm>>
      %dma_start3A_278 = tpu.memref_squeeze %dma_start3A_277 : memref<1x1x8x50xi32, #tpu.memory_space<hbm>> -> memref<8x50xi32, #tpu.memory_space<hbm>>
      tpu.enqueue_dma source(%dma_start3A_278 : memref<8x50xi32, #tpu.memory_space<hbm>>) target(%arg5 : memref<8x50xi32, #tpu.memory_space<vmem>>) target_semaphore(%run_scoped3A_270 : memref<!tpu.dma_semaphore, #tpu.memory_space<semaphore_mem>>)
      %dma_wait3A_279 = arith.constant 0 : i32
      %dma_wait3A_280 = arith.constant 0 : i32
      %dma_wait3A_281 = tpu.memref_slice %arg3[%run_scoped3A, %add3A, %dma_wait3A_279, %dma_wait3A_280] : memref<2x32x200x50xi32, #tpu.memory_space<hbm>> -> memref<1x1x8x50xi32, #tpu.memory_space<hbm>>
      %dma_wait3A_282 = tpu.memref_squeeze %dma_wait3A_281 : memref<1x1x8x50xi32, #tpu.memory_space<hbm>> -> memref<8x50xi32, #tpu.memory_space<hbm>>
      %dma_wait3A_283 = arith.constant 0 : i32
      %dma_wait3A_284 = arith.constant 0 : i32
      %dma_wait3A_285 = tpu.memref_slice %arg3[%run_scoped3A, %add3A, %dma_wait3A_283, %dma_wait3A_284] : memref<2x32x200x50xi32, #tpu.memory_space<hbm>> -> memref<1x1x8x50xi32, #tpu.memory_space<hbm>>
      %dma_wait3A_286 = tpu.memref_squeeze %dma_wait3A_285 : memref<1x1x8x50xi32, #tpu.memory_space<hbm>> -> memref<8x50xi32, #tpu.memory_space<hbm>>
      tpu.wait_dma2 semaphore(%run_scoped3A_270 : memref<!tpu.dma_semaphore, #tpu.memory_space<semaphore_mem>>) src(%dma_wait3A_286 : memref<8x50xi32, #tpu.memory_space<hbm>>) dst(%arg5 : memref<8x50xi32, #tpu.memory_space<vmem>>)
      tpu.yield
    }) : () -> ()
    %run_scoped3A_25 = arith.constant 1 : i32
    "tpu.region"() ({
      %run_scoped3A_270 = tpu.sem_alloc : memref<!tpu.dma_semaphore, #tpu.memory_space<semaphore_mem>>
      %dma_start3A_271 = arith.constant 0 : i32
      %dma_start3A_272 = arith.constant 0 : i32
      %dma_start3A_273 = tpu.memref_slice %arg3[%run_scoped3A_25, %add3A, %dma_start3A_271, %dma_start3A_272] : memref<2x32x200x50xi32, #tpu.memory_space<hbm>> -> memref<1x1x8x50xi32, #tpu.memory_space<hbm>>
      %dma_start3A_274 = tpu.memref_squeeze %dma_start3A_273 : memref<1x1x8x50xi32, #tpu.memory_space<hbm>> -> memref<8x50xi32, #tpu.memory_space<hbm>>
      %dma_start3A_275 = arith.constant 0 : i32
      %dma_start3A_276 = arith.constant 0 : i32
      %dma_start3A_277 = tpu.memref_slice %arg3[%run_scoped3A_25, %add3A, %dma_start3A_275, %dma_start3A_276] : memref<2x32x200x50xi32, #tpu.memory_space<hbm>> -> memref<1x1x8x50xi32, #tpu.memory_space<hbm>>
      %dma_start3A_278 = tpu.memref_squeeze %dma_start3A_277 : memref<1x1x8x50xi32, #tpu.memory_space<hbm>> -> memref<8x50xi32, #tpu.memory_space<hbm>>
      tpu.enqueue_dma source(%dma_start3A_278 : memref<8x50xi32, #tpu.memory_space<hbm>>) target(%arg6 : memref<8x50xi32, #tpu.memory_space<vmem>>) target_semaphore(%run_scoped3A_270 : memref<!tpu.dma_semaphore, #tpu.memory_space<semaphore_mem>>)
      %dma_wait3A_279 = arith.constant 0 : i32
      %dma_wait3A_280 = arith.constant 0 : i32
      %dma_wait3A_281 = tpu.memref_slice %arg3[%run_scoped3A_25, %add3A, %dma_wait3A_279, %dma_wait3A_280] : memref<2x32x200x50xi32, #tpu.memory_space<hbm>> -> memref<1x1x8x50xi32, #tpu.memory_space<hbm>>
      %dma_wait3A_282 = tpu.memref_squeeze %dma_wait3A_281 : memref<1x1x8x50xi32, #tpu.memory_space<hbm>> -> memref<8x50xi32, #tpu.memory_space<hbm>>
      %dma_wait3A_283 = arith.constant 0 : i32
      %dma_wait3A_284 = arith.constant 0 : i32
      %dma_wait3A_285 = tpu.memref_slice %arg3[%run_scoped3A_25, %add3A, %dma_wait3A_283, %dma_wait3A_284] : memref<2x32x200x50xi32, #tpu.memory_space<hbm>> -> memref<1x1x8x50xi32, #tpu.memory_space<hbm>>
      %dma_wait3A_286 = tpu.memref_squeeze %dma_wait3A_285 : memref<1x1x8x50xi32, #tpu.memory_space<hbm>> -> memref<8x50xi32, #tpu.memory_space<hbm>>
      tpu.wait_dma2 semaphore(%run_scoped3A_270 : memref<!tpu.dma_semaphore, #tpu.memory_space<semaphore_mem>>) src(%dma_wait3A_286 : memref<8x50xi32, #tpu.memory_space<hbm>>) dst(%arg6 : memref<8x50xi32, #tpu.memory_space<vmem>>)
      tpu.yield
    }) : () -> ()
    %run_scoped3A_26 = arith.constant 0 : i32
    "tpu.region"() ({
      %run_scoped3A_270 = tpu.sem_alloc : memref<!tpu.dma_semaphore, #tpu.memory_space<semaphore_mem>>
      %dma_start3A_271 = arith.constant 8 : i32
      %dma_start3A_272 = arith.constant 0 : i32
      %dma_start3A_273 = tpu.memref_slice %arg3[%run_scoped3A_26, %add3A, %dma_start3A_271, %dma_start3A_272] : memref<2x32x200x50xi32, #tpu.memory_space<hbm>> -> memref<1x1x8x50xi32, #tpu.memory_space<hbm>>
      %dma_start3A_274 = tpu.memref_squeeze %dma_start3A_273 : memref<1x1x8x50xi32, #tpu.memory_space<hbm>> -> memref<8x50xi32, #tpu.memory_space<hbm>>
      %dma_start3A_275 = arith.constant 8 : i32
      %dma_start3A_276 = arith.constant 0 : i32
      %dma_start3A_277 = tpu.memref_slice %arg3[%run_scoped3A_26, %add3A, %dma_start3A_275, %dma_start3A_276] : memref<2x32x200x50xi32, #tpu.memory_space<hbm>> -> memref<1x1x8x50xi32, #tpu.memory_space<hbm>>
      %dma_start3A_278 = tpu.memref_squeeze %dma_start3A_277 : memref<1x1x8x50xi32, #tpu.memory_space<hbm>> -> memref<8x50xi32, #tpu.memory_space<hbm>>
      tpu.enqueue_dma source(%dma_start3A_278 : memref<8x50xi32, #tpu.memory_space<hbm>>) target(%arg7 : memref<8x50xi32, #tpu.memory_space<vmem>>) target_semaphore(%run_scoped3A_270 : memref<!tpu.dma_semaphore, #tpu.memory_space<semaphore_mem>>)
      %dma_wait3A_279 = arith.constant 8 : i32
      %dma_wait3A_280 = arith.constant 0 : i32
      %dma_wait3A_281 = tpu.memref_slice %arg3[%run_scoped3A_26, %add3A, %dma_wait3A_279, %dma_wait3A_280] : memref<2x32x200x50xi32, #tpu.memory_space<hbm>> -> memref<1x1x8x50xi32, #tpu.memory_space<hbm>>
      %dma_wait3A_282 = tpu.memref_squeeze %dma_wait3A_281 : memref<1x1x8x50xi32, #tpu.memory_space<hbm>> -> memref<8x50xi32, #tpu.memory_space<hbm>>
      %dma_wait3A_283 = arith.constant 8 : i32
      %dma_wait3A_284 = arith.constant 0 : i32
      %dma_wait3A_285 = tpu.memref_slice %arg3[%run_scoped3A_26, %add3A, %dma_wait3A_283, %dma_wait3A_284] : memref<2x32x200x50xi32, #tpu.memory_space<hbm>> -> memref<1x1x8x50xi32, #tpu.memory_space<hbm>>
      %dma_wait3A_286 = tpu.memref_squeeze %dma_wait3A_285 : memref<1x1x8x50xi32, #tpu.memory_space<hbm>> -> memref<8x50xi32, #tpu.memory_space<hbm>>
      tpu.wait_dma2 semaphore(%run_scoped3A_270 : memref<!tpu.dma_semaphore, #tpu.memory_space<semaphore_mem>>) src(%dma_wait3A_286 : memref<8x50xi32, #tpu.memory_space<hbm>>) dst(%arg7 : memref<8x50xi32, #tpu.memory_space<vmem>>)
      tpu.yield
    }) : () -> ()
    %run_scoped3A_27 = arith.constant 1 : i32
    "tpu.region"() ({
      %run_scoped3A_270 = tpu.sem_alloc : memref<!tpu.dma_semaphore, #tpu.memory_space<semaphore_mem>>
      %dma_start3A_271 = arith.constant 8 : i32
      %dma_start3A_272 = arith.constant 0 : i32
      %dma_start3A_273 = tpu.memref_slice %arg3[%run_scoped3A_27, %add3A, %dma_start3A_271, %dma_start3A_272] : memref<2x32x200x50xi32, #tpu.memory_space<hbm>> -> memref<1x1x8x50xi32, #tpu.memory_space<hbm>>
      %dma_start3A_274 = tpu.memref_squeeze %dma_start3A_273 : memref<1x1x8x50xi32, #tpu.memory_space<hbm>> -> memref<8x50xi32, #tpu.memory_space<hbm>>
      %dma_start3A_275 = arith.constant 8 : i32
      %dma_start3A_276 = arith.constant 0 : i32
      %dma_start3A_277 = tpu.memref_slice %arg3[%run_scoped3A_27, %add3A, %dma_start3A_275, %dma_start3A_276] : memref<2x32x200x50xi32, #tpu.memory_space<hbm>> -> memref<1x1x8x50xi32, #tpu.memory_space<hbm>>
      %dma_start3A_278 = tpu.memref_squeeze %dma_start3A_277 : memref<1x1x8x50xi32, #tpu.memory_space<hbm>> -> memref<8x50xi32, #tpu.memory_space<hbm>>
      tpu.enqueue_dma source(%dma_start3A_278 : memref<8x50xi32, #tpu.memory_space<hbm>>) target(%arg8 : memref<8x50xi32, #tpu.memory_space<vmem>>) target_semaphore(%run_scoped3A_270 : memref<!tpu.dma_semaphore, #tpu.memory_space<semaphore_mem>>)
      %dma_wait3A_279 = arith.constant 8 : i32
      %dma_wait3A_280 = arith.constant 0 : i32
      %dma_wait3A_281 = tpu.memref_slice %arg3[%run_scoped3A_27, %add3A, %dma_wait3A_279, %dma_wait3A_280] : memref<2x32x200x50xi32, #tpu.memory_space<hbm>> -> memref<1x1x8x50xi32, #tpu.memory_space<hbm>>
      %dma_wait3A_282 = tpu.memref_squeeze %dma_wait3A_281 : memref<1x1x8x50xi32, #tpu.memory_space<hbm>> -> memref<8x50xi32, #tpu.memory_space<hbm>>
      %dma_wait3A_283 = arith.constant 8 : i32
      %dma_wait3A_284 = arith.constant 0 : i32
      %dma_wait3A_285 = tpu.memref_slice %arg3[%run_scoped3A_27, %add3A, %dma_wait3A_283, %dma_wait3A_284] : memref<2x32x200x50xi32, #tpu.memory_space<hbm>> -> memref<1x1x8x50xi32, #tpu.memory_space<hbm>>
      %dma_wait3A_286 = tpu.memref_squeeze %dma_wait3A_285 : memref<1x1x8x50xi32, #tpu.memory_space<hbm>> -> memref<8x50xi32, #tpu.memory_space<hbm>>
      tpu.wait_dma2 semaphore(%run_scoped3A_270 : memref<!tpu.dma_semaphore, #tpu.memory_space<semaphore_mem>>) src(%dma_wait3A_286 : memref<8x50xi32, #tpu.memory_space<hbm>>) dst(%arg8 : memref<8x50xi32, #tpu.memory_space<vmem>>)
      tpu.yield
    }) : () -> ()
    %dma_start3A = arith.constant 0 : i32
    %dma_start3A_28 = arith.constant 0 : i32
    %dma_start3A_29 = tpu.memref_slice %arg5[%dma_start3A, %dma_start3A_28] : memref<8x50xi32, #tpu.memory_space<vmem>> -> memref<1x50xi32, #tpu.memory_space<vmem>>
    %dma_start3A_30 = tpu.memref_squeeze %dma_start3A_29 : memref<1x50xi32, #tpu.memory_space<vmem>> -> memref<50xi32, #tpu.memory_space<vmem>>
    %dma_start3A_31 = arith.constant 0 : i32
    %dma_start3A_32 = arith.constant 0 : i32
    %dma_start3A_33 = tpu.memref_slice %arg2[%dma_start3A_31, %dma_start3A_32] : memref<10000x128xf32, #tpu.memory_space<hbm>> -> memref<10000x128xf32, #tpu.memory_space<hbm>>
    tpu.enqueue_indirect_dma source(%dma_start3A_33 : memref<10000x128xf32, #tpu.memory_space<hbm>>) target(%arg9 : memref<50x128xf32, #tpu.memory_space<vmem>>) offsets(%dma_start3A_30 : memref<50xi32, #tpu.memory_space<vmem>>) semaphore(%arg19 : memref<!tpu.dma_semaphore, #tpu.memory_space<semaphore_mem>>)
    %dma_start3A_34 = arith.constant 1 : i32
    %dma_start3A_35 = arith.constant 0 : i32
    %dma_start3A_36 = tpu.memref_slice %arg5[%dma_start3A_34, %dma_start3A_35] : memref<8x50xi32, #tpu.memory_space<vmem>> -> memref<1x50xi32, #tpu.memory_space<vmem>>
    %dma_start3A_37 = tpu.memref_squeeze %dma_start3A_36 : memref<1x50xi32, #tpu.memory_space<vmem>> -> memref<50xi32, #tpu.memory_space<vmem>>
    %dma_start3A_38 = arith.constant 0 : i32
    %dma_start3A_39 = arith.constant 0 : i32
    %dma_start3A_40 = tpu.memref_slice %arg2[%dma_start3A_38, %dma_start3A_39] : memref<10000x128xf32, #tpu.memory_space<hbm>> -> memref<10000x128xf32, #tpu.memory_space<hbm>>
    tpu.enqueue_indirect_dma source(%dma_start3A_40 : memref<10000x128xf32, #tpu.memory_space<hbm>>) target(%arg10 : memref<50x128xf32, #tpu.memory_space<vmem>>) offsets(%dma_start3A_37 : memref<50xi32, #tpu.memory_space<vmem>>) semaphore(%arg20 : memref<!tpu.dma_semaphore, #tpu.memory_space<semaphore_mem>>)
    %dma_start3A_41 = arith.constant 2 : i32
    %dma_start3A_42 = arith.constant 0 : i32
    %dma_start3A_43 = tpu.memref_slice %arg5[%dma_start3A_41, %dma_start3A_42] : memref<8x50xi32, #tpu.memory_space<vmem>> -> memref<1x50xi32, #tpu.memory_space<vmem>>
    %dma_start3A_44 = tpu.memref_squeeze %dma_start3A_43 : memref<1x50xi32, #tpu.memory_space<vmem>> -> memref<50xi32, #tpu.memory_space<vmem>>
    %dma_start3A_45 = arith.constant 0 : i32
    %dma_start3A_46 = arith.constant 0 : i32
    %dma_start3A_47 = tpu.memref_slice %arg2[%dma_start3A_45, %dma_start3A_46] : memref<10000x128xf32, #tpu.memory_space<hbm>> -> memref<10000x128xf32, #tpu.memory_space<hbm>>
    tpu.enqueue_indirect_dma source(%dma_start3A_47 : memref<10000x128xf32, #tpu.memory_space<hbm>>) target(%arg11 : memref<50x128xf32, #tpu.memory_space<vmem>>) offsets(%dma_start3A_44 : memref<50xi32, #tpu.memory_space<vmem>>) semaphore(%arg21 : memref<!tpu.dma_semaphore, #tpu.memory_space<semaphore_mem>>)
    %scan3A_48 = arith.constant 0 : i32
    %scan3A_49 = arith.constant 12 : i32
    %scan3A_50 = arith.addi %scan3A_48, %scan3A_49 : i32
    %scan3A_51 = arith.constant 1 : i32
    scf.for %scan3A_270 = %scan3A_48 to %scan3A_50 step %scan3A_51  : i32 {
      %mul3A_271 = arith.constant 16 : i32
      %mul3A_272 = arith.muli %scan3A_270, %mul3A_271 : i32
      %add3A_273 = arith.constant 0 : i32
      %add3A_274 = arith.addi %add3A_273, %mul3A_272 : i32
      %dma_wait3A_275 = arith.constant 0 : i32
      %dma_wait3A_276 = arith.constant 0 : i32
      %dma_wait3A_277 = tpu.memref_slice %arg5[%dma_wait3A_275, %dma_wait3A_276] : memref<8x50xi32, #tpu.memory_space<vmem>> -> memref<1x50xi32, #tpu.memory_space<vmem>>
      %dma_wait3A_278 = tpu.memref_squeeze %dma_wait3A_277 : memref<1x50xi32, #tpu.memory_space<vmem>> -> memref<50xi32, #tpu.memory_space<vmem>>
      %dma_wait3A_279 = arith.constant 0 : i32
      %dma_wait3A_280 = arith.constant 0 : i32
      %dma_wait3A_281 = tpu.memref_slice %arg2[%dma_wait3A_279, %dma_wait3A_280] : memref<10000x128xf32, #tpu.memory_space<hbm>> -> memref<10000x128xf32, #tpu.memory_space<hbm>>
      tpu.wait_indirect_dma semaphore(%arg19 : memref<!tpu.dma_semaphore, #tpu.memory_space<semaphore_mem>>) src(%dma_wait3A_281 : memref<10000x128xf32, #tpu.memory_space<hbm>>) dst(%arg9 : memref<50x128xf32, #tpu.memory_space<vmem>>)
      %dma_start3A_282 = arith.constant 0 : i32
      %dma_start3A_283 = arith.constant 0 : i32
      %dma_start3A_284 = tpu.memref_slice %arg6[%dma_start3A_282, %dma_start3A_283] : memref<8x50xi32, #tpu.memory_space<vmem>> -> memref<1x50xi32, #tpu.memory_space<vmem>>
      %dma_start3A_285 = tpu.memref_squeeze %dma_start3A_284 : memref<1x50xi32, #tpu.memory_space<vmem>> -> memref<50xi32, #tpu.memory_space<vmem>>
      %dma_start3A_286 = arith.constant 0 : i32
      %dma_start3A_287 = arith.constant 0 : i32
      %dma_start3A_288 = tpu.memref_slice %arg14[%dma_start3A_286, %dma_start3A_287] : memref<10000x128xf32, #tpu.memory_space<vmem_shared>> -> memref<10000x128xf32, #tpu.memory_space<vmem_shared>>
      tpu.enqueue_indirect_dma source(%arg9 : memref<50x128xf32, #tpu.memory_space<vmem>>) target(%dma_start3A_288 : memref<10000x128xf32, #tpu.memory_space<vmem_shared>>) offsets(%dma_start3A_285 : memref<50xi32, #tpu.memory_space<vmem>>) semaphore(%arg23 : memref<!tpu.dma_semaphore, #tpu.memory_space<semaphore_mem>>) {add = true}
      %ge3A = arith.constant 1 : i32
      %ge3A_289 = arith.cmpi sge, %add3A_274, %ge3A : i32
      %convert_element_type3A_290 = arith.extui %ge3A_289 : i1 to i32
      %cond3A_291 = arith.constant 0 : i32
      %cond3A_292 = arith.cmpi ne, %convert_element_type3A_290, %cond3A_291 : i32
      scf.if %cond3A_292 {
        %dma_wait3A_762 = arith.constant 7 : i32
        %dma_wait3A_763 = arith.constant 0 : i32
        %dma_wait3A_764 = tpu.memref_slice %arg8[%dma_wait3A_762, %dma_wait3A_763] : memref<8x50xi32, #tpu.memory_space<vmem>> -> memref<1x50xi32, #tpu.memory_space<vmem>>
        %dma_wait3A_765 = tpu.memref_squeeze %dma_wait3A_764 : memref<1x50xi32, #tpu.memory_space<vmem>> -> memref<50xi32, #tpu.memory_space<vmem>>
        %dma_wait3A_766 = arith.constant 0 : i32
        %dma_wait3A_767 = arith.constant 0 : i32
        %dma_wait3A_768 = tpu.memref_slice %arg14[%dma_wait3A_766, %dma_wait3A_767] : memref<10000x128xf32, #tpu.memory_space<vmem_shared>> -> memref<10000x128xf32, #tpu.memory_space<vmem_shared>>
        tpu.wait_indirect_dma semaphore(%arg26 : memref<!tpu.dma_semaphore, #tpu.memory_space<semaphore_mem>>) src(%arg12 : memref<50x128xf32, #tpu.memory_space<vmem>>) dst(%dma_wait3A_768 : memref<10000x128xf32, #tpu.memory_space<vmem_shared>>)
      } else {
      }
      %dma_start3A_293 = arith.constant 3 : i32
      %dma_start3A_294 = arith.constant 0 : i32
      %dma_start3A_295 = tpu.memref_slice %arg5[%dma_start3A_293, %dma_start3A_294] : memref<8x50xi32, #tpu.memory_space<vmem>> -> memref<1x50xi32, #tpu.memory_space<vmem>>
      %dma_start3A_296 = tpu.memref_squeeze %dma_start3A_295 : memref<1x50xi32, #tpu.memory_space<vmem>> -> memref<50xi32, #tpu.memory_space<vmem>>
      %dma_start3A_297 = arith.constant 0 : i32
      %dma_start3A_298 = arith.constant 0 : i32
      %dma_start3A_299 = tpu.memref_slice %arg2[%dma_start3A_297, %dma_start3A_298] : memref<10000x128xf32, #tpu.memory_space<hbm>> -> memref<10000x128xf32, #tpu.memory_space<hbm>>
      tpu.enqueue_indirect_dma source(%dma_start3A_299 : memref<10000x128xf32, #tpu.memory_space<hbm>>) target(%arg12 : memref<50x128xf32, #tpu.memory_space<vmem>>) offsets(%dma_start3A_296 : memref<50xi32, #tpu.memory_space<vmem>>) semaphore(%arg22 : memref<!tpu.dma_semaphore, #tpu.memory_space<semaphore_mem>>)
      %dma_wait3A_300 = arith.constant 1 : i32
      %dma_wait3A_301 = arith.constant 0 : i32
      %dma_wait3A_302 = tpu.memref_slice %arg5[%dma_wait3A_300, %dma_wait3A_301] : memref<8x50xi32, #tpu.memory_space<vmem>> -> memref<1x50xi32, #tpu.memory_space<vmem>>
      %dma_wait3A_303 = tpu.memref_squeeze %dma_wait3A_302 : memref<1x50xi32, #tpu.memory_space<vmem>> -> memref<50xi32, #tpu.memory_space<vmem>>
      %dma_wait3A_304 = arith.constant 0 : i32
      %dma_wait3A_305 = arith.constant 0 : i32
      %dma_wait3A_306 = tpu.memref_slice %arg2[%dma_wait3A_304, %dma_wait3A_305] : memref<10000x128xf32, #tpu.memory_space<hbm>> -> memref<10000x128xf32, #tpu.memory_space<hbm>>
      tpu.wait_indirect_dma semaphore(%arg20 : memref<!tpu.dma_semaphore, #tpu.memory_space<semaphore_mem>>) src(%dma_wait3A_306 : memref<10000x128xf32, #tpu.memory_space<hbm>>) dst(%arg10 : memref<50x128xf32, #tpu.memory_space<vmem>>)
      %dma_start3A_307 = arith.constant 1 : i32
      %dma_start3A_308 = arith.constant 0 : i32
      %dma_start3A_309 = tpu.memref_slice %arg6[%dma_start3A_307, %dma_start3A_308] : memref<8x50xi32, #tpu.memory_space<vmem>> -> memref<1x50xi32, #tpu.memory_space<vmem>>
      %dma_start3A_310 = tpu.memref_squeeze %dma_start3A_309 : memref<1x50xi32, #tpu.memory_space<vmem>> -> memref<50xi32, #tpu.memory_space<vmem>>
      %dma_start3A_311 = arith.constant 0 : i32
      %dma_start3A_312 = arith.constant 0 : i32
      %dma_start3A_313 = tpu.memref_slice %arg14[%dma_start3A_311, %dma_start3A_312] : memref<10000x128xf32, #tpu.memory_space<vmem_shared>> -> memref<10000x128xf32, #tpu.memory_space<vmem_shared>>
      tpu.enqueue_indirect_dma source(%arg10 : memref<50x128xf32, #tpu.memory_space<vmem>>) target(%dma_start3A_313 : memref<10000x128xf32, #tpu.memory_space<vmem_shared>>) offsets(%dma_start3A_310 : memref<50xi32, #tpu.memory_space<vmem>>) semaphore(%arg24 : memref<!tpu.dma_semaphore, #tpu.memory_space<semaphore_mem>>) {add = true}
      %dma_wait3A_314 = arith.constant 0 : i32
      %dma_wait3A_315 = arith.constant 0 : i32
      %dma_wait3A_316 = tpu.memref_slice %arg6[%dma_wait3A_314, %dma_wait3A_315] : memref<8x50xi32, #tpu.memory_space<vmem>> -> memref<1x50xi32, #tpu.memory_space<vmem>>
      %dma_wait3A_317 = tpu.memref_squeeze %dma_wait3A_316 : memref<1x50xi32, #tpu.memory_space<vmem>> -> memref<50xi32, #tpu.memory_space<vmem>>
      %dma_wait3A_318 = arith.constant 0 : i32
      %dma_wait3A_319 = arith.constant 0 : i32
      %dma_wait3A_320 = tpu.memref_slice %arg14[%dma_wait3A_318, %dma_wait3A_319] : memref<10000x128xf32, #tpu.memory_space<vmem_shared>> -> memref<10000x128xf32, #tpu.memory_space<vmem_shared>>
      tpu.wait_indirect_dma semaphore(%arg23 : memref<!tpu.dma_semaphore, #tpu.memory_space<semaphore_mem>>) src(%arg9 : memref<50x128xf32, #tpu.memory_space<vmem>>) dst(%dma_wait3A_320 : memref<10000x128xf32, #tpu.memory_space<vmem_shared>>)
      %ge3A_321 = arith.constant 1 : i32
      %ge3A_322 = arith.cmpi sge, %add3A_274, %ge3A_321 : i32
      %convert_element_type3A_323 = arith.extui %ge3A_322 : i1 to i32
      %cond3A_324 = arith.constant 0 : i32
      %cond3A_325 = arith.cmpi ne, %convert_element_type3A_323, %cond3A_324 : i32
      scf.if %cond3A_325 {
        %add3A_762 = arith.constant 8 : i32
        %add3A_763 = arith.addi %add3A_274, %add3A_762 : i32
        %dma_start3A_764 = arith.constant 0 : i32
        %dma_start3A_765 = arith.constant 0 : i32
        %dma_start3A_766 = tpu.memref_slice %arg3[%dma_start3A_764, %add3A, %add3A_763, %dma_start3A_765] : memref<2x32x200x50xi32, #tpu.memory_space<hbm>> -> memref<1x1x8x50xi32, #tpu.memory_space<hbm>>
        %dma_start3A_767 = tpu.memref_squeeze %dma_start3A_766 : memref<1x1x8x50xi32, #tpu.memory_space<hbm>> -> memref<8x50xi32, #tpu.memory_space<hbm>>
        %dma_start3A_768 = arith.constant 0 : i32
        %dma_start3A_769 = tpu.memref_slice %arg3[%dma_start3A_764, %add3A, %add3A_763, %dma_start3A_768] : memref<2x32x200x50xi32, #tpu.memory_space<hbm>> -> memref<1x1x8x50xi32, #tpu.memory_space<hbm>>
        %dma_start3A_770 = tpu.memref_squeeze %dma_start3A_769 : memref<1x1x8x50xi32, #tpu.memory_space<hbm>> -> memref<8x50xi32, #tpu.memory_space<hbm>>
        tpu.enqueue_dma source(%dma_start3A_770 : memref<8x50xi32, #tpu.memory_space<hbm>>) target(%arg7 : memref<8x50xi32, #tpu.memory_space<vmem>>) target_semaphore(%arg17 : memref<!tpu.dma_semaphore, #tpu.memory_space<semaphore_mem>>)
        %dma_start3A_771 = arith.constant 1 : i32
        %dma_start3A_772 = arith.constant 0 : i32
        %dma_start3A_773 = tpu.memref_slice %arg3[%dma_start3A_771, %add3A, %add3A_763, %dma_start3A_772] : memref<2x32x200x50xi32, #tpu.memory_space<hbm>> -> memref<1x1x8x50xi32, #tpu.memory_space<hbm>>
        %dma_start3A_774 = tpu.memref_squeeze %dma_start3A_773 : memref<1x1x8x50xi32, #tpu.memory_space<hbm>> -> memref<8x50xi32, #tpu.memory_space<hbm>>
        %dma_start3A_775 = arith.constant 0 : i32
        %dma_start3A_776 = tpu.memref_slice %arg3[%dma_start3A_771, %add3A, %add3A_763, %dma_start3A_775] : memref<2x32x200x50xi32, #tpu.memory_space<hbm>> -> memref<1x1x8x50xi32, #tpu.memory_space<hbm>>
        %dma_start3A_777 = tpu.memref_squeeze %dma_start3A_776 : memref<1x1x8x50xi32, #tpu.memory_space<hbm>> -> memref<8x50xi32, #tpu.memory_space<hbm>>
        tpu.enqueue_dma source(%dma_start3A_777 : memref<8x50xi32, #tpu.memory_space<hbm>>) target(%arg8 : memref<8x50xi32, #tpu.memory_space<vmem>>) target_semaphore(%arg18 : memref<!tpu.dma_semaphore, #tpu.memory_space<semaphore_mem>>)
      } else {
      }
      %dma_start3A_326 = arith.constant 4 : i32
      %dma_start3A_327 = arith.constant 0 : i32
      %dma_start3A_328 = tpu.memref_slice %arg5[%dma_start3A_326, %dma_start3A_327] : memref<8x50xi32, #tpu.memory_space<vmem>> -> memref<1x50xi32, #tpu.memory_space<vmem>>
      %dma_start3A_329 = tpu.memref_squeeze %dma_start3A_328 : memref<1x50xi32, #tpu.memory_space<vmem>> -> memref<50xi32, #tpu.memory_space<vmem>>
      %dma_start3A_330 = arith.constant 0 : i32
      %dma_start3A_331 = arith.constant 0 : i32
      %dma_start3A_332 = tpu.memref_slice %arg2[%dma_start3A_330, %dma_start3A_331] : memref<10000x128xf32, #tpu.memory_space<hbm>> -> memref<10000x128xf32, #tpu.memory_space<hbm>>
      tpu.enqueue_indirect_dma source(%dma_start3A_332 : memref<10000x128xf32, #tpu.memory_space<hbm>>) target(%arg9 : memref<50x128xf32, #tpu.memory_space<vmem>>) offsets(%dma_start3A_329 : memref<50xi32, #tpu.memory_space<vmem>>) semaphore(%arg19 : memref<!tpu.dma_semaphore, #tpu.memory_space<semaphore_mem>>)
      %dma_wait3A_333 = arith.constant 2 : i32
      %dma_wait3A_334 = arith.constant 0 : i32
      %dma_wait3A_335 = tpu.memref_slice %arg5[%dma_wait3A_333, %dma_wait3A_334] : memref<8x50xi32, #tpu.memory_space<vmem>> -> memref<1x50xi32, #tpu.memory_space<vmem>>
      %dma_wait3A_336 = tpu.memref_squeeze %dma_wait3A_335 : memref<1x50xi32, #tpu.memory_space<vmem>> -> memref<50xi32, #tpu.memory_space<vmem>>
      %dma_wait3A_337 = arith.constant 0 : i32
      %dma_wait3A_338 = arith.constant 0 : i32
      %dma_wait3A_339 = tpu.memref_slice %arg2[%dma_wait3A_337, %dma_wait3A_338] : memref<10000x128xf32, #tpu.memory_space<hbm>> -> memref<10000x128xf32, #tpu.memory_space<hbm>>
      tpu.wait_indirect_dma semaphore(%arg21 : memref<!tpu.dma_semaphore, #tpu.memory_space<semaphore_mem>>) src(%dma_wait3A_339 : memref<10000x128xf32, #tpu.memory_space<hbm>>) dst(%arg11 : memref<50x128xf32, #tpu.memory_space<vmem>>)
      %dma_start3A_340 = arith.constant 2 : i32
      %dma_start3A_341 = arith.constant 0 : i32
      %dma_start3A_342 = tpu.memref_slice %arg6[%dma_start3A_340, %dma_start3A_341] : memref<8x50xi32, #tpu.memory_space<vmem>> -> memref<1x50xi32, #tpu.memory_space<vmem>>
      %dma_start3A_343 = tpu.memref_squeeze %dma_start3A_342 : memref<1x50xi32, #tpu.memory_space<vmem>> -> memref<50xi32, #tpu.memory_space<vmem>>
      %dma_start3A_344 = arith.constant 0 : i32
      %dma_start3A_345 = arith.constant 0 : i32
      %dma_start3A_346 = tpu.memref_slice %arg14[%dma_start3A_344, %dma_start3A_345] : memref<10000x128xf32, #tpu.memory_space<vmem_shared>> -> memref<10000x128xf32, #tpu.memory_space<vmem_shared>>
      tpu.enqueue_indirect_dma source(%arg11 : memref<50x128xf32, #tpu.memory_space<vmem>>) target(%dma_start3A_346 : memref<10000x128xf32, #tpu.memory_space<vmem_shared>>) offsets(%dma_start3A_343 : memref<50xi32, #tpu.memory_space<vmem>>) semaphore(%arg25 : memref<!tpu.dma_semaphore, #tpu.memory_space<semaphore_mem>>) {add = true}
      %dma_wait3A_347 = arith.constant 1 : i32
      %dma_wait3A_348 = arith.constant 0 : i32
      %dma_wait3A_349 = tpu.memref_slice %arg6[%dma_wait3A_347, %dma_wait3A_348] : memref<8x50xi32, #tpu.memory_space<vmem>> -> memref<1x50xi32, #tpu.memory_space<vmem>>
      %dma_wait3A_350 = tpu.memref_squeeze %dma_wait3A_349 : memref<1x50xi32, #tpu.memory_space<vmem>> -> memref<50xi32, #tpu.memory_space<vmem>>
      %dma_wait3A_351 = arith.constant 0 : i32
      %dma_wait3A_352 = arith.constant 0 : i32
      %dma_wait3A_353 = tpu.memref_slice %arg14[%dma_wait3A_351, %dma_wait3A_352] : memref<10000x128xf32, #tpu.memory_space<vmem_shared>> -> memref<10000x128xf32, #tpu.memory_space<vmem_shared>>
      tpu.wait_indirect_dma semaphore(%arg24 : memref<!tpu.dma_semaphore, #tpu.memory_space<semaphore_mem>>) src(%arg10 : memref<50x128xf32, #tpu.memory_space<vmem>>) dst(%dma_wait3A_353 : memref<10000x128xf32, #tpu.memory_space<vmem_shared>>)
      %dma_start3A_354 = arith.constant 5 : i32
      %dma_start3A_355 = arith.constant 0 : i32
      %dma_start3A_356 = tpu.memref_slice %arg5[%dma_start3A_354, %dma_start3A_355] : memref<8x50xi32, #tpu.memory_space<vmem>> -> memref<1x50xi32, #tpu.memory_space<vmem>>
      %dma_start3A_357 = tpu.memref_squeeze %dma_start3A_356 : memref<1x50xi32, #tpu.memory_space<vmem>> -> memref<50xi32, #tpu.memory_space<vmem>>
      %dma_start3A_358 = arith.constant 0 : i32
      %dma_start3A_359 = arith.constant 0 : i32
      %dma_start3A_360 = tpu.memref_slice %arg2[%dma_start3A_358, %dma_start3A_359] : memref<10000x128xf32, #tpu.memory_space<hbm>> -> memref<10000x128xf32, #tpu.memory_space<hbm>>
      tpu.enqueue_indirect_dma source(%dma_start3A_360 : memref<10000x128xf32, #tpu.memory_space<hbm>>) target(%arg10 : memref<50x128xf32, #tpu.memory_space<vmem>>) offsets(%dma_start3A_357 : memref<50xi32, #tpu.memory_space<vmem>>) semaphore(%arg20 : memref<!tpu.dma_semaphore, #tpu.memory_space<semaphore_mem>>)
      %dma_wait3A_361 = arith.constant 3 : i32
      %dma_wait3A_362 = arith.constant 0 : i32
      %dma_wait3A_363 = tpu.memref_slice %arg5[%dma_wait3A_361, %dma_wait3A_362] : memref<8x50xi32, #tpu.memory_space<vmem>> -> memref<1x50xi32, #tpu.memory_space<vmem>>
      %dma_wait3A_364 = tpu.memref_squeeze %dma_wait3A_363 : memref<1x50xi32, #tpu.memory_space<vmem>> -> memref<50xi32, #tpu.memory_space<vmem>>
      %dma_wait3A_365 = arith.constant 0 : i32
      %dma_wait3A_366 = arith.constant 0 : i32
      %dma_wait3A_367 = tpu.memref_slice %arg2[%dma_wait3A_365, %dma_wait3A_366] : memref<10000x128xf32, #tpu.memory_space<hbm>> -> memref<10000x128xf32, #tpu.memory_space<hbm>>
      tpu.wait_indirect_dma semaphore(%arg22 : memref<!tpu.dma_semaphore, #tpu.memory_space<semaphore_mem>>) src(%dma_wait3A_367 : memref<10000x128xf32, #tpu.memory_space<hbm>>) dst(%arg12 : memref<50x128xf32, #tpu.memory_space<vmem>>)
      %dma_start3A_368 = arith.constant 3 : i32
      %dma_start3A_369 = arith.constant 0 : i32
      %dma_start3A_370 = tpu.memref_slice %arg6[%dma_start3A_368, %dma_start3A_369] : memref<8x50xi32, #tpu.memory_space<vmem>> -> memref<1x50xi32, #tpu.memory_space<vmem>>
      %dma_start3A_371 = tpu.memref_squeeze %dma_start3A_370 : memref<1x50xi32, #tpu.memory_space<vmem>> -> memref<50xi32, #tpu.memory_space<vmem>>
      %dma_start3A_372 = arith.constant 0 : i32
      %dma_start3A_373 = arith.constant 0 : i32
      %dma_start3A_374 = tpu.memref_slice %arg14[%dma_start3A_372, %dma_start3A_373] : memref<10000x128xf32, #tpu.memory_space<vmem_shared>> -> memref<10000x128xf32, #tpu.memory_space<vmem_shared>>
      tpu.enqueue_indirect_dma source(%arg12 : memref<50x128xf32, #tpu.memory_space<vmem>>) target(%dma_start3A_374 : memref<10000x128xf32, #tpu.memory_space<vmem_shared>>) offsets(%dma_start3A_371 : memref<50xi32, #tpu.memory_space<vmem>>) semaphore(%arg26 : memref<!tpu.dma_semaphore, #tpu.memory_space<semaphore_mem>>) {add = true}
      %dma_wait3A_375 = arith.constant 2 : i32
      %dma_wait3A_376 = arith.constant 0 : i32
      %dma_wait3A_377 = tpu.memref_slice %arg6[%dma_wait3A_375, %dma_wait3A_376] : memref<8x50xi32, #tpu.memory_space<vmem>> -> memref<1x50xi32, #tpu.memory_space<vmem>>
      %dma_wait3A_378 = tpu.memref_squeeze %dma_wait3A_377 : memref<1x50xi32, #tpu.memory_space<vmem>> -> memref<50xi32, #tpu.memory_space<vmem>>
      %dma_wait3A_379 = arith.constant 0 : i32
      %dma_wait3A_380 = arith.constant 0 : i32
      %dma_wait3A_381 = tpu.memref_slice %arg14[%dma_wait3A_379, %dma_wait3A_380] : memref<10000x128xf32, #tpu.memory_space<vmem_shared>> -> memref<10000x128xf32, #tpu.memory_space<vmem_shared>>
      tpu.wait_indirect_dma semaphore(%arg25 : memref<!tpu.dma_semaphore, #tpu.memory_space<semaphore_mem>>) src(%arg11 : memref<50x128xf32, #tpu.memory_space<vmem>>) dst(%dma_wait3A_381 : memref<10000x128xf32, #tpu.memory_space<vmem_shared>>)
      %dma_start3A_382 = arith.constant 6 : i32
      %dma_start3A_383 = arith.constant 0 : i32
      %dma_start3A_384 = tpu.memref_slice %arg5[%dma_start3A_382, %dma_start3A_383] : memref<8x50xi32, #tpu.memory_space<vmem>> -> memref<1x50xi32, #tpu.memory_space<vmem>>
      %dma_start3A_385 = tpu.memref_squeeze %dma_start3A_384 : memref<1x50xi32, #tpu.memory_space<vmem>> -> memref<50xi32, #tpu.memory_space<vmem>>
      %dma_start3A_386 = arith.constant 0 : i32
      %dma_start3A_387 = arith.constant 0 : i32
      %dma_start3A_388 = tpu.memref_slice %arg2[%dma_start3A_386, %dma_start3A_387] : memref<10000x128xf32, #tpu.memory_space<hbm>> -> memref<10000x128xf32, #tpu.memory_space<hbm>>
      tpu.enqueue_indirect_dma source(%dma_start3A_388 : memref<10000x128xf32, #tpu.memory_space<hbm>>) target(%arg11 : memref<50x128xf32, #tpu.memory_space<vmem>>) offsets(%dma_start3A_385 : memref<50xi32, #tpu.memory_space<vmem>>) semaphore(%arg21 : memref<!tpu.dma_semaphore, #tpu.memory_space<semaphore_mem>>)
      %dma_wait3A_389 = arith.constant 4 : i32
      %dma_wait3A_390 = arith.constant 0 : i32
      %dma_wait3A_391 = tpu.memref_slice %arg5[%dma_wait3A_389, %dma_wait3A_390] : memref<8x50xi32, #tpu.memory_space<vmem>> -> memref<1x50xi32, #tpu.memory_space<vmem>>
      %dma_wait3A_392 = tpu.memref_squeeze %dma_wait3A_391 : memref<1x50xi32, #tpu.memory_space<vmem>> -> memref<50xi32, #tpu.memory_space<vmem>>
      %dma_wait3A_393 = arith.constant 0 : i32
      %dma_wait3A_394 = arith.constant 0 : i32
      %dma_wait3A_395 = tpu.memref_slice %arg2[%dma_wait3A_393, %dma_wait3A_394] : memref<10000x128xf32, #tpu.memory_space<hbm>> -> memref<10000x128xf32, #tpu.memory_space<hbm>>
      tpu.wait_indirect_dma semaphore(%arg19 : memref<!tpu.dma_semaphore, #tpu.memory_space<semaphore_mem>>) src(%dma_wait3A_395 : memref<10000x128xf32, #tpu.memory_space<hbm>>) dst(%arg9 : memref<50x128xf32, #tpu.memory_space<vmem>>)
      %dma_start3A_396 = arith.constant 4 : i32
      %dma_start3A_397 = arith.constant 0 : i32
      %dma_start3A_398 = tpu.memref_slice %arg6[%dma_start3A_396, %dma_start3A_397] : memref<8x50xi32, #tpu.memory_space<vmem>> -> memref<1x50xi32, #tpu.memory_space<vmem>>
      %dma_start3A_399 = tpu.memref_squeeze %dma_start3A_398 : memref<1x50xi32, #tpu.memory_space<vmem>> -> memref<50xi32, #tpu.memory_space<vmem>>
      %dma_start3A_400 = arith.constant 0 : i32
      %dma_start3A_401 = arith.constant 0 : i32
      %dma_start3A_402 = tpu.memref_slice %arg14[%dma_start3A_400, %dma_start3A_401] : memref<10000x128xf32, #tpu.memory_space<vmem_shared>> -> memref<10000x128xf32, #tpu.memory_space<vmem_shared>>
      tpu.enqueue_indirect_dma source(%arg9 : memref<50x128xf32, #tpu.memory_space<vmem>>) target(%dma_start3A_402 : memref<10000x128xf32, #tpu.memory_space<vmem_shared>>) offsets(%dma_start3A_399 : memref<50xi32, #tpu.memory_space<vmem>>) semaphore(%arg23 : memref<!tpu.dma_semaphore, #tpu.memory_space<semaphore_mem>>) {add = true}
      %dma_wait3A_403 = arith.constant 3 : i32
      %dma_wait3A_404 = arith.constant 0 : i32
      %dma_wait3A_405 = tpu.memref_slice %arg6[%dma_wait3A_403, %dma_wait3A_404] : memref<8x50xi32, #tpu.memory_space<vmem>> -> memref<1x50xi32, #tpu.memory_space<vmem>>
      %dma_wait3A_406 = tpu.memref_squeeze %dma_wait3A_405 : memref<1x50xi32, #tpu.memory_space<vmem>> -> memref<50xi32, #tpu.memory_space<vmem>>
      %dma_wait3A_407 = arith.constant 0 : i32
      %dma_wait3A_408 = arith.constant 0 : i32
      %dma_wait3A_409 = tpu.memref_slice %arg14[%dma_wait3A_407, %dma_wait3A_408] : memref<10000x128xf32, #tpu.memory_space<vmem_shared>> -> memref<10000x128xf32, #tpu.memory_space<vmem_shared>>
      tpu.wait_indirect_dma semaphore(%arg26 : memref<!tpu.dma_semaphore, #tpu.memory_space<semaphore_mem>>) src(%arg12 : memref<50x128xf32, #tpu.memory_space<vmem>>) dst(%dma_wait3A_409 : memref<10000x128xf32, #tpu.memory_space<vmem_shared>>)
      %dma_start3A_410 = arith.constant 7 : i32
      %dma_start3A_411 = arith.constant 0 : i32
      %dma_start3A_412 = tpu.memref_slice %arg5[%dma_start3A_410, %dma_start3A_411] : memref<8x50xi32, #tpu.memory_space<vmem>> -> memref<1x50xi32, #tpu.memory_space<vmem>>
      %dma_start3A_413 = tpu.memref_squeeze %dma_start3A_412 : memref<1x50xi32, #tpu.memory_space<vmem>> -> memref<50xi32, #tpu.memory_space<vmem>>
      %dma_start3A_414 = arith.constant 0 : i32
      %dma_start3A_415 = arith.constant 0 : i32
      %dma_start3A_416 = tpu.memref_slice %arg2[%dma_start3A_414, %dma_start3A_415] : memref<10000x128xf32, #tpu.memory_space<hbm>> -> memref<10000x128xf32, #tpu.memory_space<hbm>>
      tpu.enqueue_indirect_dma source(%dma_start3A_416 : memref<10000x128xf32, #tpu.memory_space<hbm>>) target(%arg12 : memref<50x128xf32, #tpu.memory_space<vmem>>) offsets(%dma_start3A_413 : memref<50xi32, #tpu.memory_space<vmem>>) semaphore(%arg22 : memref<!tpu.dma_semaphore, #tpu.memory_space<semaphore_mem>>)
      %dma_wait3A_417 = arith.constant 5 : i32
      %dma_wait3A_418 = arith.constant 0 : i32
      %dma_wait3A_419 = tpu.memref_slice %arg5[%dma_wait3A_417, %dma_wait3A_418] : memref<8x50xi32, #tpu.memory_space<vmem>> -> memref<1x50xi32, #tpu.memory_space<vmem>>
      %dma_wait3A_420 = tpu.memref_squeeze %dma_wait3A_419 : memref<1x50xi32, #tpu.memory_space<vmem>> -> memref<50xi32, #tpu.memory_space<vmem>>
      %dma_wait3A_421 = arith.constant 0 : i32
      %dma_wait3A_422 = arith.constant 0 : i32
      %dma_wait3A_423 = tpu.memref_slice %arg2[%dma_wait3A_421, %dma_wait3A_422] : memref<10000x128xf32, #tpu.memory_space<hbm>> -> memref<10000x128xf32, #tpu.memory_space<hbm>>
      tpu.wait_indirect_dma semaphore(%arg20 : memref<!tpu.dma_semaphore, #tpu.memory_space<semaphore_mem>>) src(%dma_wait3A_423 : memref<10000x128xf32, #tpu.memory_space<hbm>>) dst(%arg10 : memref<50x128xf32, #tpu.memory_space<vmem>>)
      %dma_start3A_424 = arith.constant 5 : i32
      %dma_start3A_425 = arith.constant 0 : i32
      %dma_start3A_426 = tpu.memref_slice %arg6[%dma_start3A_424, %dma_start3A_425] : memref<8x50xi32, #tpu.memory_space<vmem>> -> memref<1x50xi32, #tpu.memory_space<vmem>>
      %dma_start3A_427 = tpu.memref_squeeze %dma_start3A_426 : memref<1x50xi32, #tpu.memory_space<vmem>> -> memref<50xi32, #tpu.memory_space<vmem>>
      %dma_start3A_428 = arith.constant 0 : i32
      %dma_start3A_429 = arith.constant 0 : i32
      %dma_start3A_430 = tpu.memref_slice %arg14[%dma_start3A_428, %dma_start3A_429] : memref<10000x128xf32, #tpu.memory_space<vmem_shared>> -> memref<10000x128xf32, #tpu.memory_space<vmem_shared>>
      tpu.enqueue_indirect_dma source(%arg10 : memref<50x128xf32, #tpu.memory_space<vmem>>) target(%dma_start3A_430 : memref<10000x128xf32, #tpu.memory_space<vmem_shared>>) offsets(%dma_start3A_427 : memref<50xi32, #tpu.memory_space<vmem>>) semaphore(%arg24 : memref<!tpu.dma_semaphore, #tpu.memory_space<semaphore_mem>>) {add = true}
      %dma_wait3A_431 = arith.constant 4 : i32
      %dma_wait3A_432 = arith.constant 0 : i32
      %dma_wait3A_433 = tpu.memref_slice %arg6[%dma_wait3A_431, %dma_wait3A_432] : memref<8x50xi32, #tpu.memory_space<vmem>> -> memref<1x50xi32, #tpu.memory_space<vmem>>
      %dma_wait3A_434 = tpu.memref_squeeze %dma_wait3A_433 : memref<1x50xi32, #tpu.memory_space<vmem>> -> memref<50xi32, #tpu.memory_space<vmem>>
      %dma_wait3A_435 = arith.constant 0 : i32
      %dma_wait3A_436 = arith.constant 0 : i32
      %dma_wait3A_437 = tpu.memref_slice %arg14[%dma_wait3A_435, %dma_wait3A_436] : memref<10000x128xf32, #tpu.memory_space<vmem_shared>> -> memref<10000x128xf32, #tpu.memory_space<vmem_shared>>
      tpu.wait_indirect_dma semaphore(%arg23 : memref<!tpu.dma_semaphore, #tpu.memory_space<semaphore_mem>>) src(%arg9 : memref<50x128xf32, #tpu.memory_space<vmem>>) dst(%dma_wait3A_437 : memref<10000x128xf32, #tpu.memory_space<vmem_shared>>)
      %ge3A_438 = arith.constant 1 : i32
      %ge3A_439 = arith.cmpi sge, %add3A_274, %ge3A_438 : i32
      %convert_element_type3A_440 = arith.extui %ge3A_439 : i1 to i32
      %cond3A_441 = arith.constant 0 : i32
      %cond3A_442 = arith.cmpi ne, %convert_element_type3A_440, %cond3A_441 : i32
      scf.if %cond3A_442 {
        %add3A_762 = arith.constant 8 : i32
        %add3A_763 = arith.addi %add3A_274, %add3A_762 : i32
        %dma_wait3A_764 = arith.constant 0 : i32
        %dma_wait3A_765 = arith.constant 0 : i32
        %dma_wait3A_766 = tpu.memref_slice %arg3[%dma_wait3A_764, %add3A, %add3A_763, %dma_wait3A_765] : memref<2x32x200x50xi32, #tpu.memory_space<hbm>> -> memref<1x1x8x50xi32, #tpu.memory_space<hbm>>
        %dma_wait3A_767 = tpu.memref_squeeze %dma_wait3A_766 : memref<1x1x8x50xi32, #tpu.memory_space<hbm>> -> memref<8x50xi32, #tpu.memory_space<hbm>>
        %dma_wait3A_768 = arith.constant 0 : i32
        %dma_wait3A_769 = tpu.memref_slice %arg3[%dma_wait3A_764, %add3A, %add3A_763, %dma_wait3A_768] : memref<2x32x200x50xi32, #tpu.memory_space<hbm>> -> memref<1x1x8x50xi32, #tpu.memory_space<hbm>>
        %dma_wait3A_770 = tpu.memref_squeeze %dma_wait3A_769 : memref<1x1x8x50xi32, #tpu.memory_space<hbm>> -> memref<8x50xi32, #tpu.memory_space<hbm>>
        tpu.wait_dma2 semaphore(%arg17 : memref<!tpu.dma_semaphore, #tpu.memory_space<semaphore_mem>>) src(%dma_wait3A_770 : memref<8x50xi32, #tpu.memory_space<hbm>>) dst(%arg7 : memref<8x50xi32, #tpu.memory_space<vmem>>)
        %dma_wait3A_771 = arith.constant 1 : i32
        %dma_wait3A_772 = arith.constant 0 : i32
        %dma_wait3A_773 = tpu.memref_slice %arg3[%dma_wait3A_771, %add3A, %add3A_763, %dma_wait3A_772] : memref<2x32x200x50xi32, #tpu.memory_space<hbm>> -> memref<1x1x8x50xi32, #tpu.memory_space<hbm>>
        %dma_wait3A_774 = tpu.memref_squeeze %dma_wait3A_773 : memref<1x1x8x50xi32, #tpu.memory_space<hbm>> -> memref<8x50xi32, #tpu.memory_space<hbm>>
        %dma_wait3A_775 = arith.constant 0 : i32
        %dma_wait3A_776 = tpu.memref_slice %arg3[%dma_wait3A_771, %add3A, %add3A_763, %dma_wait3A_775] : memref<2x32x200x50xi32, #tpu.memory_space<hbm>> -> memref<1x1x8x50xi32, #tpu.memory_space<hbm>>
        %dma_wait3A_777 = tpu.memref_squeeze %dma_wait3A_776 : memref<1x1x8x50xi32, #tpu.memory_space<hbm>> -> memref<8x50xi32, #tpu.memory_space<hbm>>
        tpu.wait_dma2 semaphore(%arg18 : memref<!tpu.dma_semaphore, #tpu.memory_space<semaphore_mem>>) src(%dma_wait3A_777 : memref<8x50xi32, #tpu.memory_space<hbm>>) dst(%arg8 : memref<8x50xi32, #tpu.memory_space<vmem>>)
      } else {
      }
      %dma_start3A_443 = arith.constant 0 : i32
      %dma_start3A_444 = arith.constant 0 : i32
      %dma_start3A_445 = tpu.memref_slice %arg7[%dma_start3A_443, %dma_start3A_444] : memref<8x50xi32, #tpu.memory_space<vmem>> -> memref<1x50xi32, #tpu.memory_space<vmem>>
      %dma_start3A_446 = tpu.memref_squeeze %dma_start3A_445 : memref<1x50xi32, #tpu.memory_space<vmem>> -> memref<50xi32, #tpu.memory_space<vmem>>
      %dma_start3A_447 = arith.constant 0 : i32
      %dma_start3A_448 = arith.constant 0 : i32
      %dma_start3A_449 = tpu.memref_slice %arg2[%dma_start3A_447, %dma_start3A_448] : memref<10000x128xf32, #tpu.memory_space<hbm>> -> memref<10000x128xf32, #tpu.memory_space<hbm>>
      tpu.enqueue_indirect_dma source(%dma_start3A_449 : memref<10000x128xf32, #tpu.memory_space<hbm>>) target(%arg9 : memref<50x128xf32, #tpu.memory_space<vmem>>) offsets(%dma_start3A_446 : memref<50xi32, #tpu.memory_space<vmem>>) semaphore(%arg19 : memref<!tpu.dma_semaphore, #tpu.memory_space<semaphore_mem>>)
      %dma_wait3A_450 = arith.constant 6 : i32
      %dma_wait3A_451 = arith.constant 0 : i32
      %dma_wait3A_452 = tpu.memref_slice %arg5[%dma_wait3A_450, %dma_wait3A_451] : memref<8x50xi32, #tpu.memory_space<vmem>> -> memref<1x50xi32, #tpu.memory_space<vmem>>
      %dma_wait3A_453 = tpu.memref_squeeze %dma_wait3A_452 : memref<1x50xi32, #tpu.memory_space<vmem>> -> memref<50xi32, #tpu.memory_space<vmem>>
      %dma_wait3A_454 = arith.constant 0 : i32
      %dma_wait3A_455 = arith.constant 0 : i32
      %dma_wait3A_456 = tpu.memref_slice %arg2[%dma_wait3A_454, %dma_wait3A_455] : memref<10000x128xf32, #tpu.memory_space<hbm>> -> memref<10000x128xf32, #tpu.memory_space<hbm>>
      tpu.wait_indirect_dma semaphore(%arg21 : memref<!tpu.dma_semaphore, #tpu.memory_space<semaphore_mem>>) src(%dma_wait3A_456 : memref<10000x128xf32, #tpu.memory_space<hbm>>) dst(%arg11 : memref<50x128xf32, #tpu.memory_space<vmem>>)
      %dma_start3A_457 = arith.constant 6 : i32
      %dma_start3A_458 = arith.constant 0 : i32
      %dma_start3A_459 = tpu.memref_slice %arg6[%dma_start3A_457, %dma_start3A_458] : memref<8x50xi32, #tpu.memory_space<vmem>> -> memref<1x50xi32, #tpu.memory_space<vmem>>
      %dma_start3A_460 = tpu.memref_squeeze %dma_start3A_459 : memref<1x50xi32, #tpu.memory_space<vmem>> -> memref<50xi32, #tpu.memory_space<vmem>>
      %dma_start3A_461 = arith.constant 0 : i32
      %dma_start3A_462 = arith.constant 0 : i32
      %dma_start3A_463 = tpu.memref_slice %arg14[%dma_start3A_461, %dma_start3A_462] : memref<10000x128xf32, #tpu.memory_space<vmem_shared>> -> memref<10000x128xf32, #tpu.memory_space<vmem_shared>>
      tpu.enqueue_indirect_dma source(%arg11 : memref<50x128xf32, #tpu.memory_space<vmem>>) target(%dma_start3A_463 : memref<10000x128xf32, #tpu.memory_space<vmem_shared>>) offsets(%dma_start3A_460 : memref<50xi32, #tpu.memory_space<vmem>>) semaphore(%arg25 : memref<!tpu.dma_semaphore, #tpu.memory_space<semaphore_mem>>) {add = true}
      %dma_wait3A_464 = arith.constant 5 : i32
      %dma_wait3A_465 = arith.constant 0 : i32
      %dma_wait3A_466 = tpu.memref_slice %arg6[%dma_wait3A_464, %dma_wait3A_465] : memref<8x50xi32, #tpu.memory_space<vmem>> -> memref<1x50xi32, #tpu.memory_space<vmem>>
      %dma_wait3A_467 = tpu.memref_squeeze %dma_wait3A_466 : memref<1x50xi32, #tpu.memory_space<vmem>> -> memref<50xi32, #tpu.memory_space<vmem>>
      %dma_wait3A_468 = arith.constant 0 : i32
      %dma_wait3A_469 = arith.constant 0 : i32
      %dma_wait3A_470 = tpu.memref_slice %arg14[%dma_wait3A_468, %dma_wait3A_469] : memref<10000x128xf32, #tpu.memory_space<vmem_shared>> -> memref<10000x128xf32, #tpu.memory_space<vmem_shared>>
      tpu.wait_indirect_dma semaphore(%arg24 : memref<!tpu.dma_semaphore, #tpu.memory_space<semaphore_mem>>) src(%arg10 : memref<50x128xf32, #tpu.memory_space<vmem>>) dst(%dma_wait3A_470 : memref<10000x128xf32, #tpu.memory_space<vmem_shared>>)
      %dma_start3A_471 = arith.constant 1 : i32
      %dma_start3A_472 = arith.constant 0 : i32
      %dma_start3A_473 = tpu.memref_slice %arg7[%dma_start3A_471, %dma_start3A_472] : memref<8x50xi32, #tpu.memory_space<vmem>> -> memref<1x50xi32, #tpu.memory_space<vmem>>
      %dma_start3A_474 = tpu.memref_squeeze %dma_start3A_473 : memref<1x50xi32, #tpu.memory_space<vmem>> -> memref<50xi32, #tpu.memory_space<vmem>>
      %dma_start3A_475 = arith.constant 0 : i32
      %dma_start3A_476 = arith.constant 0 : i32
      %dma_start3A_477 = tpu.memref_slice %arg2[%dma_start3A_475, %dma_start3A_476] : memref<10000x128xf32, #tpu.memory_space<hbm>> -> memref<10000x128xf32, #tpu.memory_space<hbm>>
      tpu.enqueue_indirect_dma source(%dma_start3A_477 : memref<10000x128xf32, #tpu.memory_space<hbm>>) target(%arg10 : memref<50x128xf32, #tpu.memory_space<vmem>>) offsets(%dma_start3A_474 : memref<50xi32, #tpu.memory_space<vmem>>) semaphore(%arg20 : memref<!tpu.dma_semaphore, #tpu.memory_space<semaphore_mem>>)
      %dma_wait3A_478 = arith.constant 7 : i32
      %dma_wait3A_479 = arith.constant 0 : i32
      %dma_wait3A_480 = tpu.memref_slice %arg5[%dma_wait3A_478, %dma_wait3A_479] : memref<8x50xi32, #tpu.memory_space<vmem>> -> memref<1x50xi32, #tpu.memory_space<vmem>>
      %dma_wait3A_481 = tpu.memref_squeeze %dma_wait3A_480 : memref<1x50xi32, #tpu.memory_space<vmem>> -> memref<50xi32, #tpu.memory_space<vmem>>
      %dma_wait3A_482 = arith.constant 0 : i32
      %dma_wait3A_483 = arith.constant 0 : i32
      %dma_wait3A_484 = tpu.memref_slice %arg2[%dma_wait3A_482, %dma_wait3A_483] : memref<10000x128xf32, #tpu.memory_space<hbm>> -> memref<10000x128xf32, #tpu.memory_space<hbm>>
      tpu.wait_indirect_dma semaphore(%arg22 : memref<!tpu.dma_semaphore, #tpu.memory_space<semaphore_mem>>) src(%dma_wait3A_484 : memref<10000x128xf32, #tpu.memory_space<hbm>>) dst(%arg12 : memref<50x128xf32, #tpu.memory_space<vmem>>)
      %dma_start3A_485 = arith.constant 7 : i32
      %dma_start3A_486 = arith.constant 0 : i32
      %dma_start3A_487 = tpu.memref_slice %arg6[%dma_start3A_485, %dma_start3A_486] : memref<8x50xi32, #tpu.memory_space<vmem>> -> memref<1x50xi32, #tpu.memory_space<vmem>>
      %dma_start3A_488 = tpu.memref_squeeze %dma_start3A_487 : memref<1x50xi32, #tpu.memory_space<vmem>> -> memref<50xi32, #tpu.memory_space<vmem>>
      %dma_start3A_489 = arith.constant 0 : i32
      %dma_start3A_490 = arith.constant 0 : i32
      %dma_start3A_491 = tpu.memref_slice %arg14[%dma_start3A_489, %dma_start3A_490] : memref<10000x128xf32, #tpu.memory_space<vmem_shared>> -> memref<10000x128xf32, #tpu.memory_space<vmem_shared>>
      tpu.enqueue_indirect_dma source(%arg12 : memref<50x128xf32, #tpu.memory_space<vmem>>) target(%dma_start3A_491 : memref<10000x128xf32, #tpu.memory_space<vmem_shared>>) offsets(%dma_start3A_488 : memref<50xi32, #tpu.memory_space<vmem>>) semaphore(%arg26 : memref<!tpu.dma_semaphore, #tpu.memory_space<semaphore_mem>>) {add = true}
      %dma_wait3A_492 = arith.constant 6 : i32
      %dma_wait3A_493 = arith.constant 0 : i32
      %dma_wait3A_494 = tpu.memref_slice %arg6[%dma_wait3A_492, %dma_wait3A_493] : memref<8x50xi32, #tpu.memory_space<vmem>> -> memref<1x50xi32, #tpu.memory_space<vmem>>
      %dma_wait3A_495 = tpu.memref_squeeze %dma_wait3A_494 : memref<1x50xi32, #tpu.memory_space<vmem>> -> memref<50xi32, #tpu.memory_space<vmem>>
      %dma_wait3A_496 = arith.constant 0 : i32
      %dma_wait3A_497 = arith.constant 0 : i32
      %dma_wait3A_498 = tpu.memref_slice %arg14[%dma_wait3A_496, %dma_wait3A_497] : memref<10000x128xf32, #tpu.memory_space<vmem_shared>> -> memref<10000x128xf32, #tpu.memory_space<vmem_shared>>
      tpu.wait_indirect_dma semaphore(%arg25 : memref<!tpu.dma_semaphore, #tpu.memory_space<semaphore_mem>>) src(%arg11 : memref<50x128xf32, #tpu.memory_space<vmem>>) dst(%dma_wait3A_498 : memref<10000x128xf32, #tpu.memory_space<vmem_shared>>)
      %dma_start3A_499 = arith.constant 2 : i32
      %dma_start3A_500 = arith.constant 0 : i32
      %dma_start3A_501 = tpu.memref_slice %arg7[%dma_start3A_499, %dma_start3A_500] : memref<8x50xi32, #tpu.memory_space<vmem>> -> memref<1x50xi32, #tpu.memory_space<vmem>>
      %dma_start3A_502 = tpu.memref_squeeze %dma_start3A_501 : memref<1x50xi32, #tpu.memory_space<vmem>> -> memref<50xi32, #tpu.memory_space<vmem>>
      %dma_start3A_503 = arith.constant 0 : i32
      %dma_start3A_504 = arith.constant 0 : i32
      %dma_start3A_505 = tpu.memref_slice %arg2[%dma_start3A_503, %dma_start3A_504] : memref<10000x128xf32, #tpu.memory_space<hbm>> -> memref<10000x128xf32, #tpu.memory_space<hbm>>
      tpu.enqueue_indirect_dma source(%dma_start3A_505 : memref<10000x128xf32, #tpu.memory_space<hbm>>) target(%arg11 : memref<50x128xf32, #tpu.memory_space<vmem>>) offsets(%dma_start3A_502 : memref<50xi32, #tpu.memory_space<vmem>>) semaphore(%arg21 : memref<!tpu.dma_semaphore, #tpu.memory_space<semaphore_mem>>)
      %dma_wait3A_506 = arith.constant 0 : i32
      %dma_wait3A_507 = arith.constant 0 : i32
      %dma_wait3A_508 = tpu.memref_slice %arg7[%dma_wait3A_506, %dma_wait3A_507] : memref<8x50xi32, #tpu.memory_space<vmem>> -> memref<1x50xi32, #tpu.memory_space<vmem>>
      %dma_wait3A_509 = tpu.memref_squeeze %dma_wait3A_508 : memref<1x50xi32, #tpu.memory_space<vmem>> -> memref<50xi32, #tpu.memory_space<vmem>>
      %dma_wait3A_510 = arith.constant 0 : i32
      %dma_wait3A_511 = arith.constant 0 : i32
      %dma_wait3A_512 = tpu.memref_slice %arg2[%dma_wait3A_510, %dma_wait3A_511] : memref<10000x128xf32, #tpu.memory_space<hbm>> -> memref<10000x128xf32, #tpu.memory_space<hbm>>
      tpu.wait_indirect_dma semaphore(%arg19 : memref<!tpu.dma_semaphore, #tpu.memory_space<semaphore_mem>>) src(%dma_wait3A_512 : memref<10000x128xf32, #tpu.memory_space<hbm>>) dst(%arg9 : memref<50x128xf32, #tpu.memory_space<vmem>>)
      %dma_start3A_513 = arith.constant 0 : i32
      %dma_start3A_514 = arith.constant 0 : i32
      %dma_start3A_515 = tpu.memref_slice %arg8[%dma_start3A_513, %dma_start3A_514] : memref<8x50xi32, #tpu.memory_space<vmem>> -> memref<1x50xi32, #tpu.memory_space<vmem>>
      %dma_start3A_516 = tpu.memref_squeeze %dma_start3A_515 : memref<1x50xi32, #tpu.memory_space<vmem>> -> memref<50xi32, #tpu.memory_space<vmem>>
      %dma_start3A_517 = arith.constant 0 : i32
      %dma_start3A_518 = arith.constant 0 : i32
      %dma_start3A_519 = tpu.memref_slice %arg14[%dma_start3A_517, %dma_start3A_518] : memref<10000x128xf32, #tpu.memory_space<vmem_shared>> -> memref<10000x128xf32, #tpu.memory_space<vmem_shared>>
      tpu.enqueue_indirect_dma source(%arg9 : memref<50x128xf32, #tpu.memory_space<vmem>>) target(%dma_start3A_519 : memref<10000x128xf32, #tpu.memory_space<vmem_shared>>) offsets(%dma_start3A_516 : memref<50xi32, #tpu.memory_space<vmem>>) semaphore(%arg23 : memref<!tpu.dma_semaphore, #tpu.memory_space<semaphore_mem>>) {add = true}
      %dma_wait3A_520 = arith.constant 7 : i32
      %dma_wait3A_521 = arith.constant 0 : i32
      %dma_wait3A_522 = tpu.memref_slice %arg6[%dma_wait3A_520, %dma_wait3A_521] : memref<8x50xi32, #tpu.memory_space<vmem>> -> memref<1x50xi32, #tpu.memory_space<vmem>>
      %dma_wait3A_523 = tpu.memref_squeeze %dma_wait3A_522 : memref<1x50xi32, #tpu.memory_space<vmem>> -> memref<50xi32, #tpu.memory_space<vmem>>
      %dma_wait3A_524 = arith.constant 0 : i32
      %dma_wait3A_525 = arith.constant 0 : i32
      %dma_wait3A_526 = tpu.memref_slice %arg14[%dma_wait3A_524, %dma_wait3A_525] : memref<10000x128xf32, #tpu.memory_space<vmem_shared>> -> memref<10000x128xf32, #tpu.memory_space<vmem_shared>>
      tpu.wait_indirect_dma semaphore(%arg26 : memref<!tpu.dma_semaphore, #tpu.memory_space<semaphore_mem>>) src(%arg12 : memref<50x128xf32, #tpu.memory_space<vmem>>) dst(%dma_wait3A_526 : memref<10000x128xf32, #tpu.memory_space<vmem_shared>>)
      %add3A_527 = arith.constant 16 : i32
      %add3A_528 = arith.addi %add3A_274, %add3A_527 : i32
      %dma_start3A_529 = arith.constant 0 : i32
      %dma_start3A_530 = arith.constant 0 : i32
      %dma_start3A_531 = tpu.memref_slice %arg3[%dma_start3A_529, %add3A, %add3A_528, %dma_start3A_530] : memref<2x32x200x50xi32, #tpu.memory_space<hbm>> -> memref<1x1x8x50xi32, #tpu.memory_space<hbm>>
      %dma_start3A_532 = tpu.memref_squeeze %dma_start3A_531 : memref<1x1x8x50xi32, #tpu.memory_space<hbm>> -> memref<8x50xi32, #tpu.memory_space<hbm>>
      %dma_start3A_533 = arith.constant 0 : i32
      %dma_start3A_534 = tpu.memref_slice %arg3[%dma_start3A_529, %add3A, %add3A_528, %dma_start3A_533] : memref<2x32x200x50xi32, #tpu.memory_space<hbm>> -> memref<1x1x8x50xi32, #tpu.memory_space<hbm>>
      %dma_start3A_535 = tpu.memref_squeeze %dma_start3A_534 : memref<1x1x8x50xi32, #tpu.memory_space<hbm>> -> memref<8x50xi32, #tpu.memory_space<hbm>>
      tpu.enqueue_dma source(%dma_start3A_535 : memref<8x50xi32, #tpu.memory_space<hbm>>) target(%arg5 : memref<8x50xi32, #tpu.memory_space<vmem>>) target_semaphore(%arg15 : memref<!tpu.dma_semaphore, #tpu.memory_space<semaphore_mem>>)
      %dma_start3A_536 = arith.constant 1 : i32
      %dma_start3A_537 = arith.constant 0 : i32
      %dma_start3A_538 = tpu.memref_slice %arg3[%dma_start3A_536, %add3A, %add3A_528, %dma_start3A_537] : memref<2x32x200x50xi32, #tpu.memory_space<hbm>> -> memref<1x1x8x50xi32, #tpu.memory_space<hbm>>
      %dma_start3A_539 = tpu.memref_squeeze %dma_start3A_538 : memref<1x1x8x50xi32, #tpu.memory_space<hbm>> -> memref<8x50xi32, #tpu.memory_space<hbm>>
      %dma_start3A_540 = arith.constant 0 : i32
      %dma_start3A_541 = tpu.memref_slice %arg3[%dma_start3A_536, %add3A, %add3A_528, %dma_start3A_540] : memref<2x32x200x50xi32, #tpu.memory_space<hbm>> -> memref<1x1x8x50xi32, #tpu.memory_space<hbm>>
      %dma_start3A_542 = tpu.memref_squeeze %dma_start3A_541 : memref<1x1x8x50xi32, #tpu.memory_space<hbm>> -> memref<8x50xi32, #tpu.memory_space<hbm>>
      tpu.enqueue_dma source(%dma_start3A_542 : memref<8x50xi32, #tpu.memory_space<hbm>>) target(%arg6 : memref<8x50xi32, #tpu.memory_space<vmem>>) target_semaphore(%arg16 : memref<!tpu.dma_semaphore, #tpu.memory_space<semaphore_mem>>)
      %dma_start3A_543 = arith.constant 3 : i32
      %dma_start3A_544 = arith.constant 0 : i32
      %dma_start3A_545 = tpu.memref_slice %arg7[%dma_start3A_543, %dma_start3A_544] : memref<8x50xi32, #tpu.memory_space<vmem>> -> memref<1x50xi32, #tpu.memory_space<vmem>>
      %dma_start3A_546 = tpu.memref_squeeze %dma_start3A_545 : memref<1x50xi32, #tpu.memory_space<vmem>> -> memref<50xi32, #tpu.memory_space<vmem>>
      %dma_start3A_547 = arith.constant 0 : i32
      %dma_start3A_548 = arith.constant 0 : i32
      %dma_start3A_549 = tpu.memref_slice %arg2[%dma_start3A_547, %dma_start3A_548] : memref<10000x128xf32, #tpu.memory_space<hbm>> -> memref<10000x128xf32, #tpu.memory_space<hbm>>
      tpu.enqueue_indirect_dma source(%dma_start3A_549 : memref<10000x128xf32, #tpu.memory_space<hbm>>) target(%arg12 : memref<50x128xf32, #tpu.memory_space<vmem>>) offsets(%dma_start3A_546 : memref<50xi32, #tpu.memory_space<vmem>>) semaphore(%arg22 : memref<!tpu.dma_semaphore, #tpu.memory_space<semaphore_mem>>)
      %dma_wait3A_550 = arith.constant 1 : i32
      %dma_wait3A_551 = arith.constant 0 : i32
      %dma_wait3A_552 = tpu.memref_slice %arg7[%dma_wait3A_550, %dma_wait3A_551] : memref<8x50xi32, #tpu.memory_space<vmem>> -> memref<1x50xi32, #tpu.memory_space<vmem>>
      %dma_wait3A_553 = tpu.memref_squeeze %dma_wait3A_552 : memref<1x50xi32, #tpu.memory_space<vmem>> -> memref<50xi32, #tpu.memory_space<vmem>>
      %dma_wait3A_554 = arith.constant 0 : i32
      %dma_wait3A_555 = arith.constant 0 : i32
      %dma_wait3A_556 = tpu.memref_slice %arg2[%dma_wait3A_554, %dma_wait3A_555] : memref<10000x128xf32, #tpu.memory_space<hbm>> -> memref<10000x128xf32, #tpu.memory_space<hbm>>
      tpu.wait_indirect_dma semaphore(%arg20 : memref<!tpu.dma_semaphore, #tpu.memory_space<semaphore_mem>>) src(%dma_wait3A_556 : memref<10000x128xf32, #tpu.memory_space<hbm>>) dst(%arg10 : memref<50x128xf32, #tpu.memory_space<vmem>>)
      %dma_start3A_557 = arith.constant 1 : i32
      %dma_start3A_558 = arith.constant 0 : i32
      %dma_start3A_559 = tpu.memref_slice %arg8[%dma_start3A_557, %dma_start3A_558] : memref<8x50xi32, #tpu.memory_space<vmem>> -> memref<1x50xi32, #tpu.memory_space<vmem>>
      %dma_start3A_560 = tpu.memref_squeeze %dma_start3A_559 : memref<1x50xi32, #tpu.memory_space<vmem>> -> memref<50xi32, #tpu.memory_space<vmem>>
      %dma_start3A_561 = arith.constant 0 : i32
      %dma_start3A_562 = arith.constant 0 : i32
      %dma_start3A_563 = tpu.memref_slice %arg14[%dma_start3A_561, %dma_start3A_562] : memref<10000x128xf32, #tpu.memory_space<vmem_shared>> -> memref<10000x128xf32, #tpu.memory_space<vmem_shared>>
      tpu.enqueue_indirect_dma source(%arg10 : memref<50x128xf32, #tpu.memory_space<vmem>>) target(%dma_start3A_563 : memref<10000x128xf32, #tpu.memory_space<vmem_shared>>) offsets(%dma_start3A_560 : memref<50xi32, #tpu.memory_space<vmem>>) semaphore(%arg24 : memref<!tpu.dma_semaphore, #tpu.memory_space<semaphore_mem>>) {add = true}
      %dma_wait3A_564 = arith.constant 0 : i32
      %dma_wait3A_565 = arith.constant 0 : i32
      %dma_wait3A_566 = tpu.memref_slice %arg8[%dma_wait3A_564, %dma_wait3A_565] : memref<8x50xi32, #tpu.memory_space<vmem>> -> memref<1x50xi32, #tpu.memory_space<vmem>>
      %dma_wait3A_567 = tpu.memref_squeeze %dma_wait3A_566 : memref<1x50xi32, #tpu.memory_space<vmem>> -> memref<50xi32, #tpu.memory_space<vmem>>
      %dma_wait3A_568 = arith.constant 0 : i32
      %dma_wait3A_569 = arith.constant 0 : i32
      %dma_wait3A_570 = tpu.memref_slice %arg14[%dma_wait3A_568, %dma_wait3A_569] : memref<10000x128xf32, #tpu.memory_space<vmem_shared>> -> memref<10000x128xf32, #tpu.memory_space<vmem_shared>>
      tpu.wait_indirect_dma semaphore(%arg23 : memref<!tpu.dma_semaphore, #tpu.memory_space<semaphore_mem>>) src(%arg9 : memref<50x128xf32, #tpu.memory_space<vmem>>) dst(%dma_wait3A_570 : memref<10000x128xf32, #tpu.memory_space<vmem_shared>>)
      %dma_start3A_571 = arith.constant 4 : i32
      %dma_start3A_572 = arith.constant 0 : i32
      %dma_start3A_573 = tpu.memref_slice %arg7[%dma_start3A_571, %dma_start3A_572] : memref<8x50xi32, #tpu.memory_space<vmem>> -> memref<1x50xi32, #tpu.memory_space<vmem>>
      %dma_start3A_574 = tpu.memref_squeeze %dma_start3A_573 : memref<1x50xi32, #tpu.memory_space<vmem>> -> memref<50xi32, #tpu.memory_space<vmem>>
      %dma_start3A_575 = arith.constant 0 : i32
      %dma_start3A_576 = arith.constant 0 : i32
      %dma_start3A_577 = tpu.memref_slice %arg2[%dma_start3A_575, %dma_start3A_576] : memref<10000x128xf32, #tpu.memory_space<hbm>> -> memref<10000x128xf32, #tpu.memory_space<hbm>>
      tpu.enqueue_indirect_dma source(%dma_start3A_577 : memref<10000x128xf32, #tpu.memory_space<hbm>>) target(%arg9 : memref<50x128xf32, #tpu.memory_space<vmem>>) offsets(%dma_start3A_574 : memref<50xi32, #tpu.memory_space<vmem>>) semaphore(%arg19 : memref<!tpu.dma_semaphore, #tpu.memory_space<semaphore_mem>>)
      %dma_wait3A_578 = arith.constant 2 : i32
      %dma_wait3A_579 = arith.constant 0 : i32
      %dma_wait3A_580 = tpu.memref_slice %arg7[%dma_wait3A_578, %dma_wait3A_579] : memref<8x50xi32, #tpu.memory_space<vmem>> -> memref<1x50xi32, #tpu.memory_space<vmem>>
      %dma_wait3A_581 = tpu.memref_squeeze %dma_wait3A_580 : memref<1x50xi32, #tpu.memory_space<vmem>> -> memref<50xi32, #tpu.memory_space<vmem>>
      %dma_wait3A_582 = arith.constant 0 : i32
      %dma_wait3A_583 = arith.constant 0 : i32
      %dma_wait3A_584 = tpu.memref_slice %arg2[%dma_wait3A_582, %dma_wait3A_583] : memref<10000x128xf32, #tpu.memory_space<hbm>> -> memref<10000x128xf32, #tpu.memory_space<hbm>>
      tpu.wait_indirect_dma semaphore(%arg21 : memref<!tpu.dma_semaphore, #tpu.memory_space<semaphore_mem>>) src(%dma_wait3A_584 : memref<10000x128xf32, #tpu.memory_space<hbm>>) dst(%arg11 : memref<50x128xf32, #tpu.memory_space<vmem>>)
      %dma_start3A_585 = arith.constant 2 : i32
      %dma_start3A_586 = arith.constant 0 : i32
      %dma_start3A_587 = tpu.memref_slice %arg8[%dma_start3A_585, %dma_start3A_586] : memref<8x50xi32, #tpu.memory_space<vmem>> -> memref<1x50xi32, #tpu.memory_space<vmem>>
      %dma_start3A_588 = tpu.memref_squeeze %dma_start3A_587 : memref<1x50xi32, #tpu.memory_space<vmem>> -> memref<50xi32, #tpu.memory_space<vmem>>
      %dma_start3A_589 = arith.constant 0 : i32
      %dma_start3A_590 = arith.constant 0 : i32
      %dma_start3A_591 = tpu.memref_slice %arg14[%dma_start3A_589, %dma_start3A_590] : memref<10000x128xf32, #tpu.memory_space<vmem_shared>> -> memref<10000x128xf32, #tpu.memory_space<vmem_shared>>
      tpu.enqueue_indirect_dma source(%arg11 : memref<50x128xf32, #tpu.memory_space<vmem>>) target(%dma_start3A_591 : memref<10000x128xf32, #tpu.memory_space<vmem_shared>>) offsets(%dma_start3A_588 : memref<50xi32, #tpu.memory_space<vmem>>) semaphore(%arg25 : memref<!tpu.dma_semaphore, #tpu.memory_space<semaphore_mem>>) {add = true}
      %dma_wait3A_592 = arith.constant 1 : i32
      %dma_wait3A_593 = arith.constant 0 : i32
      %dma_wait3A_594 = tpu.memref_slice %arg8[%dma_wait3A_592, %dma_wait3A_593] : memref<8x50xi32, #tpu.memory_space<vmem>> -> memref<1x50xi32, #tpu.memory_space<vmem>>
      %dma_wait3A_595 = tpu.memref_squeeze %dma_wait3A_594 : memref<1x50xi32, #tpu.memory_space<vmem>> -> memref<50xi32, #tpu.memory_space<vmem>>
      %dma_wait3A_596 = arith.constant 0 : i32
      %dma_wait3A_597 = arith.constant 0 : i32
      %dma_wait3A_598 = tpu.memref_slice %arg14[%dma_wait3A_596, %dma_wait3A_597] : memref<10000x128xf32, #tpu.memory_space<vmem_shared>> -> memref<10000x128xf32, #tpu.memory_space<vmem_shared>>
      tpu.wait_indirect_dma semaphore(%arg24 : memref<!tpu.dma_semaphore, #tpu.memory_space<semaphore_mem>>) src(%arg10 : memref<50x128xf32, #tpu.memory_space<vmem>>) dst(%dma_wait3A_598 : memref<10000x128xf32, #tpu.memory_space<vmem_shared>>)
      %dma_start3A_599 = arith.constant 5 : i32
      %dma_start3A_600 = arith.constant 0 : i32
      %dma_start3A_601 = tpu.memref_slice %arg7[%dma_start3A_599, %dma_start3A_600] : memref<8x50xi32, #tpu.memory_space<vmem>> -> memref<1x50xi32, #tpu.memory_space<vmem>>
      %dma_start3A_602 = tpu.memref_squeeze %dma_start3A_601 : memref<1x50xi32, #tpu.memory_space<vmem>> -> memref<50xi32, #tpu.memory_space<vmem>>
      %dma_start3A_603 = arith.constant 0 : i32
      %dma_start3A_604 = arith.constant 0 : i32
      %dma_start3A_605 = tpu.memref_slice %arg2[%dma_start3A_603, %dma_start3A_604] : memref<10000x128xf32, #tpu.memory_space<hbm>> -> memref<10000x128xf32, #tpu.memory_space<hbm>>
      tpu.enqueue_indirect_dma source(%dma_start3A_605 : memref<10000x128xf32, #tpu.memory_space<hbm>>) target(%arg10 : memref<50x128xf32, #tpu.memory_space<vmem>>) offsets(%dma_start3A_602 : memref<50xi32, #tpu.memory_space<vmem>>) semaphore(%arg20 : memref<!tpu.dma_semaphore, #tpu.memory_space<semaphore_mem>>)
      %dma_wait3A_606 = arith.constant 3 : i32
      %dma_wait3A_607 = arith.constant 0 : i32
      %dma_wait3A_608 = tpu.memref_slice %arg7[%dma_wait3A_606, %dma_wait3A_607] : memref<8x50xi32, #tpu.memory_space<vmem>> -> memref<1x50xi32, #tpu.memory_space<vmem>>
      %dma_wait3A_609 = tpu.memref_squeeze %dma_wait3A_608 : memref<1x50xi32, #tpu.memory_space<vmem>> -> memref<50xi32, #tpu.memory_space<vmem>>
      %dma_wait3A_610 = arith.constant 0 : i32
      %dma_wait3A_611 = arith.constant 0 : i32
      %dma_wait3A_612 = tpu.memref_slice %arg2[%dma_wait3A_610, %dma_wait3A_611] : memref<10000x128xf32, #tpu.memory_space<hbm>> -> memref<10000x128xf32, #tpu.memory_space<hbm>>
      tpu.wait_indirect_dma semaphore(%arg22 : memref<!tpu.dma_semaphore, #tpu.memory_space<semaphore_mem>>) src(%dma_wait3A_612 : memref<10000x128xf32, #tpu.memory_space<hbm>>) dst(%arg12 : memref<50x128xf32, #tpu.memory_space<vmem>>)
      %dma_start3A_613 = arith.constant 3 : i32
      %dma_start3A_614 = arith.constant 0 : i32
      %dma_start3A_615 = tpu.memref_slice %arg8[%dma_start3A_613, %dma_start3A_614] : memref<8x50xi32, #tpu.memory_space<vmem>> -> memref<1x50xi32, #tpu.memory_space<vmem>>
      %dma_start3A_616 = tpu.memref_squeeze %dma_start3A_615 : memref<1x50xi32, #tpu.memory_space<vmem>> -> memref<50xi32, #tpu.memory_space<vmem>>
      %dma_start3A_617 = arith.constant 0 : i32
      %dma_start3A_618 = arith.constant 0 : i32
      %dma_start3A_619 = tpu.memref_slice %arg14[%dma_start3A_617, %dma_start3A_618] : memref<10000x128xf32, #tpu.memory_space<vmem_shared>> -> memref<10000x128xf32, #tpu.memory_space<vmem_shared>>
      tpu.enqueue_indirect_dma source(%arg12 : memref<50x128xf32, #tpu.memory_space<vmem>>) target(%dma_start3A_619 : memref<10000x128xf32, #tpu.memory_space<vmem_shared>>) offsets(%dma_start3A_616 : memref<50xi32, #tpu.memory_space<vmem>>) semaphore(%arg26 : memref<!tpu.dma_semaphore, #tpu.memory_space<semaphore_mem>>) {add = true}
      %dma_wait3A_620 = arith.constant 2 : i32
      %dma_wait3A_621 = arith.constant 0 : i32
      %dma_wait3A_622 = tpu.memref_slice %arg8[%dma_wait3A_620, %dma_wait3A_621] : memref<8x50xi32, #tpu.memory_space<vmem>> -> memref<1x50xi32, #tpu.memory_space<vmem>>
      %dma_wait3A_623 = tpu.memref_squeeze %dma_wait3A_622 : memref<1x50xi32, #tpu.memory_space<vmem>> -> memref<50xi32, #tpu.memory_space<vmem>>
      %dma_wait3A_624 = arith.constant 0 : i32
      %dma_wait3A_625 = arith.constant 0 : i32
      %dma_wait3A_626 = tpu.memref_slice %arg14[%dma_wait3A_624, %dma_wait3A_625] : memref<10000x128xf32, #tpu.memory_space<vmem_shared>> -> memref<10000x128xf32, #tpu.memory_space<vmem_shared>>
      tpu.wait_indirect_dma semaphore(%arg25 : memref<!tpu.dma_semaphore, #tpu.memory_space<semaphore_mem>>) src(%arg11 : memref<50x128xf32, #tpu.memory_space<vmem>>) dst(%dma_wait3A_626 : memref<10000x128xf32, #tpu.memory_space<vmem_shared>>)
      %dma_start3A_627 = arith.constant 6 : i32
      %dma_start3A_628 = arith.constant 0 : i32
      %dma_start3A_629 = tpu.memref_slice %arg7[%dma_start3A_627, %dma_start3A_628] : memref<8x50xi32, #tpu.memory_space<vmem>> -> memref<1x50xi32, #tpu.memory_space<vmem>>
      %dma_start3A_630 = tpu.memref_squeeze %dma_start3A_629 : memref<1x50xi32, #tpu.memory_space<vmem>> -> memref<50xi32, #tpu.memory_space<vmem>>
      %dma_start3A_631 = arith.constant 0 : i32
      %dma_start3A_632 = arith.constant 0 : i32
      %dma_start3A_633 = tpu.memref_slice %arg2[%dma_start3A_631, %dma_start3A_632] : memref<10000x128xf32, #tpu.memory_space<hbm>> -> memref<10000x128xf32, #tpu.memory_space<hbm>>
      tpu.enqueue_indirect_dma source(%dma_start3A_633 : memref<10000x128xf32, #tpu.memory_space<hbm>>) target(%arg11 : memref<50x128xf32, #tpu.memory_space<vmem>>) offsets(%dma_start3A_630 : memref<50xi32, #tpu.memory_space<vmem>>) semaphore(%arg21 : memref<!tpu.dma_semaphore, #tpu.memory_space<semaphore_mem>>)
      %dma_wait3A_634 = arith.constant 4 : i32
      %dma_wait3A_635 = arith.constant 0 : i32
      %dma_wait3A_636 = tpu.memref_slice %arg7[%dma_wait3A_634, %dma_wait3A_635] : memref<8x50xi32, #tpu.memory_space<vmem>> -> memref<1x50xi32, #tpu.memory_space<vmem>>
      %dma_wait3A_637 = tpu.memref_squeeze %dma_wait3A_636 : memref<1x50xi32, #tpu.memory_space<vmem>> -> memref<50xi32, #tpu.memory_space<vmem>>
      %dma_wait3A_638 = arith.constant 0 : i32
      %dma_wait3A_639 = arith.constant 0 : i32
      %dma_wait3A_640 = tpu.memref_slice %arg2[%dma_wait3A_638, %dma_wait3A_639] : memref<10000x128xf32, #tpu.memory_space<hbm>> -> memref<10000x128xf32, #tpu.memory_space<hbm>>
      tpu.wait_indirect_dma semaphore(%arg19 : memref<!tpu.dma_semaphore, #tpu.memory_space<semaphore_mem>>) src(%dma_wait3A_640 : memref<10000x128xf32, #tpu.memory_space<hbm>>) dst(%arg9 : memref<50x128xf32, #tpu.memory_space<vmem>>)
      %dma_start3A_641 = arith.constant 4 : i32
      %dma_start3A_642 = arith.constant 0 : i32
      %dma_start3A_643 = tpu.memref_slice %arg8[%dma_start3A_641, %dma_start3A_642] : memref<8x50xi32, #tpu.memory_space<vmem>> -> memref<1x50xi32, #tpu.memory_space<vmem>>
      %dma_start3A_644 = tpu.memref_squeeze %dma_start3A_643 : memref<1x50xi32, #tpu.memory_space<vmem>> -> memref<50xi32, #tpu.memory_space<vmem>>
      %dma_start3A_645 = arith.constant 0 : i32
      %dma_start3A_646 = arith.constant 0 : i32
      %dma_start3A_647 = tpu.memref_slice %arg14[%dma_start3A_645, %dma_start3A_646] : memref<10000x128xf32, #tpu.memory_space<vmem_shared>> -> memref<10000x128xf32, #tpu.memory_space<vmem_shared>>
      tpu.enqueue_indirect_dma source(%arg9 : memref<50x128xf32, #tpu.memory_space<vmem>>) target(%dma_start3A_647 : memref<10000x128xf32, #tpu.memory_space<vmem_shared>>) offsets(%dma_start3A_644 : memref<50xi32, #tpu.memory_space<vmem>>) semaphore(%arg23 : memref<!tpu.dma_semaphore, #tpu.memory_space<semaphore_mem>>) {add = true}
      %dma_wait3A_648 = arith.constant 3 : i32
      %dma_wait3A_649 = arith.constant 0 : i32
      %dma_wait3A_650 = tpu.memref_slice %arg8[%dma_wait3A_648, %dma_wait3A_649] : memref<8x50xi32, #tpu.memory_space<vmem>> -> memref<1x50xi32, #tpu.memory_space<vmem>>
      %dma_wait3A_651 = tpu.memref_squeeze %dma_wait3A_650 : memref<1x50xi32, #tpu.memory_space<vmem>> -> memref<50xi32, #tpu.memory_space<vmem>>
      %dma_wait3A_652 = arith.constant 0 : i32
      %dma_wait3A_653 = arith.constant 0 : i32
      %dma_wait3A_654 = tpu.memref_slice %arg14[%dma_wait3A_652, %dma_wait3A_653] : memref<10000x128xf32, #tpu.memory_space<vmem_shared>> -> memref<10000x128xf32, #tpu.memory_space<vmem_shared>>
      tpu.wait_indirect_dma semaphore(%arg26 : memref<!tpu.dma_semaphore, #tpu.memory_space<semaphore_mem>>) src(%arg12 : memref<50x128xf32, #tpu.memory_space<vmem>>) dst(%dma_wait3A_654 : memref<10000x128xf32, #tpu.memory_space<vmem_shared>>)
      %dma_start3A_655 = arith.constant 7 : i32
      %dma_start3A_656 = arith.constant 0 : i32
      %dma_start3A_657 = tpu.memref_slice %arg7[%dma_start3A_655, %dma_start3A_656] : memref<8x50xi32, #tpu.memory_space<vmem>> -> memref<1x50xi32, #tpu.memory_space<vmem>>
      %dma_start3A_658 = tpu.memref_squeeze %dma_start3A_657 : memref<1x50xi32, #tpu.memory_space<vmem>> -> memref<50xi32, #tpu.memory_space<vmem>>
      %dma_start3A_659 = arith.constant 0 : i32
      %dma_start3A_660 = arith.constant 0 : i32
      %dma_start3A_661 = tpu.memref_slice %arg2[%dma_start3A_659, %dma_start3A_660] : memref<10000x128xf32, #tpu.memory_space<hbm>> -> memref<10000x128xf32, #tpu.memory_space<hbm>>
      tpu.enqueue_indirect_dma source(%dma_start3A_661 : memref<10000x128xf32, #tpu.memory_space<hbm>>) target(%arg12 : memref<50x128xf32, #tpu.memory_space<vmem>>) offsets(%dma_start3A_658 : memref<50xi32, #tpu.memory_space<vmem>>) semaphore(%arg22 : memref<!tpu.dma_semaphore, #tpu.memory_space<semaphore_mem>>)
      %dma_wait3A_662 = arith.constant 5 : i32
      %dma_wait3A_663 = arith.constant 0 : i32
      %dma_wait3A_664 = tpu.memref_slice %arg7[%dma_wait3A_662, %dma_wait3A_663] : memref<8x50xi32, #tpu.memory_space<vmem>> -> memref<1x50xi32, #tpu.memory_space<vmem>>
      %dma_wait3A_665 = tpu.memref_squeeze %dma_wait3A_664 : memref<1x50xi32, #tpu.memory_space<vmem>> -> memref<50xi32, #tpu.memory_space<vmem>>
      %dma_wait3A_666 = arith.constant 0 : i32
      %dma_wait3A_667 = arith.constant 0 : i32
      %dma_wait3A_668 = tpu.memref_slice %arg2[%dma_wait3A_666, %dma_wait3A_667] : memref<10000x128xf32, #tpu.memory_space<hbm>> -> memref<10000x128xf32, #tpu.memory_space<hbm>>
      tpu.wait_indirect_dma semaphore(%arg20 : memref<!tpu.dma_semaphore, #tpu.memory_space<semaphore_mem>>) src(%dma_wait3A_668 : memref<10000x128xf32, #tpu.memory_space<hbm>>) dst(%arg10 : memref<50x128xf32, #tpu.memory_space<vmem>>)
      %dma_start3A_669 = arith.constant 5 : i32
      %dma_start3A_670 = arith.constant 0 : i32
      %dma_start3A_671 = tpu.memref_slice %arg8[%dma_start3A_669, %dma_start3A_670] : memref<8x50xi32, #tpu.memory_space<vmem>> -> memref<1x50xi32, #tpu.memory_space<vmem>>
      %dma_start3A_672 = tpu.memref_squeeze %dma_start3A_671 : memref<1x50xi32, #tpu.memory_space<vmem>> -> memref<50xi32, #tpu.memory_space<vmem>>
      %dma_start3A_673 = arith.constant 0 : i32
      %dma_start3A_674 = arith.constant 0 : i32
      %dma_start3A_675 = tpu.memref_slice %arg14[%dma_start3A_673, %dma_start3A_674] : memref<10000x128xf32, #tpu.memory_space<vmem_shared>> -> memref<10000x128xf32, #tpu.memory_space<vmem_shared>>
      tpu.enqueue_indirect_dma source(%arg10 : memref<50x128xf32, #tpu.memory_space<vmem>>) target(%dma_start3A_675 : memref<10000x128xf32, #tpu.memory_space<vmem_shared>>) offsets(%dma_start3A_672 : memref<50xi32, #tpu.memory_space<vmem>>) semaphore(%arg24 : memref<!tpu.dma_semaphore, #tpu.memory_space<semaphore_mem>>) {add = true}
      %dma_wait3A_676 = arith.constant 4 : i32
      %dma_wait3A_677 = arith.constant 0 : i32
      %dma_wait3A_678 = tpu.memref_slice %arg8[%dma_wait3A_676, %dma_wait3A_677] : memref<8x50xi32, #tpu.memory_space<vmem>> -> memref<1x50xi32, #tpu.memory_space<vmem>>
      %dma_wait3A_679 = tpu.memref_squeeze %dma_wait3A_678 : memref<1x50xi32, #tpu.memory_space<vmem>> -> memref<50xi32, #tpu.memory_space<vmem>>
      %dma_wait3A_680 = arith.constant 0 : i32
      %dma_wait3A_681 = arith.constant 0 : i32
      %dma_wait3A_682 = tpu.memref_slice %arg14[%dma_wait3A_680, %dma_wait3A_681] : memref<10000x128xf32, #tpu.memory_space<vmem_shared>> -> memref<10000x128xf32, #tpu.memory_space<vmem_shared>>
      tpu.wait_indirect_dma semaphore(%arg23 : memref<!tpu.dma_semaphore, #tpu.memory_space<semaphore_mem>>) src(%arg9 : memref<50x128xf32, #tpu.memory_space<vmem>>) dst(%dma_wait3A_682 : memref<10000x128xf32, #tpu.memory_space<vmem_shared>>)
      %add3A_683 = arith.constant 16 : i32
      %add3A_684 = arith.addi %add3A_274, %add3A_683 : i32
      %dma_wait3A_685 = arith.constant 0 : i32
      %dma_wait3A_686 = arith.constant 0 : i32
      %dma_wait3A_687 = tpu.memref_slice %arg3[%dma_wait3A_685, %add3A, %add3A_684, %dma_wait3A_686] : memref<2x32x200x50xi32, #tpu.memory_space<hbm>> -> memref<1x1x8x50xi32, #tpu.memory_space<hbm>>
      %dma_wait3A_688 = tpu.memref_squeeze %dma_wait3A_687 : memref<1x1x8x50xi32, #tpu.memory_space<hbm>> -> memref<8x50xi32, #tpu.memory_space<hbm>>
      %dma_wait3A_689 = arith.constant 0 : i32
      %dma_wait3A_690 = tpu.memref_slice %arg3[%dma_wait3A_685, %add3A, %add3A_684, %dma_wait3A_689] : memref<2x32x200x50xi32, #tpu.memory_space<hbm>> -> memref<1x1x8x50xi32, #tpu.memory_space<hbm>>
      %dma_wait3A_691 = tpu.memref_squeeze %dma_wait3A_690 : memref<1x1x8x50xi32, #tpu.memory_space<hbm>> -> memref<8x50xi32, #tpu.memory_space<hbm>>
      tpu.wait_dma2 semaphore(%arg15 : memref<!tpu.dma_semaphore, #tpu.memory_space<semaphore_mem>>) src(%dma_wait3A_691 : memref<8x50xi32, #tpu.memory_space<hbm>>) dst(%arg5 : memref<8x50xi32, #tpu.memory_space<vmem>>)
      %dma_wait3A_692 = arith.constant 1 : i32
      %dma_wait3A_693 = arith.constant 0 : i32
      %dma_wait3A_694 = tpu.memref_slice %arg3[%dma_wait3A_692, %add3A, %add3A_684, %dma_wait3A_693] : memref<2x32x200x50xi32, #tpu.memory_space<hbm>> -> memref<1x1x8x50xi32, #tpu.memory_space<hbm>>
      %dma_wait3A_695 = tpu.memref_squeeze %dma_wait3A_694 : memref<1x1x8x50xi32, #tpu.memory_space<hbm>> -> memref<8x50xi32, #tpu.memory_space<hbm>>
      %dma_wait3A_696 = arith.constant 0 : i32
      %dma_wait3A_697 = tpu.memref_slice %arg3[%dma_wait3A_692, %add3A, %add3A_684, %dma_wait3A_696] : memref<2x32x200x50xi32, #tpu.memory_space<hbm>> -> memref<1x1x8x50xi32, #tpu.memory_space<hbm>>
      %dma_wait3A_698 = tpu.memref_squeeze %dma_wait3A_697 : memref<1x1x8x50xi32, #tpu.memory_space<hbm>> -> memref<8x50xi32, #tpu.memory_space<hbm>>
      tpu.wait_dma2 semaphore(%arg16 : memref<!tpu.dma_semaphore, #tpu.memory_space<semaphore_mem>>) src(%dma_wait3A_698 : memref<8x50xi32, #tpu.memory_space<hbm>>) dst(%arg6 : memref<8x50xi32, #tpu.memory_space<vmem>>)
      %dma_start3A_699 = arith.constant 0 : i32
      %dma_start3A_700 = arith.constant 0 : i32
      %dma_start3A_701 = tpu.memref_slice %arg5[%dma_start3A_699, %dma_start3A_700] : memref<8x50xi32, #tpu.memory_space<vmem>> -> memref<1x50xi32, #tpu.memory_space<vmem>>
      %dma_start3A_702 = tpu.memref_squeeze %dma_start3A_701 : memref<1x50xi32, #tpu.memory_space<vmem>> -> memref<50xi32, #tpu.memory_space<vmem>>
      %dma_start3A_703 = arith.constant 0 : i32
      %dma_start3A_704 = arith.constant 0 : i32
      %dma_start3A_705 = tpu.memref_slice %arg2[%dma_start3A_703, %dma_start3A_704] : memref<10000x128xf32, #tpu.memory_space<hbm>> -> memref<10000x128xf32, #tpu.memory_space<hbm>>
      tpu.enqueue_indirect_dma source(%dma_start3A_705 : memref<10000x128xf32, #tpu.memory_space<hbm>>) target(%arg9 : memref<50x128xf32, #tpu.memory_space<vmem>>) offsets(%dma_start3A_702 : memref<50xi32, #tpu.memory_space<vmem>>) semaphore(%arg19 : memref<!tpu.dma_semaphore, #tpu.memory_space<semaphore_mem>>)
      %dma_wait3A_706 = arith.constant 6 : i32
      %dma_wait3A_707 = arith.constant 0 : i32
      %dma_wait3A_708 = tpu.memref_slice %arg7[%dma_wait3A_706, %dma_wait3A_707] : memref<8x50xi32, #tpu.memory_space<vmem>> -> memref<1x50xi32, #tpu.memory_space<vmem>>
      %dma_wait3A_709 = tpu.memref_squeeze %dma_wait3A_708 : memref<1x50xi32, #tpu.memory_space<vmem>> -> memref<50xi32, #tpu.memory_space<vmem>>
      %dma_wait3A_710 = arith.constant 0 : i32
      %dma_wait3A_711 = arith.constant 0 : i32
      %dma_wait3A_712 = tpu.memref_slice %arg2[%dma_wait3A_710, %dma_wait3A_711] : memref<10000x128xf32, #tpu.memory_space<hbm>> -> memref<10000x128xf32, #tpu.memory_space<hbm>>
      tpu.wait_indirect_dma semaphore(%arg21 : memref<!tpu.dma_semaphore, #tpu.memory_space<semaphore_mem>>) src(%dma_wait3A_712 : memref<10000x128xf32, #tpu.memory_space<hbm>>) dst(%arg11 : memref<50x128xf32, #tpu.memory_space<vmem>>)
      %dma_start3A_713 = arith.constant 6 : i32
      %dma_start3A_714 = arith.constant 0 : i32
      %dma_start3A_715 = tpu.memref_slice %arg8[%dma_start3A_713, %dma_start3A_714] : memref<8x50xi32, #tpu.memory_space<vmem>> -> memref<1x50xi32, #tpu.memory_space<vmem>>
      %dma_start3A_716 = tpu.memref_squeeze %dma_start3A_715 : memref<1x50xi32, #tpu.memory_space<vmem>> -> memref<50xi32, #tpu.memory_space<vmem>>
      %dma_start3A_717 = arith.constant 0 : i32
      %dma_start3A_718 = arith.constant 0 : i32
      %dma_start3A_719 = tpu.memref_slice %arg14[%dma_start3A_717, %dma_start3A_718] : memref<10000x128xf32, #tpu.memory_space<vmem_shared>> -> memref<10000x128xf32, #tpu.memory_space<vmem_shared>>
      tpu.enqueue_indirect_dma source(%arg11 : memref<50x128xf32, #tpu.memory_space<vmem>>) target(%dma_start3A_719 : memref<10000x128xf32, #tpu.memory_space<vmem_shared>>) offsets(%dma_start3A_716 : memref<50xi32, #tpu.memory_space<vmem>>) semaphore(%arg25 : memref<!tpu.dma_semaphore, #tpu.memory_space<semaphore_mem>>) {add = true}
      %dma_wait3A_720 = arith.constant 5 : i32
      %dma_wait3A_721 = arith.constant 0 : i32
      %dma_wait3A_722 = tpu.memref_slice %arg8[%dma_wait3A_720, %dma_wait3A_721] : memref<8x50xi32, #tpu.memory_space<vmem>> -> memref<1x50xi32, #tpu.memory_space<vmem>>
      %dma_wait3A_723 = tpu.memref_squeeze %dma_wait3A_722 : memref<1x50xi32, #tpu.memory_space<vmem>> -> memref<50xi32, #tpu.memory_space<vmem>>
      %dma_wait3A_724 = arith.constant 0 : i32
      %dma_wait3A_725 = arith.constant 0 : i32
      %dma_wait3A_726 = tpu.memref_slice %arg14[%dma_wait3A_724, %dma_wait3A_725] : memref<10000x128xf32, #tpu.memory_space<vmem_shared>> -> memref<10000x128xf32, #tpu.memory_space<vmem_shared>>
      tpu.wait_indirect_dma semaphore(%arg24 : memref<!tpu.dma_semaphore, #tpu.memory_space<semaphore_mem>>) src(%arg10 : memref<50x128xf32, #tpu.memory_space<vmem>>) dst(%dma_wait3A_726 : memref<10000x128xf32, #tpu.memory_space<vmem_shared>>)
      %dma_start3A_727 = arith.constant 1 : i32
      %dma_start3A_728 = arith.constant 0 : i32
      %dma_start3A_729 = tpu.memref_slice %arg5[%dma_start3A_727, %dma_start3A_728] : memref<8x50xi32, #tpu.memory_space<vmem>> -> memref<1x50xi32, #tpu.memory_space<vmem>>
      %dma_start3A_730 = tpu.memref_squeeze %dma_start3A_729 : memref<1x50xi32, #tpu.memory_space<vmem>> -> memref<50xi32, #tpu.memory_space<vmem>>
      %dma_start3A_731 = arith.constant 0 : i32
      %dma_start3A_732 = arith.constant 0 : i32
      %dma_start3A_733 = tpu.memref_slice %arg2[%dma_start3A_731, %dma_start3A_732] : memref<10000x128xf32, #tpu.memory_space<hbm>> -> memref<10000x128xf32, #tpu.memory_space<hbm>>
      tpu.enqueue_indirect_dma source(%dma_start3A_733 : memref<10000x128xf32, #tpu.memory_space<hbm>>) target(%arg10 : memref<50x128xf32, #tpu.memory_space<vmem>>) offsets(%dma_start3A_730 : memref<50xi32, #tpu.memory_space<vmem>>) semaphore(%arg20 : memref<!tpu.dma_semaphore, #tpu.memory_space<semaphore_mem>>)
      %dma_wait3A_734 = arith.constant 7 : i32
      %dma_wait3A_735 = arith.constant 0 : i32
      %dma_wait3A_736 = tpu.memref_slice %arg7[%dma_wait3A_734, %dma_wait3A_735] : memref<8x50xi32, #tpu.memory_space<vmem>> -> memref<1x50xi32, #tpu.memory_space<vmem>>
      %dma_wait3A_737 = tpu.memref_squeeze %dma_wait3A_736 : memref<1x50xi32, #tpu.memory_space<vmem>> -> memref<50xi32, #tpu.memory_space<vmem>>
      %dma_wait3A_738 = arith.constant 0 : i32
      %dma_wait3A_739 = arith.constant 0 : i32
      %dma_wait3A_740 = tpu.memref_slice %arg2[%dma_wait3A_738, %dma_wait3A_739] : memref<10000x128xf32, #tpu.memory_space<hbm>> -> memref<10000x128xf32, #tpu.memory_space<hbm>>
      tpu.wait_indirect_dma semaphore(%arg22 : memref<!tpu.dma_semaphore, #tpu.memory_space<semaphore_mem>>) src(%dma_wait3A_740 : memref<10000x128xf32, #tpu.memory_space<hbm>>) dst(%arg12 : memref<50x128xf32, #tpu.memory_space<vmem>>)
      %dma_start3A_741 = arith.constant 7 : i32
      %dma_start3A_742 = arith.constant 0 : i32
      %dma_start3A_743 = tpu.memref_slice %arg8[%dma_start3A_741, %dma_start3A_742] : memref<8x50xi32, #tpu.memory_space<vmem>> -> memref<1x50xi32, #tpu.memory_space<vmem>>
      %dma_start3A_744 = tpu.memref_squeeze %dma_start3A_743 : memref<1x50xi32, #tpu.memory_space<vmem>> -> memref<50xi32, #tpu.memory_space<vmem>>
      %dma_start3A_745 = arith.constant 0 : i32
      %dma_start3A_746 = arith.constant 0 : i32
      %dma_start3A_747 = tpu.memref_slice %arg14[%dma_start3A_745, %dma_start3A_746] : memref<10000x128xf32, #tpu.memory_space<vmem_shared>> -> memref<10000x128xf32, #tpu.memory_space<vmem_shared>>
      tpu.enqueue_indirect_dma source(%arg12 : memref<50x128xf32, #tpu.memory_space<vmem>>) target(%dma_start3A_747 : memref<10000x128xf32, #tpu.memory_space<vmem_shared>>) offsets(%dma_start3A_744 : memref<50xi32, #tpu.memory_space<vmem>>) semaphore(%arg26 : memref<!tpu.dma_semaphore, #tpu.memory_space<semaphore_mem>>) {add = true}
      %dma_wait3A_748 = arith.constant 6 : i32
      %dma_wait3A_749 = arith.constant 0 : i32
      %dma_wait3A_750 = tpu.memref_slice %arg8[%dma_wait3A_748, %dma_wait3A_749] : memref<8x50xi32, #tpu.memory_space<vmem>> -> memref<1x50xi32, #tpu.memory_space<vmem>>
      %dma_wait3A_751 = tpu.memref_squeeze %dma_wait3A_750 : memref<1x50xi32, #tpu.memory_space<vmem>> -> memref<50xi32, #tpu.memory_space<vmem>>
      %dma_wait3A_752 = arith.constant 0 : i32
      %dma_wait3A_753 = arith.constant 0 : i32
      %dma_wait3A_754 = tpu.memref_slice %arg14[%dma_wait3A_752, %dma_wait3A_753] : memref<10000x128xf32, #tpu.memory_space<vmem_shared>> -> memref<10000x128xf32, #tpu.memory_space<vmem_shared>>
      tpu.wait_indirect_dma semaphore(%arg25 : memref<!tpu.dma_semaphore, #tpu.memory_space<semaphore_mem>>) src(%arg11 : memref<50x128xf32, #tpu.memory_space<vmem>>) dst(%dma_wait3A_754 : memref<10000x128xf32, #tpu.memory_space<vmem_shared>>)
      %dma_start3A_755 = arith.constant 2 : i32
      %dma_start3A_756 = arith.constant 0 : i32
      %dma_start3A_757 = tpu.memref_slice %arg5[%dma_start3A_755, %dma_start3A_756] : memref<8x50xi32, #tpu.memory_space<vmem>> -> memref<1x50xi32, #tpu.memory_space<vmem>>
      %dma_start3A_758 = tpu.memref_squeeze %dma_start3A_757 : memref<1x50xi32, #tpu.memory_space<vmem>> -> memref<50xi32, #tpu.memory_space<vmem>>
      %dma_start3A_759 = arith.constant 0 : i32
      %dma_start3A_760 = arith.constant 0 : i32
      %dma_start3A_761 = tpu.memref_slice %arg2[%dma_start3A_759, %dma_start3A_760] : memref<10000x128xf32, #tpu.memory_space<hbm>> -> memref<10000x128xf32, #tpu.memory_space<hbm>>
      tpu.enqueue_indirect_dma source(%dma_start3A_761 : memref<10000x128xf32, #tpu.memory_space<hbm>>) target(%arg11 : memref<50x128xf32, #tpu.memory_space<vmem>>) offsets(%dma_start3A_758 : memref<50xi32, #tpu.memory_space<vmem>>) semaphore(%arg21 : memref<!tpu.dma_semaphore, #tpu.memory_space<semaphore_mem>>)
    }
    %scan3A_52 = arith.constant 12 : i32
    %dma_wait3A = arith.constant 0 : i32
    %dma_wait3A_53 = arith.constant 0 : i32
    %dma_wait3A_54 = tpu.memref_slice %arg5[%dma_wait3A, %dma_wait3A_53] : memref<8x50xi32, #tpu.memory_space<vmem>> -> memref<1x50xi32, #tpu.memory_space<vmem>>
    %dma_wait3A_55 = tpu.memref_squeeze %dma_wait3A_54 : memref<1x50xi32, #tpu.memory_space<vmem>> -> memref<50xi32, #tpu.memory_space<vmem>>
    %dma_wait3A_56 = arith.constant 0 : i32
    %dma_wait3A_57 = arith.constant 0 : i32
    %dma_wait3A_58 = tpu.memref_slice %arg2[%dma_wait3A_56, %dma_wait3A_57] : memref<10000x128xf32, #tpu.memory_space<hbm>> -> memref<10000x128xf32, #tpu.memory_space<hbm>>
    tpu.wait_indirect_dma semaphore(%arg19 : memref<!tpu.dma_semaphore, #tpu.memory_space<semaphore_mem>>) src(%dma_wait3A_58 : memref<10000x128xf32, #tpu.memory_space<hbm>>) dst(%arg9 : memref<50x128xf32, #tpu.memory_space<vmem>>)
    %dma_start3A_59 = arith.constant 0 : i32
    %dma_start3A_60 = arith.constant 0 : i32
    %dma_start3A_61 = tpu.memref_slice %arg6[%dma_start3A_59, %dma_start3A_60] : memref<8x50xi32, #tpu.memory_space<vmem>> -> memref<1x50xi32, #tpu.memory_space<vmem>>
    %dma_start3A_62 = tpu.memref_squeeze %dma_start3A_61 : memref<1x50xi32, #tpu.memory_space<vmem>> -> memref<50xi32, #tpu.memory_space<vmem>>
    %dma_start3A_63 = arith.constant 0 : i32
    %dma_start3A_64 = arith.constant 0 : i32
    %dma_start3A_65 = tpu.memref_slice %arg14[%dma_start3A_63, %dma_start3A_64] : memref<10000x128xf32, #tpu.memory_space<vmem_shared>> -> memref<10000x128xf32, #tpu.memory_space<vmem_shared>>
    tpu.enqueue_indirect_dma source(%arg9 : memref<50x128xf32, #tpu.memory_space<vmem>>) target(%dma_start3A_65 : memref<10000x128xf32, #tpu.memory_space<vmem_shared>>) offsets(%dma_start3A_62 : memref<50xi32, #tpu.memory_space<vmem>>) semaphore(%arg23 : memref<!tpu.dma_semaphore, #tpu.memory_space<semaphore_mem>>) {add = true}
    %dma_wait3A_66 = arith.constant 7 : i32
    %dma_wait3A_67 = arith.constant 0 : i32
    %dma_wait3A_68 = tpu.memref_slice %arg8[%dma_wait3A_66, %dma_wait3A_67] : memref<8x50xi32, #tpu.memory_space<vmem>> -> memref<1x50xi32, #tpu.memory_space<vmem>>
    %dma_wait3A_69 = tpu.memref_squeeze %dma_wait3A_68 : memref<1x50xi32, #tpu.memory_space<vmem>> -> memref<50xi32, #tpu.memory_space<vmem>>
    %dma_wait3A_70 = arith.constant 0 : i32
    %dma_wait3A_71 = arith.constant 0 : i32
    %dma_wait3A_72 = tpu.memref_slice %arg14[%dma_wait3A_70, %dma_wait3A_71] : memref<10000x128xf32, #tpu.memory_space<vmem_shared>> -> memref<10000x128xf32, #tpu.memory_space<vmem_shared>>
    tpu.wait_indirect_dma semaphore(%arg26 : memref<!tpu.dma_semaphore, #tpu.memory_space<semaphore_mem>>) src(%arg12 : memref<50x128xf32, #tpu.memory_space<vmem>>) dst(%dma_wait3A_72 : memref<10000x128xf32, #tpu.memory_space<vmem_shared>>)
    %dma_start3A_73 = arith.constant 3 : i32
    %dma_start3A_74 = arith.constant 0 : i32
    %dma_start3A_75 = tpu.memref_slice %arg5[%dma_start3A_73, %dma_start3A_74] : memref<8x50xi32, #tpu.memory_space<vmem>> -> memref<1x50xi32, #tpu.memory_space<vmem>>
    %dma_start3A_76 = tpu.memref_squeeze %dma_start3A_75 : memref<1x50xi32, #tpu.memory_space<vmem>> -> memref<50xi32, #tpu.memory_space<vmem>>
    %dma_start3A_77 = arith.constant 0 : i32
    %dma_start3A_78 = arith.constant 0 : i32
    %dma_start3A_79 = tpu.memref_slice %arg2[%dma_start3A_77, %dma_start3A_78] : memref<10000x128xf32, #tpu.memory_space<hbm>> -> memref<10000x128xf32, #tpu.memory_space<hbm>>
    tpu.enqueue_indirect_dma source(%dma_start3A_79 : memref<10000x128xf32, #tpu.memory_space<hbm>>) target(%arg12 : memref<50x128xf32, #tpu.memory_space<vmem>>) offsets(%dma_start3A_76 : memref<50xi32, #tpu.memory_space<vmem>>) semaphore(%arg22 : memref<!tpu.dma_semaphore, #tpu.memory_space<semaphore_mem>>)
    %dma_wait3A_80 = arith.constant 1 : i32
    %dma_wait3A_81 = arith.constant 0 : i32
    %dma_wait3A_82 = tpu.memref_slice %arg5[%dma_wait3A_80, %dma_wait3A_81] : memref<8x50xi32, #tpu.memory_space<vmem>> -> memref<1x50xi32, #tpu.memory_space<vmem>>
    %dma_wait3A_83 = tpu.memref_squeeze %dma_wait3A_82 : memref<1x50xi32, #tpu.memory_space<vmem>> -> memref<50xi32, #tpu.memory_space<vmem>>
    %dma_wait3A_84 = arith.constant 0 : i32
    %dma_wait3A_85 = arith.constant 0 : i32
    %dma_wait3A_86 = tpu.memref_slice %arg2[%dma_wait3A_84, %dma_wait3A_85] : memref<10000x128xf32, #tpu.memory_space<hbm>> -> memref<10000x128xf32, #tpu.memory_space<hbm>>
    tpu.wait_indirect_dma semaphore(%arg20 : memref<!tpu.dma_semaphore, #tpu.memory_space<semaphore_mem>>) src(%dma_wait3A_86 : memref<10000x128xf32, #tpu.memory_space<hbm>>) dst(%arg10 : memref<50x128xf32, #tpu.memory_space<vmem>>)
    %dma_start3A_87 = arith.constant 1 : i32
    %dma_start3A_88 = arith.constant 0 : i32
    %dma_start3A_89 = tpu.memref_slice %arg6[%dma_start3A_87, %dma_start3A_88] : memref<8x50xi32, #tpu.memory_space<vmem>> -> memref<1x50xi32, #tpu.memory_space<vmem>>
    %dma_start3A_90 = tpu.memref_squeeze %dma_start3A_89 : memref<1x50xi32, #tpu.memory_space<vmem>> -> memref<50xi32, #tpu.memory_space<vmem>>
    %dma_start3A_91 = arith.constant 0 : i32
    %dma_start3A_92 = arith.constant 0 : i32
    %dma_start3A_93 = tpu.memref_slice %arg14[%dma_start3A_91, %dma_start3A_92] : memref<10000x128xf32, #tpu.memory_space<vmem_shared>> -> memref<10000x128xf32, #tpu.memory_space<vmem_shared>>
    tpu.enqueue_indirect_dma source(%arg10 : memref<50x128xf32, #tpu.memory_space<vmem>>) target(%dma_start3A_93 : memref<10000x128xf32, #tpu.memory_space<vmem_shared>>) offsets(%dma_start3A_90 : memref<50xi32, #tpu.memory_space<vmem>>) semaphore(%arg24 : memref<!tpu.dma_semaphore, #tpu.memory_space<semaphore_mem>>) {add = true}
    %dma_wait3A_94 = arith.constant 0 : i32
    %dma_wait3A_95 = arith.constant 0 : i32
    %dma_wait3A_96 = tpu.memref_slice %arg6[%dma_wait3A_94, %dma_wait3A_95] : memref<8x50xi32, #tpu.memory_space<vmem>> -> memref<1x50xi32, #tpu.memory_space<vmem>>
    %dma_wait3A_97 = tpu.memref_squeeze %dma_wait3A_96 : memref<1x50xi32, #tpu.memory_space<vmem>> -> memref<50xi32, #tpu.memory_space<vmem>>
    %dma_wait3A_98 = arith.constant 0 : i32
    %dma_wait3A_99 = arith.constant 0 : i32
    %dma_wait3A_100 = tpu.memref_slice %arg14[%dma_wait3A_98, %dma_wait3A_99] : memref<10000x128xf32, #tpu.memory_space<vmem_shared>> -> memref<10000x128xf32, #tpu.memory_space<vmem_shared>>
    tpu.wait_indirect_dma semaphore(%arg23 : memref<!tpu.dma_semaphore, #tpu.memory_space<semaphore_mem>>) src(%arg9 : memref<50x128xf32, #tpu.memory_space<vmem>>) dst(%dma_wait3A_100 : memref<10000x128xf32, #tpu.memory_space<vmem_shared>>)
    %dma_start3A_101 = arith.constant 4 : i32
    %dma_start3A_102 = arith.constant 0 : i32
    %dma_start3A_103 = tpu.memref_slice %arg5[%dma_start3A_101, %dma_start3A_102] : memref<8x50xi32, #tpu.memory_space<vmem>> -> memref<1x50xi32, #tpu.memory_space<vmem>>
    %dma_start3A_104 = tpu.memref_squeeze %dma_start3A_103 : memref<1x50xi32, #tpu.memory_space<vmem>> -> memref<50xi32, #tpu.memory_space<vmem>>
    %dma_start3A_105 = arith.constant 0 : i32
    %dma_start3A_106 = arith.constant 0 : i32
    %dma_start3A_107 = tpu.memref_slice %arg2[%dma_start3A_105, %dma_start3A_106] : memref<10000x128xf32, #tpu.memory_space<hbm>> -> memref<10000x128xf32, #tpu.memory_space<hbm>>
    tpu.enqueue_indirect_dma source(%dma_start3A_107 : memref<10000x128xf32, #tpu.memory_space<hbm>>) target(%arg9 : memref<50x128xf32, #tpu.memory_space<vmem>>) offsets(%dma_start3A_104 : memref<50xi32, #tpu.memory_space<vmem>>) semaphore(%arg19 : memref<!tpu.dma_semaphore, #tpu.memory_space<semaphore_mem>>)
    %dma_wait3A_108 = arith.constant 2 : i32
    %dma_wait3A_109 = arith.constant 0 : i32
    %dma_wait3A_110 = tpu.memref_slice %arg5[%dma_wait3A_108, %dma_wait3A_109] : memref<8x50xi32, #tpu.memory_space<vmem>> -> memref<1x50xi32, #tpu.memory_space<vmem>>
    %dma_wait3A_111 = tpu.memref_squeeze %dma_wait3A_110 : memref<1x50xi32, #tpu.memory_space<vmem>> -> memref<50xi32, #tpu.memory_space<vmem>>
    %dma_wait3A_112 = arith.constant 0 : i32
    %dma_wait3A_113 = arith.constant 0 : i32
    %dma_wait3A_114 = tpu.memref_slice %arg2[%dma_wait3A_112, %dma_wait3A_113] : memref<10000x128xf32, #tpu.memory_space<hbm>> -> memref<10000x128xf32, #tpu.memory_space<hbm>>
    tpu.wait_indirect_dma semaphore(%arg21 : memref<!tpu.dma_semaphore, #tpu.memory_space<semaphore_mem>>) src(%dma_wait3A_114 : memref<10000x128xf32, #tpu.memory_space<hbm>>) dst(%arg11 : memref<50x128xf32, #tpu.memory_space<vmem>>)
    %dma_start3A_115 = arith.constant 2 : i32
    %dma_start3A_116 = arith.constant 0 : i32
    %dma_start3A_117 = tpu.memref_slice %arg6[%dma_start3A_115, %dma_start3A_116] : memref<8x50xi32, #tpu.memory_space<vmem>> -> memref<1x50xi32, #tpu.memory_space<vmem>>
    %dma_start3A_118 = tpu.memref_squeeze %dma_start3A_117 : memref<1x50xi32, #tpu.memory_space<vmem>> -> memref<50xi32, #tpu.memory_space<vmem>>
    %dma_start3A_119 = arith.constant 0 : i32
    %dma_start3A_120 = arith.constant 0 : i32
    %dma_start3A_121 = tpu.memref_slice %arg14[%dma_start3A_119, %dma_start3A_120] : memref<10000x128xf32, #tpu.memory_space<vmem_shared>> -> memref<10000x128xf32, #tpu.memory_space<vmem_shared>>
    tpu.enqueue_indirect_dma source(%arg11 : memref<50x128xf32, #tpu.memory_space<vmem>>) target(%dma_start3A_121 : memref<10000x128xf32, #tpu.memory_space<vmem_shared>>) offsets(%dma_start3A_118 : memref<50xi32, #tpu.memory_space<vmem>>) semaphore(%arg25 : memref<!tpu.dma_semaphore, #tpu.memory_space<semaphore_mem>>) {add = true}
    %dma_wait3A_122 = arith.constant 1 : i32
    %dma_wait3A_123 = arith.constant 0 : i32
    %dma_wait3A_124 = tpu.memref_slice %arg6[%dma_wait3A_122, %dma_wait3A_123] : memref<8x50xi32, #tpu.memory_space<vmem>> -> memref<1x50xi32, #tpu.memory_space<vmem>>
    %dma_wait3A_125 = tpu.memref_squeeze %dma_wait3A_124 : memref<1x50xi32, #tpu.memory_space<vmem>> -> memref<50xi32, #tpu.memory_space<vmem>>
    %dma_wait3A_126 = arith.constant 0 : i32
    %dma_wait3A_127 = arith.constant 0 : i32
    %dma_wait3A_128 = tpu.memref_slice %arg14[%dma_wait3A_126, %dma_wait3A_127] : memref<10000x128xf32, #tpu.memory_space<vmem_shared>> -> memref<10000x128xf32, #tpu.memory_space<vmem_shared>>
    tpu.wait_indirect_dma semaphore(%arg24 : memref<!tpu.dma_semaphore, #tpu.memory_space<semaphore_mem>>) src(%arg10 : memref<50x128xf32, #tpu.memory_space<vmem>>) dst(%dma_wait3A_128 : memref<10000x128xf32, #tpu.memory_space<vmem_shared>>)
    %dma_start3A_129 = arith.constant 5 : i32
    %dma_start3A_130 = arith.constant 0 : i32
    %dma_start3A_131 = tpu.memref_slice %arg5[%dma_start3A_129, %dma_start3A_130] : memref<8x50xi32, #tpu.memory_space<vmem>> -> memref<1x50xi32, #tpu.memory_space<vmem>>
    %dma_start3A_132 = tpu.memref_squeeze %dma_start3A_131 : memref<1x50xi32, #tpu.memory_space<vmem>> -> memref<50xi32, #tpu.memory_space<vmem>>
    %dma_start3A_133 = arith.constant 0 : i32
    %dma_start3A_134 = arith.constant 0 : i32
    %dma_start3A_135 = tpu.memref_slice %arg2[%dma_start3A_133, %dma_start3A_134] : memref<10000x128xf32, #tpu.memory_space<hbm>> -> memref<10000x128xf32, #tpu.memory_space<hbm>>
    tpu.enqueue_indirect_dma source(%dma_start3A_135 : memref<10000x128xf32, #tpu.memory_space<hbm>>) target(%arg10 : memref<50x128xf32, #tpu.memory_space<vmem>>) offsets(%dma_start3A_132 : memref<50xi32, #tpu.memory_space<vmem>>) semaphore(%arg20 : memref<!tpu.dma_semaphore, #tpu.memory_space<semaphore_mem>>)
    %dma_wait3A_136 = arith.constant 3 : i32
    %dma_wait3A_137 = arith.constant 0 : i32
    %dma_wait3A_138 = tpu.memref_slice %arg5[%dma_wait3A_136, %dma_wait3A_137] : memref<8x50xi32, #tpu.memory_space<vmem>> -> memref<1x50xi32, #tpu.memory_space<vmem>>
    %dma_wait3A_139 = tpu.memref_squeeze %dma_wait3A_138 : memref<1x50xi32, #tpu.memory_space<vmem>> -> memref<50xi32, #tpu.memory_space<vmem>>
    %dma_wait3A_140 = arith.constant 0 : i32
    %dma_wait3A_141 = arith.constant 0 : i32
    %dma_wait3A_142 = tpu.memref_slice %arg2[%dma_wait3A_140, %dma_wait3A_141] : memref<10000x128xf32, #tpu.memory_space<hbm>> -> memref<10000x128xf32, #tpu.memory_space<hbm>>
    tpu.wait_indirect_dma semaphore(%arg22 : memref<!tpu.dma_semaphore, #tpu.memory_space<semaphore_mem>>) src(%dma_wait3A_142 : memref<10000x128xf32, #tpu.memory_space<hbm>>) dst(%arg12 : memref<50x128xf32, #tpu.memory_space<vmem>>)
    %dma_start3A_143 = arith.constant 3 : i32
    %dma_start3A_144 = arith.constant 0 : i32
    %dma_start3A_145 = tpu.memref_slice %arg6[%dma_start3A_143, %dma_start3A_144] : memref<8x50xi32, #tpu.memory_space<vmem>> -> memref<1x50xi32, #tpu.memory_space<vmem>>
    %dma_start3A_146 = tpu.memref_squeeze %dma_start3A_145 : memref<1x50xi32, #tpu.memory_space<vmem>> -> memref<50xi32, #tpu.memory_space<vmem>>
    %dma_start3A_147 = arith.constant 0 : i32
    %dma_start3A_148 = arith.constant 0 : i32
    %dma_start3A_149 = tpu.memref_slice %arg14[%dma_start3A_147, %dma_start3A_148] : memref<10000x128xf32, #tpu.memory_space<vmem_shared>> -> memref<10000x128xf32, #tpu.memory_space<vmem_shared>>
    tpu.enqueue_indirect_dma source(%arg12 : memref<50x128xf32, #tpu.memory_space<vmem>>) target(%dma_start3A_149 : memref<10000x128xf32, #tpu.memory_space<vmem_shared>>) offsets(%dma_start3A_146 : memref<50xi32, #tpu.memory_space<vmem>>) semaphore(%arg26 : memref<!tpu.dma_semaphore, #tpu.memory_space<semaphore_mem>>) {add = true}
    %dma_wait3A_150 = arith.constant 2 : i32
    %dma_wait3A_151 = arith.constant 0 : i32
    %dma_wait3A_152 = tpu.memref_slice %arg6[%dma_wait3A_150, %dma_wait3A_151] : memref<8x50xi32, #tpu.memory_space<vmem>> -> memref<1x50xi32, #tpu.memory_space<vmem>>
    %dma_wait3A_153 = tpu.memref_squeeze %dma_wait3A_152 : memref<1x50xi32, #tpu.memory_space<vmem>> -> memref<50xi32, #tpu.memory_space<vmem>>
    %dma_wait3A_154 = arith.constant 0 : i32
    %dma_wait3A_155 = arith.constant 0 : i32
    %dma_wait3A_156 = tpu.memref_slice %arg14[%dma_wait3A_154, %dma_wait3A_155] : memref<10000x128xf32, #tpu.memory_space<vmem_shared>> -> memref<10000x128xf32, #tpu.memory_space<vmem_shared>>
    tpu.wait_indirect_dma semaphore(%arg25 : memref<!tpu.dma_semaphore, #tpu.memory_space<semaphore_mem>>) src(%arg11 : memref<50x128xf32, #tpu.memory_space<vmem>>) dst(%dma_wait3A_156 : memref<10000x128xf32, #tpu.memory_space<vmem_shared>>)
    %dma_start3A_157 = arith.constant 6 : i32
    %dma_start3A_158 = arith.constant 0 : i32
    %dma_start3A_159 = tpu.memref_slice %arg5[%dma_start3A_157, %dma_start3A_158] : memref<8x50xi32, #tpu.memory_space<vmem>> -> memref<1x50xi32, #tpu.memory_space<vmem>>
    %dma_start3A_160 = tpu.memref_squeeze %dma_start3A_159 : memref<1x50xi32, #tpu.memory_space<vmem>> -> memref<50xi32, #tpu.memory_space<vmem>>
    %dma_start3A_161 = arith.constant 0 : i32
    %dma_start3A_162 = arith.constant 0 : i32
    %dma_start3A_163 = tpu.memref_slice %arg2[%dma_start3A_161, %dma_start3A_162] : memref<10000x128xf32, #tpu.memory_space<hbm>> -> memref<10000x128xf32, #tpu.memory_space<hbm>>
    tpu.enqueue_indirect_dma source(%dma_start3A_163 : memref<10000x128xf32, #tpu.memory_space<hbm>>) target(%arg11 : memref<50x128xf32, #tpu.memory_space<vmem>>) offsets(%dma_start3A_160 : memref<50xi32, #tpu.memory_space<vmem>>) semaphore(%arg21 : memref<!tpu.dma_semaphore, #tpu.memory_space<semaphore_mem>>)
    %dma_wait3A_164 = arith.constant 4 : i32
    %dma_wait3A_165 = arith.constant 0 : i32
    %dma_wait3A_166 = tpu.memref_slice %arg5[%dma_wait3A_164, %dma_wait3A_165] : memref<8x50xi32, #tpu.memory_space<vmem>> -> memref<1x50xi32, #tpu.memory_space<vmem>>
    %dma_wait3A_167 = tpu.memref_squeeze %dma_wait3A_166 : memref<1x50xi32, #tpu.memory_space<vmem>> -> memref<50xi32, #tpu.memory_space<vmem>>
    %dma_wait3A_168 = arith.constant 0 : i32
    %dma_wait3A_169 = arith.constant 0 : i32
    %dma_wait3A_170 = tpu.memref_slice %arg2[%dma_wait3A_168, %dma_wait3A_169] : memref<10000x128xf32, #tpu.memory_space<hbm>> -> memref<10000x128xf32, #tpu.memory_space<hbm>>
    tpu.wait_indirect_dma semaphore(%arg19 : memref<!tpu.dma_semaphore, #tpu.memory_space<semaphore_mem>>) src(%dma_wait3A_170 : memref<10000x128xf32, #tpu.memory_space<hbm>>) dst(%arg9 : memref<50x128xf32, #tpu.memory_space<vmem>>)
    %dma_start3A_171 = arith.constant 4 : i32
    %dma_start3A_172 = arith.constant 0 : i32
    %dma_start3A_173 = tpu.memref_slice %arg6[%dma_start3A_171, %dma_start3A_172] : memref<8x50xi32, #tpu.memory_space<vmem>> -> memref<1x50xi32, #tpu.memory_space<vmem>>
    %dma_start3A_174 = tpu.memref_squeeze %dma_start3A_173 : memref<1x50xi32, #tpu.memory_space<vmem>> -> memref<50xi32, #tpu.memory_space<vmem>>
    %dma_start3A_175 = arith.constant 0 : i32
    %dma_start3A_176 = arith.constant 0 : i32
    %dma_start3A_177 = tpu.memref_slice %arg14[%dma_start3A_175, %dma_start3A_176] : memref<10000x128xf32, #tpu.memory_space<vmem_shared>> -> memref<10000x128xf32, #tpu.memory_space<vmem_shared>>
    tpu.enqueue_indirect_dma source(%arg9 : memref<50x128xf32, #tpu.memory_space<vmem>>) target(%dma_start3A_177 : memref<10000x128xf32, #tpu.memory_space<vmem_shared>>) offsets(%dma_start3A_174 : memref<50xi32, #tpu.memory_space<vmem>>) semaphore(%arg23 : memref<!tpu.dma_semaphore, #tpu.memory_space<semaphore_mem>>) {add = true}
    %dma_wait3A_178 = arith.constant 3 : i32
    %dma_wait3A_179 = arith.constant 0 : i32
    %dma_wait3A_180 = tpu.memref_slice %arg6[%dma_wait3A_178, %dma_wait3A_179] : memref<8x50xi32, #tpu.memory_space<vmem>> -> memref<1x50xi32, #tpu.memory_space<vmem>>
    %dma_wait3A_181 = tpu.memref_squeeze %dma_wait3A_180 : memref<1x50xi32, #tpu.memory_space<vmem>> -> memref<50xi32, #tpu.memory_space<vmem>>
    %dma_wait3A_182 = arith.constant 0 : i32
    %dma_wait3A_183 = arith.constant 0 : i32
    %dma_wait3A_184 = tpu.memref_slice %arg14[%dma_wait3A_182, %dma_wait3A_183] : memref<10000x128xf32, #tpu.memory_space<vmem_shared>> -> memref<10000x128xf32, #tpu.memory_space<vmem_shared>>
    tpu.wait_indirect_dma semaphore(%arg26 : memref<!tpu.dma_semaphore, #tpu.memory_space<semaphore_mem>>) src(%arg12 : memref<50x128xf32, #tpu.memory_space<vmem>>) dst(%dma_wait3A_184 : memref<10000x128xf32, #tpu.memory_space<vmem_shared>>)
    %dma_start3A_185 = arith.constant 7 : i32
    %dma_start3A_186 = arith.constant 0 : i32
    %dma_start3A_187 = tpu.memref_slice %arg5[%dma_start3A_185, %dma_start3A_186] : memref<8x50xi32, #tpu.memory_space<vmem>> -> memref<1x50xi32, #tpu.memory_space<vmem>>
    %dma_start3A_188 = tpu.memref_squeeze %dma_start3A_187 : memref<1x50xi32, #tpu.memory_space<vmem>> -> memref<50xi32, #tpu.memory_space<vmem>>
    %dma_start3A_189 = arith.constant 0 : i32
    %dma_start3A_190 = arith.constant 0 : i32
    %dma_start3A_191 = tpu.memref_slice %arg2[%dma_start3A_189, %dma_start3A_190] : memref<10000x128xf32, #tpu.memory_space<hbm>> -> memref<10000x128xf32, #tpu.memory_space<hbm>>
    tpu.enqueue_indirect_dma source(%dma_start3A_191 : memref<10000x128xf32, #tpu.memory_space<hbm>>) target(%arg12 : memref<50x128xf32, #tpu.memory_space<vmem>>) offsets(%dma_start3A_188 : memref<50xi32, #tpu.memory_space<vmem>>) semaphore(%arg22 : memref<!tpu.dma_semaphore, #tpu.memory_space<semaphore_mem>>)
    %dma_wait3A_192 = arith.constant 5 : i32
    %dma_wait3A_193 = arith.constant 0 : i32
    %dma_wait3A_194 = tpu.memref_slice %arg5[%dma_wait3A_192, %dma_wait3A_193] : memref<8x50xi32, #tpu.memory_space<vmem>> -> memref<1x50xi32, #tpu.memory_space<vmem>>
    %dma_wait3A_195 = tpu.memref_squeeze %dma_wait3A_194 : memref<1x50xi32, #tpu.memory_space<vmem>> -> memref<50xi32, #tpu.memory_space<vmem>>
    %dma_wait3A_196 = arith.constant 0 : i32
    %dma_wait3A_197 = arith.constant 0 : i32
    %dma_wait3A_198 = tpu.memref_slice %arg2[%dma_wait3A_196, %dma_wait3A_197] : memref<10000x128xf32, #tpu.memory_space<hbm>> -> memref<10000x128xf32, #tpu.memory_space<hbm>>
    tpu.wait_indirect_dma semaphore(%arg20 : memref<!tpu.dma_semaphore, #tpu.memory_space<semaphore_mem>>) src(%dma_wait3A_198 : memref<10000x128xf32, #tpu.memory_space<hbm>>) dst(%arg10 : memref<50x128xf32, #tpu.memory_space<vmem>>)
    %dma_start3A_199 = arith.constant 5 : i32
    %dma_start3A_200 = arith.constant 0 : i32
    %dma_start3A_201 = tpu.memref_slice %arg6[%dma_start3A_199, %dma_start3A_200] : memref<8x50xi32, #tpu.memory_space<vmem>> -> memref<1x50xi32, #tpu.memory_space<vmem>>
    %dma_start3A_202 = tpu.memref_squeeze %dma_start3A_201 : memref<1x50xi32, #tpu.memory_space<vmem>> -> memref<50xi32, #tpu.memory_space<vmem>>
    %dma_start3A_203 = arith.constant 0 : i32
    %dma_start3A_204 = arith.constant 0 : i32
    %dma_start3A_205 = tpu.memref_slice %arg14[%dma_start3A_203, %dma_start3A_204] : memref<10000x128xf32, #tpu.memory_space<vmem_shared>> -> memref<10000x128xf32, #tpu.memory_space<vmem_shared>>
    tpu.enqueue_indirect_dma source(%arg10 : memref<50x128xf32, #tpu.memory_space<vmem>>) target(%dma_start3A_205 : memref<10000x128xf32, #tpu.memory_space<vmem_shared>>) offsets(%dma_start3A_202 : memref<50xi32, #tpu.memory_space<vmem>>) semaphore(%arg24 : memref<!tpu.dma_semaphore, #tpu.memory_space<semaphore_mem>>) {add = true}
    %dma_wait3A_206 = arith.constant 4 : i32
    %dma_wait3A_207 = arith.constant 0 : i32
    %dma_wait3A_208 = tpu.memref_slice %arg6[%dma_wait3A_206, %dma_wait3A_207] : memref<8x50xi32, #tpu.memory_space<vmem>> -> memref<1x50xi32, #tpu.memory_space<vmem>>
    %dma_wait3A_209 = tpu.memref_squeeze %dma_wait3A_208 : memref<1x50xi32, #tpu.memory_space<vmem>> -> memref<50xi32, #tpu.memory_space<vmem>>
    %dma_wait3A_210 = arith.constant 0 : i32
    %dma_wait3A_211 = arith.constant 0 : i32
    %dma_wait3A_212 = tpu.memref_slice %arg14[%dma_wait3A_210, %dma_wait3A_211] : memref<10000x128xf32, #tpu.memory_space<vmem_shared>> -> memref<10000x128xf32, #tpu.memory_space<vmem_shared>>
    tpu.wait_indirect_dma semaphore(%arg23 : memref<!tpu.dma_semaphore, #tpu.memory_space<semaphore_mem>>) src(%arg9 : memref<50x128xf32, #tpu.memory_space<vmem>>) dst(%dma_wait3A_212 : memref<10000x128xf32, #tpu.memory_space<vmem_shared>>)
    %dma_wait3A_213 = arith.constant 6 : i32
    %dma_wait3A_214 = arith.constant 0 : i32
    %dma_wait3A_215 = tpu.memref_slice %arg5[%dma_wait3A_213, %dma_wait3A_214] : memref<8x50xi32, #tpu.memory_space<vmem>> -> memref<1x50xi32, #tpu.memory_space<vmem>>
    %dma_wait3A_216 = tpu.memref_squeeze %dma_wait3A_215 : memref<1x50xi32, #tpu.memory_space<vmem>> -> memref<50xi32, #tpu.memory_space<vmem>>
    %dma_wait3A_217 = arith.constant 0 : i32
    %dma_wait3A_218 = arith.constant 0 : i32
    %dma_wait3A_219 = tpu.memref_slice %arg2[%dma_wait3A_217, %dma_wait3A_218] : memref<10000x128xf32, #tpu.memory_space<hbm>> -> memref<10000x128xf32, #tpu.memory_space<hbm>>
    tpu.wait_indirect_dma semaphore(%arg21 : memref<!tpu.dma_semaphore, #tpu.memory_space<semaphore_mem>>) src(%dma_wait3A_219 : memref<10000x128xf32, #tpu.memory_space<hbm>>) dst(%arg11 : memref<50x128xf32, #tpu.memory_space<vmem>>)
    %dma_start3A_220 = arith.constant 6 : i32
    %dma_start3A_221 = arith.constant 0 : i32
    %dma_start3A_222 = tpu.memref_slice %arg6[%dma_start3A_220, %dma_start3A_221] : memref<8x50xi32, #tpu.memory_space<vmem>> -> memref<1x50xi32, #tpu.memory_space<vmem>>
    %dma_start3A_223 = tpu.memref_squeeze %dma_start3A_222 : memref<1x50xi32, #tpu.memory_space<vmem>> -> memref<50xi32, #tpu.memory_space<vmem>>
    %dma_start3A_224 = arith.constant 0 : i32
    %dma_start3A_225 = arith.constant 0 : i32
    %dma_start3A_226 = tpu.memref_slice %arg14[%dma_start3A_224, %dma_start3A_225] : memref<10000x128xf32, #tpu.memory_space<vmem_shared>> -> memref<10000x128xf32, #tpu.memory_space<vmem_shared>>
    tpu.enqueue_indirect_dma source(%arg11 : memref<50x128xf32, #tpu.memory_space<vmem>>) target(%dma_start3A_226 : memref<10000x128xf32, #tpu.memory_space<vmem_shared>>) offsets(%dma_start3A_223 : memref<50xi32, #tpu.memory_space<vmem>>) semaphore(%arg25 : memref<!tpu.dma_semaphore, #tpu.memory_space<semaphore_mem>>) {add = true}
    %dma_wait3A_227 = arith.constant 5 : i32
    %dma_wait3A_228 = arith.constant 0 : i32
    %dma_wait3A_229 = tpu.memref_slice %arg6[%dma_wait3A_227, %dma_wait3A_228] : memref<8x50xi32, #tpu.memory_space<vmem>> -> memref<1x50xi32, #tpu.memory_space<vmem>>
    %dma_wait3A_230 = tpu.memref_squeeze %dma_wait3A_229 : memref<1x50xi32, #tpu.memory_space<vmem>> -> memref<50xi32, #tpu.memory_space<vmem>>
    %dma_wait3A_231 = arith.constant 0 : i32
    %dma_wait3A_232 = arith.constant 0 : i32
    %dma_wait3A_233 = tpu.memref_slice %arg14[%dma_wait3A_231, %dma_wait3A_232] : memref<10000x128xf32, #tpu.memory_space<vmem_shared>> -> memref<10000x128xf32, #tpu.memory_space<vmem_shared>>
    tpu.wait_indirect_dma semaphore(%arg24 : memref<!tpu.dma_semaphore, #tpu.memory_space<semaphore_mem>>) src(%arg10 : memref<50x128xf32, #tpu.memory_space<vmem>>) dst(%dma_wait3A_233 : memref<10000x128xf32, #tpu.memory_space<vmem_shared>>)
    %dma_wait3A_234 = arith.constant 7 : i32
    %dma_wait3A_235 = arith.constant 0 : i32
    %dma_wait3A_236 = tpu.memref_slice %arg5[%dma_wait3A_234, %dma_wait3A_235] : memref<8x50xi32, #tpu.memory_space<vmem>> -> memref<1x50xi32, #tpu.memory_space<vmem>>
    %dma_wait3A_237 = tpu.memref_squeeze %dma_wait3A_236 : memref<1x50xi32, #tpu.memory_space<vmem>> -> memref<50xi32, #tpu.memory_space<vmem>>
    %dma_wait3A_238 = arith.constant 0 : i32
    %dma_wait3A_239 = arith.constant 0 : i32
    %dma_wait3A_240 = tpu.memref_slice %arg2[%dma_wait3A_238, %dma_wait3A_239] : memref<10000x128xf32, #tpu.memory_space<hbm>> -> memref<10000x128xf32, #tpu.memory_space<hbm>>
    tpu.wait_indirect_dma semaphore(%arg22 : memref<!tpu.dma_semaphore, #tpu.memory_space<semaphore_mem>>) src(%dma_wait3A_240 : memref<10000x128xf32, #tpu.memory_space<hbm>>) dst(%arg12 : memref<50x128xf32, #tpu.memory_space<vmem>>)
    %dma_start3A_241 = arith.constant 7 : i32
    %dma_start3A_242 = arith.constant 0 : i32
    %dma_start3A_243 = tpu.memref_slice %arg6[%dma_start3A_241, %dma_start3A_242] : memref<8x50xi32, #tpu.memory_space<vmem>> -> memref<1x50xi32, #tpu.memory_space<vmem>>
    %dma_start3A_244 = tpu.memref_squeeze %dma_start3A_243 : memref<1x50xi32, #tpu.memory_space<vmem>> -> memref<50xi32, #tpu.memory_space<vmem>>
    %dma_start3A_245 = arith.constant 0 : i32
    %dma_start3A_246 = arith.constant 0 : i32
    %dma_start3A_247 = tpu.memref_slice %arg14[%dma_start3A_245, %dma_start3A_246] : memref<10000x128xf32, #tpu.memory_space<vmem_shared>> -> memref<10000x128xf32, #tpu.memory_space<vmem_shared>>
    tpu.enqueue_indirect_dma source(%arg12 : memref<50x128xf32, #tpu.memory_space<vmem>>) target(%dma_start3A_247 : memref<10000x128xf32, #tpu.memory_space<vmem_shared>>) offsets(%dma_start3A_244 : memref<50xi32, #tpu.memory_space<vmem>>) semaphore(%arg26 : memref<!tpu.dma_semaphore, #tpu.memory_space<semaphore_mem>>) {add = true}
    %dma_wait3A_248 = arith.constant 6 : i32
    %dma_wait3A_249 = arith.constant 0 : i32
    %dma_wait3A_250 = tpu.memref_slice %arg6[%dma_wait3A_248, %dma_wait3A_249] : memref<8x50xi32, #tpu.memory_space<vmem>> -> memref<1x50xi32, #tpu.memory_space<vmem>>
    %dma_wait3A_251 = tpu.memref_squeeze %dma_wait3A_250 : memref<1x50xi32, #tpu.memory_space<vmem>> -> memref<50xi32, #tpu.memory_space<vmem>>
    %dma_wait3A_252 = arith.constant 0 : i32
    %dma_wait3A_253 = arith.constant 0 : i32
    %dma_wait3A_254 = tpu.memref_slice %arg14[%dma_wait3A_252, %dma_wait3A_253] : memref<10000x128xf32, #tpu.memory_space<vmem_shared>> -> memref<10000x128xf32, #tpu.memory_space<vmem_shared>>
    tpu.wait_indirect_dma semaphore(%arg25 : memref<!tpu.dma_semaphore, #tpu.memory_space<semaphore_mem>>) src(%arg11 : memref<50x128xf32, #tpu.memory_space<vmem>>) dst(%dma_wait3A_254 : memref<10000x128xf32, #tpu.memory_space<vmem_shared>>)
    %dma_wait3A_255 = arith.constant 7 : i32
    %dma_wait3A_256 = arith.constant 0 : i32
    %dma_wait3A_257 = tpu.memref_slice %arg6[%dma_wait3A_255, %dma_wait3A_256] : memref<8x50xi32, #tpu.memory_space<vmem>> -> memref<1x50xi32, #tpu.memory_space<vmem>>
    %dma_wait3A_258 = tpu.memref_squeeze %dma_wait3A_257 : memref<1x50xi32, #tpu.memory_space<vmem>> -> memref<50xi32, #tpu.memory_space<vmem>>
    %dma_wait3A_259 = arith.constant 0 : i32
    %dma_wait3A_260 = arith.constant 0 : i32
    %dma_wait3A_261 = tpu.memref_slice %arg14[%dma_wait3A_259, %dma_wait3A_260] : memref<10000x128xf32, #tpu.memory_space<vmem_shared>> -> memref<10000x128xf32, #tpu.memory_space<vmem_shared>>
    tpu.wait_indirect_dma semaphore(%arg26 : memref<!tpu.dma_semaphore, #tpu.memory_space<semaphore_mem>>) src(%arg12 : memref<50x128xf32, #tpu.memory_space<vmem>>) dst(%dma_wait3A_261 : memref<10000x128xf32, #tpu.memory_space<vmem_shared>>)
    %barrier3A_262 = arith.constant 0 : index
    tpu.barrier barrier_id(%barrier3A_262)
    %lt3A = arith.constant 15 : i32
    %lt3A_263 = arith.cmpi slt, %arg1, %lt3A : i32
    %convert_element_type3A = arith.extui %lt3A_263 : i1 to i32
    %cond3A = arith.constant 0 : i32
    %cond3A_264 = arith.cmpi ne, %convert_element_type3A, %cond3A : i32
    scf.if %cond3A_264 {
      %mul3A_270 = arith.constant 640 : i32
      %mul3A_271 = arith.muli %arg1, %mul3A_270 : i32
      %mul3A_272 = arith.constant 640 : i32
      %mul3A_273 = arith.muli %arg1, %mul3A_272 : i32
      "tpu.region"() ({
        %run_scoped3A_274 = tpu.sem_alloc : memref<!tpu.dma_semaphore, #tpu.memory_space<semaphore_mem>>
        %dma_start3A_275 = arith.constant 0 : i32
        %dma_start3A_276 = tpu.memref_slice %arg4[%arg0, %mul3A_273, %dma_start3A_275] : memref<2x10000x128xf32, #tpu.memory_space<hbm>> -> memref<1x640x128xf32, #tpu.memory_space<hbm>>
        %dma_start3A_277 = tpu.memref_squeeze %dma_start3A_276 : memref<1x640x128xf32, #tpu.memory_space<hbm>> -> memref<640x128xf32, #tpu.memory_space<hbm>>
        %dma_start3A_278 = arith.constant 0 : i32
        %dma_start3A_279 = tpu.memref_slice %arg14[%mul3A_271, %dma_start3A_278] : memref<10000x128xf32, #tpu.memory_space<vmem_shared>> -> memref<640x128xf32, #tpu.memory_space<vmem_shared>>
        tpu.enqueue_dma source(%dma_start3A_279 : memref<640x128xf32, #tpu.memory_space<vmem_shared>>) target(%dma_start3A_277 : memref<640x128xf32, #tpu.memory_space<hbm>>) target_semaphore(%run_scoped3A_274 : memref<!tpu.dma_semaphore, #tpu.memory_space<semaphore_mem>>)
        %dma_wait3A_280 = arith.constant 0 : i32
        %dma_wait3A_281 = tpu.memref_slice %arg4[%arg0, %mul3A_273, %dma_wait3A_280] : memref<2x10000x128xf32, #tpu.memory_space<hbm>> -> memref<1x640x128xf32, #tpu.memory_space<hbm>>
        %dma_wait3A_282 = tpu.memref_squeeze %dma_wait3A_281 : memref<1x640x128xf32, #tpu.memory_space<hbm>> -> memref<640x128xf32, #tpu.memory_space<hbm>>
        %dma_wait3A_283 = arith.constant 0 : i32
        %dma_wait3A_284 = tpu.memref_slice %arg14[%mul3A_271, %dma_wait3A_283] : memref<10000x128xf32, #tpu.memory_space<vmem_shared>> -> memref<640x128xf32, #tpu.memory_space<vmem_shared>>
        tpu.wait_dma2 semaphore(%run_scoped3A_274 : memref<!tpu.dma_semaphore, #tpu.memory_space<semaphore_mem>>) src(%dma_wait3A_284 : memref<640x128xf32, #tpu.memory_space<vmem_shared>>) dst(%dma_wait3A_282 : memref<640x128xf32, #tpu.memory_space<hbm>>)
        tpu.yield
      }) : () -> ()
    } else {
    }
    %eq3A_265 = arith.constant 15 : i32
    %eq3A_266 = arith.cmpi eq, %arg1, %eq3A_265 : i32
    %convert_element_type3A_267 = arith.extui %eq3A_266 : i1 to i32
    %cond3A_268 = arith.constant 0 : i32
    %cond3A_269 = arith.cmpi ne, %convert_element_type3A_267, %cond3A_268 : i32
    scf.if %cond3A_269 {
      "tpu.region"() ({
        %run_scoped3A_270 = tpu.sem_alloc : memref<!tpu.dma_semaphore, #tpu.memory_space<semaphore_mem>>
        %dma_start3A_271 = arith.constant 9600 : i32
        %dma_start3A_272 = arith.constant 0 : i32
        %dma_start3A_273 = tpu.memref_slice %arg4[%arg0, %dma_start3A_271, %dma_start3A_272] : memref<2x10000x128xf32, #tpu.memory_space<hbm>> -> memref<1x400x128xf32, #tpu.memory_space<hbm>>
        %dma_start3A_274 = tpu.memref_squeeze %dma_start3A_273 : memref<1x400x128xf32, #tpu.memory_space<hbm>> -> memref<400x128xf32, #tpu.memory_space<hbm>>
        %dma_start3A_275 = arith.constant 9600 : i32
        %dma_start3A_276 = arith.constant 0 : i32
        %dma_start3A_277 = tpu.memref_slice %arg14[%dma_start3A_275, %dma_start3A_276] : memref<10000x128xf32, #tpu.memory_space<vmem_shared>> -> memref<400x128xf32, #tpu.memory_space<vmem_shared>>
        tpu.enqueue_dma source(%dma_start3A_277 : memref<400x128xf32, #tpu.memory_space<vmem_shared>>) target(%dma_start3A_274 : memref<400x128xf32, #tpu.memory_space<hbm>>) target_semaphore(%run_scoped3A_270 : memref<!tpu.dma_semaphore, #tpu.memory_space<semaphore_mem>>)
        %dma_wait3A_278 = arith.constant 9600 : i32
        %dma_wait3A_279 = arith.constant 0 : i32
        %dma_wait3A_280 = tpu.memref_slice %arg4[%arg0, %dma_wait3A_278, %dma_wait3A_279] : memref<2x10000x128xf32, #tpu.memory_space<hbm>> -> memref<1x400x128xf32, #tpu.memory_space<hbm>>
        %dma_wait3A_281 = tpu.memref_squeeze %dma_wait3A_280 : memref<1x400x128xf32, #tpu.memory_space<hbm>> -> memref<400x128xf32, #tpu.memory_space<hbm>>
        %dma_wait3A_282 = arith.constant 9600 : i32
        %dma_wait3A_283 = arith.constant 0 : i32
        %dma_wait3A_284 = tpu.memref_slice %arg14[%dma_wait3A_282, %dma_wait3A_283] : memref<10000x128xf32, #tpu.memory_space<vmem_shared>> -> memref<400x128xf32, #tpu.memory_space<vmem_shared>>
        tpu.wait_dma2 semaphore(%run_scoped3A_270 : memref<!tpu.dma_semaphore, #tpu.memory_space<semaphore_mem>>) src(%dma_wait3A_284 : memref<400x128xf32, #tpu.memory_space<vmem_shared>>) dst(%dma_wait3A_281 : memref<400x128xf32, #tpu.memory_space<hbm>>)
        tpu.yield
      }) : () -> ()
    } else {
    }
    return
  }
}

module attributes {stable_mosaic.version = 14 : i64} {
  func.func @_relayout_body(%arg0: i32, %arg1: memref<2x80000xi32, #tpu.memory_space<vmem>>, %arg2: memref<2x8x200x50xi32, #tpu.memory_space<vmem>>) attributes {dimension_semantics = [#tpu.dimension_semantics<arbitrary>], iteration_bounds = array<i64: 4>, scalar_prefetch = 0 : i64, scratch_operands = 0 : i64, tpu.core_type = #tpu.core_type<tc>, window_params = [{transform_indices = @transform_0, window_bounds = array<i64: 2, 80000>}, {transform_indices = @transform_1, window_bounds = array<i64: 2, 8, 200, 50>}]} {
    %get3A = arith.constant 0 : index
    %get3A_0 = arith.constant 0 : index
    %get3A_1 = vector.load %arg1[%get3A, %get3A_0] : memref<2x80000xi32, #tpu.memory_space<vmem>>, vector<2x80000xi32>
    %reshape3A = vector.shape_cast %get3A_1 : vector<2x80000xi32> to vector<2x8x200x50xi32>
    %swap3A = arith.constant 0 : index
    %swap3A_2 = arith.constant 0 : index
    %swap3A_3 = arith.constant 0 : index
    %swap3A_4 = arith.constant 0 : index
    %swap3A_5 = vector.load %arg2[%swap3A, %swap3A_2, %swap3A_3, %swap3A_4] : memref<2x8x200x50xi32, #tpu.memory_space<vmem>>, vector<2x8x200x50xi32>
    tpu.vector_store %arg2[%swap3A, %swap3A_2, %swap3A_3, %swap3A_4], %reshape3A {strides = array<i32>} : memref<2x8x200x50xi32, #tpu.memory_space<vmem>>, vector<2x8x200x50xi32>,
    return
  }
  func.func @transform_0(%arg0: i32) -> (i32, i32) {
    %c0_i32 = arith.constant 0 : i32
    %c0_i32_0 = arith.constant 0 : i32
    return %c0_i32, %arg0 : i32, i32
  }
  func.func @transform_1(%arg0: i32) -> (i32, i32, i32, i32) {
    %c0_i32 = arith.constant 0 : i32
    %c0_i32_0 = arith.constant 0 : i32
    %c0_i32_1 = arith.constant 0 : i32
    %c0_i32_2 = arith.constant 0 : i32
    return %c0_i32, %arg0, %c0_i32_0, %c0_i32_1 : i32, i32, i32, i32
  }
}

module attributes {stable_mosaic.version = 14 : i64} {
  func.func @_tc_body(%arg0: i32, %arg1: memref<5000x128xf32, #tpu.memory_space<vmem>>, %arg2: memref<2x5000x128xf32, #tpu.memory_space<vmem>>, %arg3: memref<128x128xf32, #tpu.memory_space<vmem>>, %arg4: memref<128x128xf32, #tpu.memory_space<vmem>>, %arg5: memref<1x128xf32, #tpu.memory_space<vmem>>, %arg6: memref<128x128xf32, #tpu.memory_space<vmem>>, %arg7: memref<1x128xf32, #tpu.memory_space<vmem>>, %arg8: memref<128x10xf32, #tpu.memory_space<vmem>>, %arg9: memref<1x10xf32, #tpu.memory_space<vmem>>, %arg10: memref<1x10xf32, #tpu.memory_space<vmem>>, %arg11: memref<1x128xf32, #tpu.memory_space<vmem>>) attributes {dimension_semantics = [#tpu.dimension_semantics<arbitrary>], iteration_bounds = array<i64: 2>, scalar_prefetch = 0 : i64, scratch_operands = 1 : i64, tpu.core_type = #tpu.core_type<tc>, window_params = [{transform_indices = @transform_0, window_bounds = array<i64: 5000, 128>}, {transform_indices = @transform_1, window_bounds = array<i64: 2, 5000, 128>}, {pipeline_mode = #tpu.pipeline_mode<synchronous>, transform_indices = @transform_2, window_bounds = array<i64: 128, 128>}, {pipeline_mode = #tpu.pipeline_mode<synchronous>, transform_indices = @transform_3, window_bounds = array<i64: 128, 128>}, {pipeline_mode = #tpu.pipeline_mode<synchronous>, transform_indices = @transform_4, window_bounds = array<i64: 1, 128>}, {pipeline_mode = #tpu.pipeline_mode<synchronous>, transform_indices = @transform_5, window_bounds = array<i64: 128, 128>}, {pipeline_mode = #tpu.pipeline_mode<synchronous>, transform_indices = @transform_6, window_bounds = array<i64: 1, 128>}, {pipeline_mode = #tpu.pipeline_mode<synchronous>, transform_indices = @transform_7, window_bounds = array<i64: 128, 10>}, {pipeline_mode = #tpu.pipeline_mode<synchronous>, transform_indices = @transform_8, window_bounds = array<i64: 1, 10>}, {pipeline_mode = #tpu.pipeline_mode<synchronous>, transform_indices = @transform_9, window_bounds = array<i64: 1, 10>}]} {
    %eq3A = arith.constant 0 : i32
    %eq3A_0 = arith.cmpi eq, %arg0, %eq3A : i32
    %convert_element_type3A = arith.extui %eq3A_0 : i1 to i32
    %cond3A = arith.constant 0 : i32
    %cond3A_1 = arith.cmpi ne, %convert_element_type3A, %cond3A : i32
    scf.if %cond3A_1 {
      %broadcast_in_dim3A_43 = arith.constant 0.000000e+00 : f32
      %broadcast_in_dim3A_44 = vector.broadcast %broadcast_in_dim3A_43 : f32 to vector<1x128xf32>
      %swap3A_45 = arith.constant 0 : index
      %swap3A_46 = arith.constant 0 : index
      %swap3A_47 = vector.load %arg11[%swap3A_45, %swap3A_46] : memref<1x128xf32, #tpu.memory_space<vmem>>, vector<1x128xf32>
      tpu.vector_store %arg11[%swap3A_45, %swap3A_46], %broadcast_in_dim3A_44 {strides = array<i32>} : memref<1x128xf32, #tpu.memory_space<vmem>>, vector<1x128xf32>,
    } else {
    }
    %get3A = arith.constant 0 : index
    %get3A_2 = arith.constant 0 : index
    %get3A_3 = vector.load %arg1[%get3A, %get3A_2] : memref<5000x128xf32, #tpu.memory_space<vmem>>, vector<5000x128xf32>
    %get3A_4 = arith.constant 0 : index
    %get3A_5 = arith.constant 0 : index
    %get3A_6 = arith.constant 0 : index
    %get3A_7 = vector.load %arg2[%get3A_4, %get3A_5, %get3A_6] : memref<2x5000x128xf32, #tpu.memory_space<vmem>>, vector<1x5000x128xf32>
    %get3A_8 = vector.shape_cast %get3A_7 : vector<1x5000x128xf32> to vector<5000x128xf32>
    %get3A_9 = arith.constant 1 : index
    %get3A_10 = arith.constant 0 : index
    %get3A_11 = arith.constant 0 : index
    %get3A_12 = vector.load %arg2[%get3A_9, %get3A_10, %get3A_11] : memref<2x5000x128xf32, #tpu.memory_space<vmem>>, vector<1x5000x128xf32>
    %get3A_13 = vector.shape_cast %get3A_12 : vector<1x5000x128xf32> to vector<5000x128xf32>
    %add3A = arith.addf %get3A_8, %get3A_13 : vector<5000x128xf32>
    %get3A_14 = arith.constant 0 : index
    %get3A_15 = arith.constant 0 : index
    %get3A_16 = vector.load %arg3[%get3A_14, %get3A_15] : memref<128x128xf32, #tpu.memory_space<vmem>>, vector<128x128xf32>
    %dot_general3A = arith.constant dense<0.000000e+00> : vector<5000x128xf32>
    %dot_general3A_17 = tpu.matmul %get3A_3, %get3A_16, %dot_general3A {dimension_numbers = #tpu.dot_dimension_numbers<[1], [0], [0], [1], [0, 0, 1, 1], [], []>, transpose_lhs_hint = false} : vector<5000x128xf32>, vector<128x128xf32>, vector<5000x128xf32> -> vector<5000x128xf32>
    %get3A_18 = arith.constant 0 : index
    %get3A_19 = arith.constant 0 : index
    %get3A_20 = vector.load %arg4[%get3A_18, %get3A_19] : memref<128x128xf32, #tpu.memory_space<vmem>>, vector<128x128xf32>
    %dot_general3A_21 = arith.constant dense<0.000000e+00> : vector<5000x128xf32>
    %dot_general3A_22 = tpu.matmul %add3A, %get3A_20, %dot_general3A_21 {dimension_numbers = #tpu.dot_dimension_numbers<[1], [0], [0], [1], [0, 0, 1, 1], [], []>, transpose_lhs_hint = false} : vector<5000x128xf32>, vector<128x128xf32>, vector<5000x128xf32> -> vector<5000x128xf32>
    %add3A_23 = arith.addf %dot_general3A_17, %dot_general3A_22 : vector<5000x128xf32>
    %get3A_24 = arith.constant 0 : index
    %get3A_25 = arith.constant 0 : index
    %get3A_26 = vector.load %arg5[%get3A_24, %get3A_25] : memref<1x128xf32, #tpu.memory_space<vmem>>, vector<1x128xf32>
    %add3A_27 = vector.broadcast %get3A_26 : vector<1x128xf32> to vector<5000x128xf32>
    %add3A_28 = arith.addf %add3A_23, %add3A_27 : vector<5000x128xf32>
    %max3A = arith.constant 0.000000e+00 : f32
    %max3A_29 = vector.broadcast %max3A : f32 to vector<5000x128xf32>
    %max3A_30 = arith.maximumf %add3A_28, %max3A_29 : vector<5000x128xf32>
    %get3A_31 = arith.constant 0 : index
    %get3A_32 = arith.constant 0 : index
    %get3A_33 = vector.load %arg11[%get3A_31, %get3A_32] : memref<1x128xf32, #tpu.memory_space<vmem>>, vector<1x128xf32>
    %reduce_sum3A = arith.constant dense<0.000000e+00> : vector<128xf32>
    %reduce_sum3A_34 = vector.multi_reduction <add>, %max3A_30, %reduce_sum3A [0] : vector<5000x128xf32> to vector<128xf32>
    %broadcast_in_dim3A = vector.shape_cast %reduce_sum3A_34 : vector<128xf32> to vector<1x128xf32>
    %add3A_35 = arith.addf %get3A_33, %broadcast_in_dim3A : vector<1x128xf32>
    %swap3A = arith.constant 0 : index
    %swap3A_36 = arith.constant 0 : index
    %swap3A_37 = vector.load %arg11[%swap3A, %swap3A_36] : memref<1x128xf32, #tpu.memory_space<vmem>>, vector<1x128xf32>
    tpu.vector_store %arg11[%swap3A, %swap3A_36], %add3A_35 {strides = array<i32>} : memref<1x128xf32, #tpu.memory_space<vmem>>, vector<1x128xf32>,
    %eq3A_38 = arith.constant 1 : i32
    %eq3A_39 = arith.cmpi eq, %arg0, %eq3A_38 : i32
    %convert_element_type3A_40 = arith.extui %eq3A_39 : i1 to i32
    %cond3A_41 = arith.constant 0 : i32
    %cond3A_42 = arith.cmpi ne, %convert_element_type3A_40, %cond3A_41 : i32
    scf.if %cond3A_42 {
      %get3A_43 = arith.constant 0 : index
      %get3A_44 = arith.constant 0 : index
      %get3A_45 = vector.load %arg11[%get3A_43, %get3A_44] : memref<1x128xf32, #tpu.memory_space<vmem>>, vector<1x128xf32>
      %mul3A = arith.constant 9.99999974E-5 : f32
      %mul3A_46 = vector.broadcast %mul3A : f32 to vector<1x128xf32>
      %mul3A_47 = arith.mulf %get3A_45, %mul3A_46 : vector<1x128xf32>
      %get3A_48 = arith.constant 0 : index
      %get3A_49 = arith.constant 0 : index
      %get3A_50 = vector.load %arg6[%get3A_48, %get3A_49] : memref<128x128xf32, #tpu.memory_space<vmem>>, vector<128x128xf32>
      %dot_general3A_51 = arith.constant dense<0.000000e+00> : vector<1x128xf32>
      %dot_general3A_52 = tpu.matmul %mul3A_47, %get3A_50, %dot_general3A_51 {dimension_numbers = #tpu.dot_dimension_numbers<[1], [0], [0], [1], [0, 0, 1, 1], [], []>, transpose_lhs_hint = false} : vector<1x128xf32>, vector<128x128xf32>, vector<1x128xf32> -> vector<1x128xf32>
      %get3A_53 = arith.constant 0 : index
      %get3A_54 = arith.constant 0 : index
      %get3A_55 = vector.load %arg7[%get3A_53, %get3A_54] : memref<1x128xf32, #tpu.memory_space<vmem>>, vector<1x128xf32>
      %add3A_56 = arith.addf %dot_general3A_52, %get3A_55 : vector<1x128xf32>
      %max3A_57 = arith.constant 0.000000e+00 : f32
      %max3A_58 = vector.broadcast %max3A_57 : f32 to vector<1x128xf32>
      %max3A_59 = arith.maximumf %add3A_56, %max3A_58 : vector<1x128xf32>
      %get3A_60 = arith.constant 0 : index
      %get3A_61 = arith.constant 0 : index
      %get3A_62 = vector.load %arg8[%get3A_60, %get3A_61] : memref<128x10xf32, #tpu.memory_space<vmem>>, vector<128x10xf32>
      %dot_general3A_63 = arith.constant dense<0.000000e+00> : vector<1x10xf32>
      %dot_general3A_64 = tpu.matmul %max3A_59, %get3A_62, %dot_general3A_63 {dimension_numbers = #tpu.dot_dimension_numbers<[1], [0], [0], [1], [0, 0, 1, 1], [], []>, transpose_lhs_hint = false} : vector<1x128xf32>, vector<128x10xf32>, vector<1x10xf32> -> vector<1x10xf32>
      %get3A_65 = arith.constant 0 : index
      %get3A_66 = arith.constant 0 : index
      %get3A_67 = vector.load %arg9[%get3A_65, %get3A_66] : memref<1x10xf32, #tpu.memory_space<vmem>>, vector<1x10xf32>
      %add3A_68 = arith.addf %dot_general3A_64, %get3A_67 : vector<1x10xf32>
      %swap3A_69 = arith.constant 0 : index
      %swap3A_70 = arith.constant 0 : index
      %swap3A_71 = vector.load %arg10[%swap3A_69, %swap3A_70] : memref<1x10xf32, #tpu.memory_space<vmem>>, vector<1x10xf32>
      tpu.vector_store %arg10[%swap3A_69, %swap3A_70], %add3A_68 {strides = array<i32>} : memref<1x10xf32, #tpu.memory_space<vmem>>, vector<1x10xf32>,
    } else {
    }
    return
  }
  func.func @transform_0(%arg0: i32) -> (i32, i32) {
    %c0_i32 = arith.constant 0 : i32
    %c0_i32_0 = arith.constant 0 : i32
    return %arg0, %c0_i32 : i32, i32
  }
  func.func @transform_1(%arg0: i32) -> (i32, i32, i32) {
    %c0_i32 = arith.constant 0 : i32
    %c0_i32_0 = arith.constant 0 : i32
    %c0_i32_1 = arith.constant 0 : i32
    return %c0_i32, %arg0, %c0_i32_0 : i32, i32, i32
  }
  func.func @transform_2(%arg0: i32) -> (i32, i32) {
    %c0_i32 = arith.constant 0 : i32
    %c0_i32_0 = arith.constant 0 : i32
    %c0_i32_1 = arith.constant 0 : i32
    return %c0_i32, %c0_i32_0 : i32, i32
  }
  func.func @transform_3(%arg0: i32) -> (i32, i32) {
    %c0_i32 = arith.constant 0 : i32
    %c0_i32_0 = arith.constant 0 : i32
    %c0_i32_1 = arith.constant 0 : i32
    return %c0_i32, %c0_i32_0 : i32, i32
  }
  func.func @transform_4(%arg0: i32) -> (i32, i32) {
    %c0_i32 = arith.constant 0 : i32
    %c0_i32_0 = arith.constant 0 : i32
    %c0_i32_1 = arith.constant 0 : i32
    return %c0_i32, %c0_i32_0 : i32, i32
  }
  func.func @transform_5(%arg0: i32) -> (i32, i32) {
    %c0_i32 = arith.constant 0 : i32
    %c0_i32_0 = arith.constant 0 : i32
    %c0_i32_1 = arith.constant 0 : i32
    return %c0_i32, %c0_i32_0 : i32, i32
  }
  func.func @transform_6(%arg0: i32) -> (i32, i32) {
    %c0_i32 = arith.constant 0 : i32
    %c0_i32_0 = arith.constant 0 : i32
    %c0_i32_1 = arith.constant 0 : i32
    return %c0_i32, %c0_i32_0 : i32, i32
  }
  func.func @transform_7(%arg0: i32) -> (i32, i32) {
    %c0_i32 = arith.constant 0 : i32
    %c0_i32_0 = arith.constant 0 : i32
    %c0_i32_1 = arith.constant 0 : i32
    return %c0_i32, %c0_i32_0 : i32, i32
  }
  func.func @transform_8(%arg0: i32) -> (i32, i32) {
    %c0_i32 = arith.constant 0 : i32
    %c0_i32_0 = arith.constant 0 : i32
    %c0_i32_1 = arith.constant 0 : i32
    return %c0_i32, %c0_i32_0 : i32, i32
  }
  func.func @transform_9(%arg0: i32) -> (i32, i32) {
    %c0_i32 = arith.constant 0 : i32
    %c0_i32_0 = arith.constant 0 : i32
    %c0_i32_1 = arith.constant 0 : i32
    return %c0_i32, %c0_i32_0 : i32, i32
  }
}

</mosaic_0001>

<sc_bundles>
// kernel: kernel.5.cloned.1.call-start
scs
__scs_entry_jumppad:
0x0: {  	(pc) =	sbr.rel $0x88, $3  }
0x1: {  	(tag) =	ssettag $0x0;
	lr =	simm.s32 $0x1  }
0x2: {  	[smem:$0x3F98] =	sst lr;
	_ =	strace $0xD0000000  }
0x3: {  	_ = 	snop  }
0x4: {  	_ = 	snop  }
0x5: {  	_ = 	snop  }
0x6: {  	_ = 	snop  }
0x7: {  	_ = 	snop  }
__scs_overlays_trampoline_lowered:
0x8: {  	[smem:$0x3FA7] =	sst s0  }
0x9: {  	[smem:$0x3FA8] =	sst s1  }
0xa: {  	[smem:$0x3FA9] =	sst s2  }
0xb: {  	[smem:$0x3FAA] =	sst s3  }
0xc: {  	[smem:$0x3FAB] =	sst s4  }
0xd: {  	[smem:$0x3FAC] =	sst s5  }
0xe: {  	[smem:$0x3FAD] =	sst s6  }
0xf: {  	[smem:$0x3FAE] =	sst s7  }
0x10: {  	[smem:$0x3FAF] =	sst s8  }
0x11: {  	[smem:$0x3FB0] =	sst s9;
	s0 =	simm.s32 @!p0 $0x0  }
0x12: {  	s1 =	sld [smem:$0x3F96];
	s0 =	simm.s32 @p0 $0x1  }
0x13: {  	[smem:$0x3FB1] =	sst s0;
	s0 =	simm.s32 @!p1 $0x0  }
0x14: {  	s2 =	sld [smem:$0x3F95];
	s0 =	simm.s32 @p1 $0x1  }
0x15: {  	[smem:$0x3FB2] =	sst s0;
	s0 =	simm.s32 @!p2 $0x0  }
0x16: {  	s3 =	sld [smem:$0x3FDB];
	s0 =	simm.s32 @p2 $0x1  }
0x17: {  	s4 =	simm.s32 $0x1BF5;
	[smem:$0x3FB4] =	sst s0  }
0x18: {  	s0 =	sld [smem:$0x3F97];
	_ =	swait.ge [sflag:s4], $0x0  }
0x19: {  	s7 =	sld [smem:$0x3F98]  }
0x1a: {  	s8 =	sadd.s32 $0xFFFFE003, lr  }
0x1b: {  	s9 =	sadd.s32 $0xFFFFFEF7, lr;
	s5 =	simm.s32 $0xFFFFFFFF;
	p2 =	slt.u32 s8, $0xFFFFF086  }
0x1c: {  	p1 =	slt.u32 s9, $0xF7A;
	s5 =	simm.s32 @!p2 $0x0  }
0x1d: {  	s5 =	simm.s32 @p1 $0x1;
	p0 =	seq.s32 s7, s2  }
0x1e: {  	s7 =	smul.u32 @!p0 $0xF7A, s2;
	p2 =	seq.s32 @!p0 s5, $0x0  }
0x1f: {  	s9 =	smul.u32 $0xF7A, s1;
	s8 =	simm.s32 @!p0 $0x1BF5;
	p2 =	por !p2, p0  }
0x20: {  	[sflag:s8] =	ssyncset.s32 @!p0 $0xFFFFF086;
	s6 =	sadd.s32 @!p0 s3, s7;
	s7 =	simm.s32 @!p0 $0x108  }
0x21: {  	s3 =	sadd.s32 s3, s9;
	s6 =	sadd.s32 @!p0 $0x88, s6;
	s7 =	simm.s32 @p2 $0x1082  }
0x22: {  	[simem:s7], [sflag:s8] =	dma.local @!p0 [hbm:s6], $0xF7A  }
0x23: {  	s9 =	sor.u32 $0xD0000000, s2;
	s6 =	simm.s32 $0x108;
	_ =	swait.ge @!p0 [sflag:s8], $0x0  }
0x24: {  	s3 =	sadd.s32 $0x88, s3;
	s6 =	simm.s32 @!p1 $0x1082;
	[sflag:s4] =	ssyncset.s32 $0xFFFFF086  }
0x25: {  	[simem:s6], [sflag:s4] =	dma.local [hbm:s3], $0xF7A  }
0x26: {  	[smem:$0x3F98] =	sst s1;
	(tag) =	ssettag s2;
	_ =	strace s9  }
0x27: {  	s1 =	sld [smem:$0x3FA8]  }
0x28: {  	s2 =	sld [smem:$0x3FA9]  }
0x29: {  	s4 =	sld [smem:$0x3FAB]  }
0x2a: {  	p0 =	seq.s32 s5, $0x0;
	s5 =	sld [smem:$0x3FAC]  }
0x2b: {  	s6 =	sld [smem:$0x3FAD]  }
0x2c: {  	s7 =	sld [smem:$0x3FAE]  }
0x2d: {  	s3 =	simm.s32 $0x108;
	s8 =	sld [smem:$0x3FAF]  }
0x2e: {  	s3 =	simm.s32 @!p0 $0x1082;
	s9 =	sld [smem:$0x3FB0]  }
0x2f: {  	lr =	sadd.s32 s0, s3;
	s0 =	sld [smem:$0x3FA7]  }
0x30: {  	s3 =	sld [smem:$0x3FAA]  }
0x31: {  	[smem:$0x3FB3] =	sst s10  }
0x32: {  	s10 =	sld [smem:$0x3FB1];
	_ =	sdelay $0x3  }
0x33: {  	p0 =	seq.s32 s10, $0x1;
	s10 =	sld [smem:$0x3FB3];
	_ =	sdelay $0x3  }
0x34: {  	[smem:$0x3FB3] =	sst s10  }
0x35: {  	s10 =	sld [smem:$0x3FB2];
	_ =	sdelay $0x3  }
0x36: {  	p1 =	seq.s32 s10, $0x1;
	s10 =	sld [smem:$0x3FB3];
	_ =	sdelay $0x3  }
0x37: {  	[smem:$0x3FB3] =	sst s10  }
0x38: {  	s10 =	sld [smem:$0x3FB4]  }
0x39: {  	_ = 	snop;
	(pc) =	sbr.ind lr, $3  }
0x3a: {  	_ = 	snop  }
0x3b: {  	_ = 	snop  }
0x3c: {  	p2 =	seq.s32 s10, $0x1;
	s10 =	sld [smem:$0x3FB3]  }
0x3d: {  	_ =	shalt  }
0x3e: {  	_ =	shalt  }
0x3f: {  	_ =	shalt  }
0x40: {  	_ =	shalt  }
0x41: {  	_ =	shalt  }
0x42: {  	_ =	shalt  }
0x43: {  	_ =	shalt  }
0x44: {  	_ =	shalt  }
0x45: {  	_ =	shalt  }
0x46: {  	_ =	shalt  }
0x47: {  	_ =	shalt  }
0x48: {  	_ =	shalt  }
0x49: {  	_ =	shalt  }
0x4a: {  	_ =	shalt  }
0x4b: {  	_ =	shalt  }
0x4c: {  	_ =	shalt  }
0x4d: {  	_ =	shalt  }
0x4e: {  	_ =	shalt  }
0x4f: {  	_ =	shalt  }
0x50: {  	_ =	shalt  }
0x51: {  	_ =	shalt  }
0x52: {  	_ =	shalt  }
0x53: {  	_ =	shalt  }
0x54: {  	_ =	shalt  }
0x55: {  	_ =	shalt  }
0x56: {  	_ =	shalt  }
0x57: {  	_ =	shalt  }
0x58: {  	_ =	shalt  }
0x59: {  	_ =	shalt  }
0x5a: {  	_ =	shalt  }
0x5b: {  	_ =	shalt  }
0x5c: {  	_ =	shalt  }
0x5d: {  	_ =	shalt  }
0x5e: {  	_ =	shalt  }
0x5f: {  	_ =	shalt  }
0x60: {  	_ =	shalt  }
0x61: {  	_ =	shalt  }
0x62: {  	_ =	shalt  }
0x63: {  	_ =	shalt  }
0x64: {  	_ =	shalt  }
0x65: {  	_ =	shalt  }
0x66: {  	_ =	shalt  }
0x67: {  	_ =	shalt  }
0x68: {  	_ =	shalt  }
0x69: {  	_ =	shalt  }
0x6a: {  	_ =	shalt  }
0x6b: {  	_ =	shalt  }
0x6c: {  	_ =	shalt  }
0x6d: {  	_ =	shalt  }
0x6e: {  	_ =	shalt  }
0x6f: {  	_ =	shalt  }
0x70: {  	_ =	shalt  }
0x71: {  	_ =	shalt  }
0x72: {  	_ =	shalt  }
0x73: {  	_ =	shalt  }
0x74: {  	_ =	shalt  }
0x75: {  	_ =	shalt  }
0x76: {  	_ =	shalt  }
0x77: {  	_ =	shalt  }
0x78: {  	_ =	shalt  }
0x79: {  	_ =	shalt  }
0x7a: {  	_ =	shalt  }
0x7b: {  	_ =	shalt  }
0x7c: {  	_ =	shalt  }
0x7d: {  	_ =	shalt  }
0x7e: {  	_ =	shalt  }
0x7f: {  	_ =	shalt  }
0x80: {  	_ =	shalt  }
0x81: {  	_ =	shalt  }
0x82: {  	_ =	shalt  }
0x83: {  	_ =	shalt  }
0x84: {  	_ =	shalt  }
0x85: {  	_ =	shalt  }
0x86: {  	_ =	shalt  }
0x87: {  	_ =	shalt  }
.Lfunc_end0:
.L_simem_size_0:
called_computation_lowered:
.L_overlay_start_0:
0x88: {  	s2 =	sld [smem:$0x3FD9]  }
0x89: {  	s3 =	sld [smem:$0x3FFE];
	_ =	sdelay $0x1  }
0x8a: {  	s1 =	srdreg.scid  }
0x8b: {  	s0 =	sand.u32 $0x1, s1  }
0x8c: {  	s17 =	sshll.u32 s0, $0xA;
	s2 =	sadd.s32 s3, s2  }
0x8d: {  	s2 =	sadd.s32 s2, s17  }
0x8e: {  	[smem:$0x3FBF] =	sst s2  }
0x8f: {  	_ = 	snop  }
0x90: {  	s2 =	sld [smem:$0x3FC9];
	(tm) =	ssettm $0x1  }
0x91: {  	s18 =	sld [smem:$0x3FFB];
	_ =	sdelay $0x3  }
0x92: {  	_ =	strace s18  }
0x93: {  	s3 =	sld [smem:$0x3FFC];
	_ =	sdelay $0x3  }
0x94: {  	_ =	strace s3  }
0x95: {  	s3 =	sld [smem:$0x3FFD];
	_ =	sdelay $0x3  }
0x96: {  	_ =	strace s3  }
0x97: {  	_ =	strace $0x8FFFFFFF  }
0x98: {  	s19 =	sld [smem:$0x3FDB];
	_ =	sdelay $0x1  }
0x99: {  	s4 =	simm.s32 $_scs_section_size  }
0x9a: {  	s5 =	simm.s32 $_size__tile_overlayer_lowered;
	s6 =	simm.s32 $_tile_overlayer_lowered  }
0x9b: {  	s22 =	simm.s32 $0x1BFF;
	s21 =	sshll.u32 s6, $0x1;
	s3 =	sadd.s32 s4, s19  }
0x9c: {  	s7 =	simm.s32 $0x0;
	s20 =	sshll.u32 s5, $0x1;
	s5 =	sadd.s32 s21, s3  }
0x9d: {  	[timem:s7], [sflag:s22] =	dma.local [hbm:s5], s20  }
0x9e: {  	_ =	swait.ge [sflag:s22], s20  }
0x9f: {  	s4 =	ssub.s32 $0x0, s20;
	[sflag:s22] =	ssyncset.done $0x0  }
0xa0: {  	[sflag:s22] =	ssyncadd.s32 s4;
	_ =	sdelay $0x1  }
0xa1: {  	s23 =	simm.s32 $0x1B8B  }
0xa2: {  	_ =	swait.ge [sflag:s23], $0x1  }
0xa3: {  	[sflag:s23] =	ssyncset.done $0x0  }
0xa4: {  	s25 =	simm.s32 $0x1B8E;
	s24 =	sld [smem:$0x3FFE];
	[sflag:s23] =	ssyncadd.s32 $0xFFFFFFFF  }
0xa5: {  	s26 =	simm.s32 $execute0_lowered;
	[smem:$0x3FD2] =	sst s25  }
0xa6: {  	s5 =	sshll.u32 s26, $0x1;
	_ =	strace $0x80000046;
	[dreg:$0x1] =	wrdreg $0xFFFFFFFF  }
0xa7: {  	s28 =	simm.s32 $_size_execute0_lowered;
	s3 =	sadd.s32 s3, s5;
	[dreg:$0x0] =	wrdreg $0x0  }
0xa8: {  	s5 =	sshll.u32 s28, $0x1;
	[dreg:$0x2] =	wrdreg s3  }
0xa9: {  	[dreg:$0x3] =	wrdreg s5  }
0xaa: {  	[dreg:$0x4] =	wrdreg $0xC0  }
0xab: {  	_ =	task [dreg:s7], $0x5FFFF  }
0xac: {  	[dreg:$0x1] =	wrdreg $0xFFFFFFFF  }
0xad: {  	[dreg:$0x0] =	wrdreg $0x60  }
0xae: {  	[dreg:$0x2] =	wrdreg s2  }
0xaf: {  	[dreg:$0x3] =	wrdreg s24  }
0xb0: {  	[dreg:$0x4] =	wrdreg $0x94000  }
0xb1: {  	[dreg:$0x5] =	wrdreg $0x9  }
0xb2: {  	_ =	task.clear_ibuf [dreg:s7], $0x6FFFF;
	_ =	strace $0x90000046  }
0xb3: {  	s29 =	simm.s32 $0x9;
	_ =	strace $0x80000048  }
0xb4: {  	_ =	swait.ge [sflag:s29], $0x1  }
0xb5: {  	[sflag:s29] =	ssyncadd.s32 $0xFFFFFFFF  }
0xb6: {  	_ =	strace $0x90000048  }
0xb7: {  	_ =	sfence  }
0xb8: {  	s30 =	sld [smem:$0x0];
	_ =	sdelay $0x2  }
0xb9: {  	s31 =	sshll.u32 s1, $0xD;
	s1 =	sshrl.u32 s1, $0x2  }
0xba: {  	s3 =	sand.u32 $0x4000, s31;
	s1 =	sadd.s32 s1, s30  }
0xbb: {  	s0 =	sor.u32 s3, s0;
	s1 =	sshll.u32 s1, $0x11  }
0xbc: {  	s0 =	sor.u32 s1, s0  }
0xbd: {  	s0 =	sadd.s32 $0x8F2B, s0  }
0xbe: {  	[sflag:s0] =	ssyncadd.remote.s32 $0x1  }
0xbf: {  	_ =	sfence.sel $0xFFFF  }
0xc0: {  	[dreg:$0x0] =	wrdreg $0xFFFFFFFF;
	(pc) =	sbr.abs _section_cstart, $3  }
0xc1: {  	[dreg:$0x1] =	wrdreg $0xFFFFFFFF  }
0xc2: {  	_ =	task.clear_ibuf [dreg:s7], $0x2FFFF;
	_ =	strace $0x9FFFFFFF  }
0xc3: {  	(tm) =	ssettm $0x7FFFFFFF  }
tec
execute0_lowered:
.L_overlay_start_1:
0x0: {  	(tag) =	ssettag $0x1  }
0x1: {  	s1 =	rddreg [dreg:$0x0]  }
0x2: {  	s0 =	rddreg [dreg:$0x1]  }
0x3: {  	s2 =	rddreg [dreg:$0x2];
	s3 =	srdreg.scid  }
0x4: {  	s4 =	simm.s32 $0x0;
	s11 =	stileid.u32;
	s12 =	simm.s32 $0xA  }
0x5: {  	s14 =	simm.s32 $0x900;
	s15 =	simm.s32 $0x980;
	s16 =	simm.s32 $0xC80  }
0x6: {  	s17 =	simm.s32 $0xA00;
	s29 =	simm.s32 $0x4800;
	s30 =	simm.s32 $0x5  }
0x7: {  	s28 =	simm.s32 $0x2;
	s3 =	sand.u32 $0x1, s3;
	s10 =	smul.u32 $0x14000, s11  }
0x8: {  	[smem:$0x7FF] =	sst s4;
	p0 =	seq.s32 s11, $0xF;
	s18 =	smul.u32 $0x6400, s11  }
0x9: {  	s5 =	sshll.u32 s3, $0x4;
	_ =	strace $0x80000047;
	[dreg:$0x8] =	wrdreg s14  }
0xa: {  	s6 =	ssub.s32 $0x2, s3;
	s9 =	smul.u32 $0x138800, s3;
	[dreg:$0x9] =	wrdreg s15  }
0xb: {  	s3 =	smul.u32 $0x64000, s3;
	s12 =	simm.s32 @!p0 $0x10;
	[dreg:$0xa] =	wrdreg s16  }
0xc: {  	[dreg:$0xb] =	wrdreg s17;
	s15 =	simm.s32 $0x800;
	s14 =	simm.s32 $0xB  }
0xd: {  	s16 =	simm.s32 $0x6;
	s17 =	simm.s32 $0x9;
	s5 =	sor.u32 s11, s5  }
0xe: {  	s8 =	sshrl.u32 s6, $0x1;
	[dreg:$0x15] =	wrdreg s12;
	s11 =	smul.u32 $0x50000, s11  }
0xf: {  	s7 =	smul.u32 $0x6400, s5;
	s5 =	sadd.s32 $0x2000, s0;
	s6 =	ssub.s32 s6, s8  }
0x10: {  	s10 =	sadd.s32 s10, s9;
	s3 =	sadd.s32 s18, s3;
	s18 =	simm.s32 $0xD00  }
0x11: {  	s22 =	sshrl.u32 s10, $0x3;
	s23 =	sadd.s32 $0x400, s3;
	s24 =	sadd.s32 $0xC8400, s3  }
0x12: {  	s25 =	sadd.s32 $0xC8800, s3;
	s6 =	smax.u32 s6, $0x1;
	[dreg:$0xc] =	wrdreg s18  }
0x13: {  	s3 =	sadd.s32 $0x800, s3;
	s7 =	sshrl.u32 s7, $0x3;
	[dreg:$0x1d] =	wrdreg s6  }
0x14: {  	s10 =	sshrl.u32 s23, $0x3;
	[dreg:$0x1e] =	wrdreg s3;
	s23 =	simm.s32 $0xB80  }
0x15: {  	s12 =	sshrl.u32 s24, $0x3;
	s24 =	simm.s32 $0xE80;
	[dreg:$0x11] =	wrdreg s23  }
0x16: {  	s0 =	sadd.s32 $0x34000, s0;
	s13 =	sadd.s32 s5, s7;
	[dreg:$0x12] =	wrdreg s24  }
0x17: {  	s8 =	simm.s32 $0xA;
	s10 =	sadd.s32 s10, s5;
	[dreg:$0x16] =	wrdreg s13  }
0x18: {  	s9 =	sshrl.u32 s9, $0x3;
	s7 =	sadd.s32 s0, s22;
	[dreg:$0x4] =	wrdreg s10  }
0x19: {  	s18 =	simm.s32 $0xD;
	s26 =	sadd.s32 s12, s5;
	[dreg:$0x1a] =	wrdreg s7  }
0x1a: {  	s31 =	sshrl.u32 s25, $0x3;
	s22 =	simm.s32 $0xE00;
	[dreg:$0x5] =	wrdreg s26  }
0x1b: {  	s6 =	simm.s32 $0x8000;
	s19 =	sadd.s32 $0x19000, s13;
	[dreg:$0x10] =	wrdreg s22  }
0x1c: {  	s25 =	simm.s32 $0xC00;
	s20 =	sadd.s32 $0x80, s13;
	[dreg:$0x17] =	wrdreg s19  }
0x1d: {  	s12 =	sshrl.u32 s11, $0x2;
	s21 =	sadd.s32 $0x19080, s13;
	[dreg:$0x18] =	wrdreg s20  }
0x1e: {  	s0 =	sadd.s32 s0, s9;
	s10 =	sadd.s32 s31, s5;
	[dreg:$0x19] =	wrdreg s21  }
0x1f: {  	s23 =	simm.s32 $0x1000;
	s13 =	simm.s32 $0x880;
	[dreg:$0x6] =	wrdreg s10  }
0x20: {  	s24 =	simm.s32 $0x1;
	s0 =	sadd.s32 $0x25800, s0;
	[dreg:$0x7] =	wrdreg s13  }
0x21: {  	s9 =	simm.s32 $0x0;
	s26 =	simm.s32 $0xF00;
	[dreg:$0x1c] =	wrdreg s0  }
0x22: {  	s11 =	sadd.s32 s12, s2;
	s31 =	simm.s32 $0xF80;
	[dreg:$0x13] =	wrdreg s26  }
0x23: {  	s7 =	sadd.s32 $0x12C000, s2;
	s22 =	simm.s32 $0x32;
	[dreg:$0x14] =	wrdreg s31  }
0x24: {  	s12 =	simm.s32 $0x6400;
	s19 =	simm.s32 $0xA80;
	[dreg:$0x1b] =	wrdreg s11  }
0x25: {  	s20 =	simm.s32 $0xD80;
	s21 =	simm.s32 $0xB00;
	[dreg:$0xd] =	wrdreg s19  }
0x26: {  	s13 =	simm.s32 $0x80;
	s0 =	sshrl.u32 @p0 s7, $0x3;
	[dreg:$0xe] =	wrdreg s20  }
0x27: {  	s26 =	simm.s32 $0x2C00;
	s10 =	simm.s32 $0x8;
	[dreg:$0xf] =	wrdreg s21  }
0x28: {  	s7 =	simm.s32 $0xC;
	s19 =	simm.s32 $0x400;
	[dreg:$0x1f] =	wrdreg s0  }
0x29: {  	v0 =	vimm.f32 $0.0e+00;
	s20 =	simm.s32 $0x100;
	s0 =	simm.s32 $0x7;
	s21 =	simm.s32 $0x780  }
.LBB2_1:
0x2a: {  	[smem:$0x7FD] =	sst s9;
	s3 =	simm.s32 $0x0;
	s9 =	simm.s32 $0x200  }
.LBB2_2:
0x2b: {  	p1 =	sne.s32 s9, $0x4E00;
	[tilespmem:s3+$0x8070] =	vst v0  }
0x2c: {  	[tilespmem:s3+$0x8000] =	vst v0  }
0x2d: {  	[tilespmem:s3+$0x8010] =	vst v0  }
.Ltmp0:
0x2e: {  	[tilespmem:s3+$0x8020] =	vst v0;
	(pc) =	sbr.rel @p1 .LBB2_2-.Ltmp0, $4  }
0x2f: {  	[tilespmem:s3+$0x8030] =	vst v0  }
0x30: {  	[tilespmem:s3+$0x8040] =	vst v0  }
0x31: {  	[tilespmem:s3+$0x8050] =	vst v0  }
0x32: {  	[tilespmem:s3+$0x8060] =	vst v0;
	s3 =	sshra.s32 s9, $0x2;
	s9 =	sadd.s32 $0x200, s9  }
0x33: {  	[tilespmem:s3+$0x8070] =	vst v0  }
0x34: {  	[tilespmem:s3+$0x8000] =	vst v0  }
0x35: {  	[tilespmem:s3+$0x8010] =	vst v0  }
0x36: {  	[tilespmem:s3+$0x8020] =	vst v0  }
0x37: {  	[tilespmem:s3+$0x8030] =	vst v0;
	s31 =	rddreg [dreg:$0x15]  }
0x38: {  	[tilespmem:s3+$0x8040] =	vst v0;
	p1 =	sne.s32 s31, $0x1  }
.Ltmp1:
0x39: {  	[tilespmem:s3+$0x8050] =	vst v0;
	(pc) =	sbr.rel @!p1 .LBB2_5-.Ltmp1, $4  }
0x3a: {  	[tilespmem:s3+$0x8060] =	vst v0  }
0x3b: {  	[spmem:s11] =	stream.linear.scatter [tilespmem:s6], [sflag:$0xD], $0x1400, $0x38;
	[tilespmem:$0x1CC80] =	vst v63  }
0x3c: {  	_ =	swait.ge [sflag:s18], $0x1400  }
0x3d: {  	s9 =	smov.u32 s11;
	s3 =	sadd.s32 $0xFFFFFFFF, s31;
	[sflag:s18] =	ssyncset.done $0x0  }
.LBB2_4:
0x3e: {  	p1 =	sne.s32 s3, $0x1;
	[sflag:s18] =	ssyncadd.s32 $0xFFFFEC00;
	s9 =	sadd.s32 $0x1400, s9  }
.Ltmp2:
0x3f: {  	s3 =	sadd.s32 $0xFFFFFFFF, s3;
	(pc) =	sbr.rel @p1 .LBB2_4-.Ltmp2, $4  }
0x40: {  	_ = 	snop  }
0x41: {  	[spmem:s9] =	stream.linear.scatter [tilespmem:s6], [sflag:$0xD], $0x1400, $0x38;
	[tilespmem:$0x1CC80] =	vst v63  }
0x42: {  	_ =	swait.ge [sflag:s18], $0x1400  }
0x43: {  	[sflag:s18] =	ssyncset.done $0x0  }
.LBB2_5:
0x44: {  	[sflag:s18] =	ssyncadd.s32 $0xFFFFEC00  }
0x45: {  	[bflag:$0x0] =	sbarrier.arrive $0xFFFF  }
0x46: {  	s3 =	simm.s32 $0x0;
	s6 =	rddreg [dreg:$0x16]  }
0x47: {  	[tilespmem:s3], [sflag:$0xD] =	stream.linear.gather [hbm4b:s6+s3], $0x400, $0x38;
	[tilespmem:$0x1CC80] =	vst v63  }
0x48: {  	_ =	swait.ge [sflag:s18], $0x400  }
0x49: {  	[sflag:s18] =	ssyncset.done $0x0  }
0x4a: {  	s11 =	rddreg [dreg:$0x17];
	[sflag:s18] =	ssyncadd.s32 $0xFFFFFC00  }
0x4b: {  	[tilespmem:s19], [sflag:$0xD] =	stream.linear.gather [hbm4b:s11+s3], $0x400, $0x38;
	[tilespmem:$0x1CC80] =	vst v63  }
0x4c: {  	_ =	swait.ge [sflag:s18], $0x400  }
0x4d: {  	[sflag:s18] =	ssyncset.done $0x0  }
0x4e: {  	s9 =	rddreg [dreg:$0x18];
	[sflag:s18] =	ssyncadd.s32 $0xFFFFFC00  }
0x4f: {  	[tilespmem:s15], [sflag:$0xD] =	stream.linear.gather [hbm4b:s9+s3], $0x400, $0x38;
	[tilespmem:$0x1CC80] =	vst v63  }
0x50: {  	_ =	swait.ge [sflag:s18], $0x400  }
0x51: {  	[sflag:s18] =	ssyncset.done $0x0  }
0x52: {  	s11 =	rddreg [dreg:$0x19];
	[sflag:s18] =	ssyncadd.s32 $0xFFFFFC00  }
0x53: {  	[tilespmem:s25], [sflag:$0xD] =	stream.linear.gather [hbm4b:s11+s3], $0x400, $0x38;
	[tilespmem:$0x1CC80] =	vst v63  }
0x54: {  	_ =	swait.ge [sflag:s18], $0x400  }
0x55: {  	[sflag:s18] =	ssyncset.done $0x0  }
0x56: {  	[sflag:s18] =	ssyncadd.s32 $0xFFFFFC00  }
0x57: {  	[tilespmem:s23], [sflag:$0x5] =	stream.indirect.gather [hbm4b:s1+s22], $0x80, s3, s22, $0xb8;
	[tilespmem:$0x1CC80] =	vst v63  }
0x58: {  	_ = 	snop  }
0x59: {  	[tilespmem:s26], [sflag:$0x6] =	stream.indirect.gather [hbm4b:s1+s22], $0x80, s13, s22, $0xb8;
	[tilespmem:$0x1CC80] =	vst v63  }
0x5a: {  	_ = 	snop  }
0x5b: {  	[tilespmem:s29], [sflag:$0x7] =	stream.indirect.gather [hbm4b:s1+s22], $0x80, s20, s22, $0xb8;
	[tilespmem:$0x1CC80] =	vst v63  }
0x5c: {  	_ =	swait.ge [sflag:s30], $0x1900  }
0x5d: {  	p1 =	por $0x1, $0x1;
	[sflag:s30] =	ssyncset.done $0x0  }
0x5e: {  	s31 =	simm.s32 @p1 $0x32;
	[sflag:s30] =	ssyncadd.s32 $0xFFFFE700  }
0x5f: {  	[spmem:s2] =	stream.indirect.scatter.add.f32 [tilespmem:s23], [sflag:$0x9], $0x80, s19, s22, $0xb8;
	[tilespmem:$0x1CC80] =	vst v63  }
0x60: {  	s6 =	simm.s32 @p1 $0x180;
	s9 =	simm.s32 @p1 $0x6400;
	s3 =	simm.s32 @p1 $0x6  }
0x61: {  	[tilespmem:s9], [sflag:$0x8] =	stream.indirect.gather @p1 [hbm4b:s1+s31], $0x80, s6, s31, $0xb8;
	[tilespmem:$0x1CC80] =	vst v63  }
0x62: {  	_ =	swait.ge @p1 [sflag:s3], $0x1900  }
0x63: {  	s6 =	simm.s32 @p1 $0x480;
	[sflag:s3] =	ssyncset.done @p1 $0x0  }
0x64: {  	s9 =	simm.s32 @p1 $0x2C00;
	[sflag:s3] =	ssyncadd.s32 @p1 $0xFFFFE700;
	s3 =	simm.s32 @p1 $0x9  }
0x65: {  	[spmem:s2] =	stream.indirect.scatter.add.f32 @p1 [tilespmem:s9], [sflag:$0xA], $0x80, s6, s31, $0xb8;
	[tilespmem:$0x1CC80] =	vst v63  }
0x66: {  	_ =	swait.ge @p1 [sflag:s3], $0x1900  }
0x67: {  	[sflag:s3] =	ssyncset.done @p1 $0x0  }
0x68: {  	s9 =	simm.s32 @!p1 $0xC;
	[sflag:s3] =	ssyncadd.s32 @p1 $0xFFFFE700  }
0x69: {  	_ =	swait.ge @!p1 [sflag:s9], $0x1900  }
0x6a: {  	s6 =	simm.s32 @!p1 $0x6400;
	s31 =	simm.s32 @!p1 $0x32;
	[sflag:s9] =	ssyncset.done @!p1 $0x0  }
0x6b: {  	s3 =	simm.s32 @!p1 $0x180;
	[sflag:s9] =	ssyncadd.s32 @!p1 $0xFFFFE700;
	s9 =	simm.s32 @!p1 $0x6  }
0x6c: {  	[tilespmem:s6], [sflag:$0x8] =	stream.indirect.gather @!p1 [hbm4b:s1+s31], $0x80, s3, s31, $0xb8;
	[tilespmem:$0x1CC80] =	vst v63  }
0x6d: {  	_ =	swait.ge @!p1 [sflag:s9], $0x1900  }
0x6e: {  	s6 =	simm.s32 @!p1 $0x480;
	[sflag:s9] =	ssyncset.done @!p1 $0x0  }
0x6f: {  	s3 =	simm.s32 @!p1 $0x2C00;
	[sflag:s9] =	ssyncadd.s32 @!p1 $0xFFFFE700;
	s9 =	simm.s32 @!p1 $0x9  }
0x70: {  	[spmem:s2] =	stream.indirect.scatter.add.f32 @!p1 [tilespmem:s3], [sflag:$0xA], $0x80, s6, s31, $0xb8;
	[tilespmem:$0x1CC80] =	vst v63  }
0x71: {  	_ =	swait.ge @!p1 [sflag:s9], $0x1900  }
0x72: {  	s3 =	rddreg [dreg:$0x4]  }
0x73: {  	s6 =	simm.s32 @!p1 $0x0;
	[sflag:s9] =	ssyncset.done @!p1 $0x0;
	s31 =	rddreg [dreg:$0x5]  }
0x74: {  	[sflag:s9] =	ssyncadd.s32 @!p1 $0xFFFFE700;
	s3 =	sadd.s32 @!p1 $0x0, s3;
	s9 =	simm.s32 @!p1 $0x800  }
0x75: {  	[tilespmem:s9], [sflag:$0x3] =	stream.linear.gather @!p1 [hbm4b:s3+s6], $0x400, $0x38;
	[tilespmem:$0x1CC80] =	vst v63  }
0x76: {  	s3 =	simm.s32 @!p1 $0xC00;
	s9 =	sadd.s32 @!p1 $0x0, s31  }
0x77: {  	[tilespmem:s3], [sflag:$0x4] =	stream.linear.gather @!p1 [hbm4b:s9+s6], $0x400, $0x38;
	[tilespmem:$0x1CC80] =	vst v63  }
0x78: {  	s6 =	simm.s32 $0x200  }
0x79: {  	[tilespmem:s23], [sflag:$0x5] =	stream.indirect.gather [hbm4b:s1+s22], $0x80, s6, s22, $0xb8;
	[tilespmem:$0x1CC80] =	vst v63  }
0x7a: {  	_ =	swait.ge [sflag:s0], $0x1900  }
0x7b: {  	[sflag:s0] =	ssyncset.done $0x0  }
0x7c: {  	s9 =	simm.s32 $0x500;
	[sflag:s0] =	ssyncadd.s32 $0xFFFFE700  }
0x7d: {  	[spmem:s2] =	stream.indirect.scatter.add.f32 [tilespmem:s29], [sflag:$0xB], $0x80, s9, s22, $0xb8;
	[tilespmem:$0x1CC80] =	vst v63  }
0x7e: {  	_ =	swait.ge [sflag:s8], $0x1900  }
0x7f: {  	[sflag:s8] =	ssyncset.done $0x0  }
0x80: {  	s11 =	simm.s32 $0x280;
	[sflag:s8] =	ssyncadd.s32 $0xFFFFE700  }
0x81: {  	[tilespmem:s26], [sflag:$0x6] =	stream.indirect.gather [hbm4b:s1+s22], $0x80, s11, s22, $0xb8;
	[tilespmem:$0x1CC80] =	vst v63  }
0x82: {  	_ =	swait.ge [sflag:s10], $0x1900  }
0x83: {  	[sflag:s10] =	ssyncset.done $0x0  }
0x84: {  	s20 =	simm.s32 $0x580;
	[sflag:s10] =	ssyncadd.s32 $0xFFFFE700  }
0x85: {  	[spmem:s2] =	stream.indirect.scatter.add.f32 [tilespmem:s12], [sflag:$0xC], $0x80, s20, s22, $0xb8;
	[tilespmem:$0x1CC80] =	vst v63  }
0x86: {  	_ =	swait.ge [sflag:s14], $0x1900  }
0x87: {  	[sflag:s14] =	ssyncset.done $0x0  }
0x88: {  	s6 =	simm.s32 $0x300;
	[sflag:s14] =	ssyncadd.s32 $0xFFFFE700  }
0x89: {  	[tilespmem:s29], [sflag:$0x7] =	stream.indirect.gather [hbm4b:s1+s22], $0x80, s6, s22, $0xb8;
	[tilespmem:$0x1CC80] =	vst v63  }
0x8a: {  	_ =	swait.ge [sflag:s30], $0x1900  }
0x8b: {  	[sflag:s30] =	ssyncset.done $0x0  }
0x8c: {  	s9 =	simm.s32 $0x600;
	[sflag:s30] =	ssyncadd.s32 $0xFFFFE700  }
0x8d: {  	[spmem:s2] =	stream.indirect.scatter.add.f32 [tilespmem:s23], [sflag:$0x9], $0x80, s9, s22, $0xb8;
	[tilespmem:$0x1CC80] =	vst v63  }
0x8e: {  	_ =	swait.ge [sflag:s7], $0x1900  }
0x8f: {  	[sflag:s7] =	ssyncset.done $0x0  }
0x90: {  	s11 =	simm.s32 $0x380;
	[sflag:s7] =	ssyncadd.s32 $0xFFFFE700  }
0x91: {  	[tilespmem:s12], [sflag:$0x8] =	stream.indirect.gather [hbm4b:s1+s22], $0x80, s11, s22, $0xb8;
	[tilespmem:$0x1CC80] =	vst v63  }
0x92: {  	_ =	swait.ge [sflag:s16], $0x1900  }
0x93: {  	[sflag:s16] =	ssyncset.done $0x0  }
0x94: {  	s20 =	simm.s32 $0x680;
	[sflag:s16] =	ssyncadd.s32 $0xFFFFE700  }
0x95: {  	[spmem:s2] =	stream.indirect.scatter.add.f32 [tilespmem:s26], [sflag:$0xA], $0x80, s20, s22, $0xb8;
	[tilespmem:$0x1CC80] =	vst v63  }
0x96: {  	_ =	swait.ge [sflag:s17], $0x1900  }
0x97: {  	[sflag:s17] =	ssyncset.done $0x0  }
0x98: {  	s3 =	simm.s32 @!p1 $0x3;
	[sflag:s17] =	ssyncadd.s32 $0xFFFFE700  }
0x99: {  	_ =	swait.ge @!p1 [sflag:s3], $0x400  }
0x9a: {  	[sflag:s3] =	ssyncset.done @!p1 $0x0  }
0x9b: {  	s9 =	simm.s32 @!p1 $0x4;
	[sflag:s3] =	ssyncadd.s32 @!p1 $0xFFFFFC00  }
0x9c: {  	_ =	swait.ge @!p1 [sflag:s9], $0x400  }
0x9d: {  	[sflag:s9] =	ssyncset.done @!p1 $0x0  }
0x9e: {  	[sflag:s9] =	ssyncadd.s32 @!p1 $0xFFFFFC00  }
0x9f: {  	[tilespmem:s23], [sflag:$0x5] =	stream.indirect.gather [hbm4b:s1+s22], $0x80, s15, s22, $0xb8;
	[tilespmem:$0x1CC80] =	vst v63  }
0xa0: {  	_ =	swait.ge [sflag:s0], $0x1900  }
0xa1: {  	[sflag:s0] =	ssyncset.done $0x0  }
0xa2: {  	s20 =	simm.s32 $0x700;
	[sflag:s0] =	ssyncadd.s32 $0xFFFFE700  }
0xa3: {  	[spmem:s2] =	stream.indirect.scatter.add.f32 [tilespmem:s29], [sflag:$0xB], $0x80, s20, s22, $0xb8;
	[tilespmem:$0x1CC80] =	vst v63  }
0xa4: {  	_ =	swait.ge [sflag:s8], $0x1900  }
0xa5: {  	[sflag:s8] =	ssyncset.done $0x0  }
0xa6: {  	s6 =	rddreg [dreg:$0x7];
	[sflag:s8] =	ssyncadd.s32 $0xFFFFE700  }
0xa7: {  	[tilespmem:s26], [sflag:$0x6] =	stream.indirect.gather [hbm4b:s1+s22], $0x80, s6, s22, $0xb8;
	[tilespmem:$0x1CC80] =	vst v63  }
0xa8: {  	_ =	swait.ge [sflag:s10], $0x1900  }
0xa9: {  	[sflag:s10] =	ssyncset.done $0x0  }
0xaa: {  	[sflag:s10] =	ssyncadd.s32 $0xFFFFE700  }
0xab: {  	[spmem:s2] =	stream.indirect.scatter.add.f32 [tilespmem:s12], [sflag:$0xC], $0x80, s21, s22, $0xb8;
	[tilespmem:$0x1CC80] =	vst v63  }
0xac: {  	_ =	swait.ge [sflag:s14], $0x1900  }
0xad: {  	[sflag:s14] =	ssyncset.done $0x0  }
0xae: {  	s9 =	rddreg [dreg:$0x8];
	[sflag:s14] =	ssyncadd.s32 $0xFFFFE700  }
0xaf: {  	[tilespmem:s29], [sflag:$0x7] =	stream.indirect.gather [hbm4b:s1+s22], $0x80, s9, s22, $0xb8;
	[tilespmem:$0x1CC80] =	vst v63  }
0xb0: {  	_ =	swait.ge [sflag:s30], $0x1900  }
0xb1: {  	[sflag:s30] =	ssyncset.done $0x0  }
0xb2: {  	[sflag:s30] =	ssyncadd.s32 $0xFFFFE700  }
0xb3: {  	[spmem:s2] =	stream.indirect.scatter.add.f32 [tilespmem:s23], [sflag:$0x9], $0x80, s25, s22, $0xb8;
	[tilespmem:$0x1CC80] =	vst v63  }
0xb4: {  	_ =	swait.ge [sflag:s7], $0x1900  }
0xb5: {  	s6 =	rddreg [dreg:$0x1e]  }
0xb6: {  	[sflag:s7] =	ssyncset.done $0x0;
	s11 =	sshrl.u32 s6, $0x3  }
0xb7: {  	s15 =	rddreg [dreg:$0x6];
	[sflag:s7] =	ssyncadd.s32 $0xFFFFE700;
	s3 =	sadd.s32 s5, s11  }
0xb8: {  	[tilespmem:s4], [sflag:$0x1] =	stream.linear.gather [hbm4b:s3+s4], $0x400, $0x38;
	[tilespmem:$0x1CC80] =	vst v63  }
0xb9: {  	s9 =	sadd.s32 $0x0, s15  }
0xba: {  	[tilespmem:s19], [sflag:$0x2] =	stream.linear.gather [hbm4b:s9+s4], $0x400, $0x38;
	[tilespmem:$0x1CC80] =	vst v63  }
0xbb: {  	s25 =	rddreg [dreg:$0x9]  }
0xbc: {  	[tilespmem:s12], [sflag:$0x8] =	stream.indirect.gather [hbm4b:s1+s22], $0x80, s25, s22, $0xb8;
	[tilespmem:$0x1CC80] =	vst v63  }
0xbd: {  	_ =	swait.ge [sflag:s16], $0x1900  }
0xbe: {  	[sflag:s16] =	ssyncset.done $0x0  }
0xbf: {  	s11 =	rddreg [dreg:$0xa];
	[sflag:s16] =	ssyncadd.s32 $0xFFFFE700  }
0xc0: {  	[spmem:s2] =	stream.indirect.scatter.add.f32 [tilespmem:s26], [sflag:$0xA], $0x80, s11, s22, $0xb8;
	[tilespmem:$0x1CC80] =	vst v63  }
0xc1: {  	_ =	swait.ge [sflag:s17], $0x1900  }
0xc2: {  	[sflag:s17] =	ssyncset.done $0x0  }
0xc3: {  	s15 =	rddreg [dreg:$0xb];
	[sflag:s17] =	ssyncadd.s32 $0xFFFFE700  }
0xc4: {  	[tilespmem:s23], [sflag:$0x5] =	stream.indirect.gather [hbm4b:s1+s22], $0x80, s15, s22, $0xb8;
	[tilespmem:$0x1CC80] =	vst v63  }
0xc5: {  	_ =	swait.ge [sflag:s0], $0x1900  }
0xc6: {  	[sflag:s0] =	ssyncset.done $0x0  }
0xc7: {  	s25 =	rddreg [dreg:$0xc];
	[sflag:s0] =	ssyncadd.s32 $0xFFFFE700  }
0xc8: {  	[spmem:s2] =	stream.indirect.scatter.add.f32 [tilespmem:s29], [sflag:$0xB], $0x80, s25, s22, $0xb8;
	[tilespmem:$0x1CC80] =	vst v63  }
0xc9: {  	_ =	swait.ge [sflag:s8], $0x1900  }
0xca: {  	[sflag:s8] =	ssyncset.done $0x0  }
0xcb: {  	s9 =	rddreg [dreg:$0xd];
	[sflag:s8] =	ssyncadd.s32 $0xFFFFE700  }
0xcc: {  	[tilespmem:s26], [sflag:$0x6] =	stream.indirect.gather [hbm4b:s1+s22], $0x80, s9, s22, $0xb8;
	[tilespmem:$0x1CC80] =	vst v63  }
0xcd: {  	_ =	swait.ge [sflag:s10], $0x1900  }
0xce: {  	[sflag:s10] =	ssyncset.done $0x0  }
0xcf: {  	s11 =	rddreg [dreg:$0xe];
	[sflag:s10] =	ssyncadd.s32 $0xFFFFE700  }
0xd0: {  	[spmem:s2] =	stream.indirect.scatter.add.f32 [tilespmem:s12], [sflag:$0xC], $0x80, s11, s22, $0xb8;
	[tilespmem:$0x1CC80] =	vst v63  }
0xd1: {  	_ =	swait.ge [sflag:s14], $0x1900  }
0xd2: {  	[sflag:s14] =	ssyncset.done $0x0  }
0xd3: {  	s15 =	rddreg [dreg:$0xf];
	[sflag:s14] =	ssyncadd.s32 $0xFFFFE700  }
0xd4: {  	[tilespmem:s29], [sflag:$0x7] =	stream.indirect.gather [hbm4b:s1+s22], $0x80, s15, s22, $0xb8;
	[tilespmem:$0x1CC80] =	vst v63  }
0xd5: {  	_ =	swait.ge [sflag:s30], $0x1900  }
0xd6: {  	[sflag:s30] =	ssyncset.done $0x0  }
0xd7: {  	s25 =	rddreg [dreg:$0x10];
	[sflag:s30] =	ssyncadd.s32 $0xFFFFE700  }
0xd8: {  	[spmem:s2] =	stream.indirect.scatter.add.f32 [tilespmem:s23], [sflag:$0x9], $0x80, s25, s22, $0xb8;
	[tilespmem:$0x1CC80] =	vst v63  }
0xd9: {  	_ =	swait.ge [sflag:s7], $0x1900  }
0xda: {  	[sflag:s7] =	ssyncset.done $0x0  }
0xdb: {  	s9 =	rddreg [dreg:$0x11];
	[sflag:s7] =	ssyncadd.s32 $0xFFFFE700  }
0xdc: {  	[tilespmem:s12], [sflag:$0x8] =	stream.indirect.gather [hbm4b:s1+s22], $0x80, s9, s22, $0xb8;
	[tilespmem:$0x1CC80] =	vst v63  }
0xdd: {  	_ =	swait.ge [sflag:s16], $0x1900  }
0xde: {  	[sflag:s16] =	ssyncset.done $0x0  }
0xdf: {  	s11 =	rddreg [dreg:$0x12];
	[sflag:s16] =	ssyncadd.s32 $0xFFFFE700  }
0xe0: {  	[spmem:s2] =	stream.indirect.scatter.add.f32 [tilespmem:s26], [sflag:$0xA], $0x80, s11, s22, $0xb8;
	[tilespmem:$0x1CC80] =	vst v63  }
0xe1: {  	_ =	swait.ge [sflag:s17], $0x1900  }
0xe2: {  	[sflag:s17] =	ssyncset.done $0x0  }
0xe3: {  	[sflag:s17] =	ssyncadd.s32 $0xFFFFE700  }
0xe4: {  	_ =	swait.ge [sflag:s24], $0x400  }
0xe5: {  	[sflag:s24] =	ssyncset.done $0x0  }
0xe6: {  	[sflag:s24] =	ssyncadd.s32 $0xFFFFFC00  }
0xe7: {  	_ =	swait.ge [sflag:s28], $0x400  }
0xe8: {  	[sflag:s28] =	ssyncset.done $0x0  }
0xe9: {  	[sflag:s28] =	ssyncadd.s32 $0xFFFFFC00  }
0xea: {  	[tilespmem:s23], [sflag:$0x5] =	stream.indirect.gather [hbm4b:s1+s22], $0x80, s4, s22, $0xb8;
	[tilespmem:$0x1CC80] =	vst v63  }
0xeb: {  	_ =	swait.ge [sflag:s0], $0x1900  }
0xec: {  	[sflag:s0] =	ssyncset.done $0x0  }
0xed: {  	s15 =	rddreg [dreg:$0x13];
	[sflag:s0] =	ssyncadd.s32 $0xFFFFE700  }
0xee: {  	[spmem:s2] =	stream.indirect.scatter.add.f32 [tilespmem:s29], [sflag:$0xB], $0x80, s15, s22, $0xb8;
	[tilespmem:$0x1CC80] =	vst v63  }
0xef: {  	_ =	swait.ge [sflag:s8], $0x1900  }
0xf0: {  	[sflag:s8] =	ssyncset.done $0x0  }
0xf1: {  	[sflag:s8] =	ssyncadd.s32 $0xFFFFE700  }
0xf2: {  	[tilespmem:s26], [sflag:$0x6] =	stream.indirect.gather [hbm4b:s1+s22], $0x80, s13, s22, $0xb8;
	[tilespmem:$0x1CC80] =	vst v63  }
0xf3: {  	_ =	swait.ge [sflag:s10], $0x1900  }
0xf4: {  	[sflag:s10] =	ssyncset.done $0x0  }
0xf5: {  	s25 =	rddreg [dreg:$0x14];
	[sflag:s10] =	ssyncadd.s32 $0xFFFFE700  }
0xf6: {  	[spmem:s2] =	stream.indirect.scatter.add.f32 [tilespmem:s12], [sflag:$0xC], $0x80, s25, s22, $0xb8;
	[tilespmem:$0x1CC80] =	vst v63  }
0xf7: {  	_ =	swait.ge [sflag:s14], $0x1900  }
0xf8: {  	s31 =	simm.s32 $0x100;
	s3 =	smov.u32 s6;
	[sflag:s14] =	ssyncset.done $0x0  }
.LBB2_6:
0xf9: {  	[sflag:s14] =	ssyncadd.s32 $0xFFFFE700;
	s6 =	simm.s32 $0x100  }
0xfa: {  	[tilespmem:s29], [sflag:$0x7] =	stream.indirect.gather [hbm4b:s1+s22], $0x80, s6, s22, $0xb8;
	[tilespmem:$0x1CC80] =	vst v63  }
0xfb: {  	s9 =	smov.u32 s31;
	_ =	swait.ge [sflag:s30], $0x1900  }
0xfc: {  	p2 =	seq.s32 s9, $0x0;
	[sflag:s30] =	ssyncset.done $0x0  }
0xfd: {  	s11 =	simm.s32 @p2 $0x180;
	[sflag:s30] =	ssyncadd.s32 $0xFFFFE700  }
0xfe: {  	[spmem:s2] =	stream.indirect.scatter.add.f32 [tilespmem:s23], [sflag:$0x9], $0x80, s19, s22, $0xb8;
	[tilespmem:$0x1CC80] =	vst v63  }
0xff: {  	s15 =	simm.s32 @p2 $0x6400;
	s25 =	simm.s32 @p2 $0x32;
	s6 =	simm.s32 @p2 $0x6  }
0x100: {  	[tilespmem:s15], [sflag:$0x8] =	stream.indirect.gather @p2 [hbm4b:s1+s25], $0x80, s11, s25, $0xb8;
	[tilespmem:$0x1CC80] =	vst v63  }
0x101: {  	_ =	swait.ge @p2 [sflag:s6], $0x1900  }
0x102: {  	s11 =	simm.s32 @p2 $0x480;
	[sflag:s6] =	ssyncset.done @p2 $0x0  }
0x103: {  	s15 =	simm.s32 @p2 $0x2C00;
	[sflag:s6] =	ssyncadd.s32 @p2 $0xFFFFE700;
	s6 =	simm.s32 @p2 $0x9  }
0x104: {  	[spmem:s2] =	stream.indirect.scatter.add.f32 @p2 [tilespmem:s15], [sflag:$0xA], $0x80, s11, s25, $0xb8;
	[tilespmem:$0x1CC80] =	vst v63  }
0x105: {  	_ =	swait.ge @p2 [sflag:s6], $0x1900  }
0x106: {  	[sflag:s6] =	ssyncset.done @p2 $0x0  }
0x107: {  	s11 =	simm.s32 @!p2 $0xC;
	[sflag:s6] =	ssyncadd.s32 @p2 $0xFFFFE700  }
0x108: {  	_ =	swait.ge @!p2 [sflag:s11], $0x1900  }
0x109: {  	s15 =	simm.s32 @!p2 $0x32;
	s25 =	simm.s32 @!p2 $0x180;
	[sflag:s11] =	ssyncset.done @!p2 $0x0  }
0x10a: {  	s6 =	simm.s32 @!p2 $0x6400;
	[sflag:s11] =	ssyncadd.s32 @!p2 $0xFFFFE700;
	s11 =	simm.s32 @!p2 $0x6  }
0x10b: {  	[tilespmem:s6], [sflag:$0x8] =	stream.indirect.gather @!p2 [hbm4b:s1+s15], $0x80, s25, s15, $0xb8;
	[tilespmem:$0x1CC80] =	vst v63  }
0x10c: {  	_ =	swait.ge @!p2 [sflag:s11], $0x1900  }
0x10d: {  	s6 =	simm.s32 @!p2 $0x480;
	[sflag:s11] =	ssyncset.done @!p2 $0x0  }
0x10e: {  	s25 =	simm.s32 @!p2 $0x2C00;
	[sflag:s11] =	ssyncadd.s32 @!p2 $0xFFFFE700;
	s11 =	simm.s32 @!p2 $0x9  }
0x10f: {  	[spmem:s2] =	stream.indirect.scatter.add.f32 @!p2 [tilespmem:s25], [sflag:$0xA], $0x80, s6, s15, $0xb8;
	[tilespmem:$0x1CC80] =	vst v63  }
0x110: {  	s13 =	simm.s32 @!p2 $0x800;
	_ =	swait.ge @!p2 [sflag:s11], $0x1900  }
0x111: {  	s25 =	simm.s32 @!p2 $0x0;
	s6 =	rddreg [dreg:$0x4];
	[sflag:s11] =	ssyncset.done @!p2 $0x0  }
0x112: {  	s15 =	rddreg [dreg:$0x5];
	[sflag:s11] =	ssyncadd.s32 @!p2 $0xFFFFE700;
	s6 =	sadd.s32 @!p2 s9, s6  }
0x113: {  	[tilespmem:s13], [sflag:$0x3] =	stream.linear.gather @!p2 [hbm4b:s6+s25], $0x400, $0x38;
	[tilespmem:$0x1CC80] =	vst v63  }
0x114: {  	s11 =	simm.s32 @!p2 $0xC00;
	s6 =	sadd.s32 @!p2 s9, s15  }
0x115: {  	[tilespmem:s11], [sflag:$0x4] =	stream.linear.gather @!p2 [hbm4b:s6+s25], $0x400, $0x38;
	[tilespmem:$0x1CC80] =	vst v63  }
0x116: {  	s13 =	simm.s32 $0x200  }
0x117: {  	[tilespmem:s23], [sflag:$0x5] =	stream.indirect.gather [hbm4b:s1+s22], $0x80, s13, s22, $0xb8;
	[tilespmem:$0x1CC80] =	vst v63  }
0x118: {  	_ =	swait.ge [sflag:s0], $0x1900  }
0x119: {  	[sflag:s0] =	ssyncset.done $0x0  }
0x11a: {  	s11 =	simm.s32 $0x500;
	[sflag:s0] =	ssyncadd.s32 $0xFFFFE700  }
0x11b: {  	[spmem:s2] =	stream.indirect.scatter.add.f32 [tilespmem:s29], [sflag:$0xB], $0x80, s11, s22, $0xb8;
	[tilespmem:$0x1CC80] =	vst v63  }
0x11c: {  	_ =	swait.ge [sflag:s8], $0x1900  }
0x11d: {  	[sflag:s8] =	ssyncset.done $0x0  }
0x11e: {  	s13 =	simm.s32 $0x280;
	[sflag:s8] =	ssyncadd.s32 $0xFFFFE700  }
0x11f: {  	[tilespmem:s26], [sflag:$0x6] =	stream.indirect.gather [hbm4b:s1+s22], $0x80, s13, s22, $0xb8;
	[tilespmem:$0x1CC80] =	vst v63  }
0x120: {  	_ =	swait.ge [sflag:s10], $0x1900  }
0x121: {  	[sflag:s10] =	ssyncset.done $0x0  }
0x122: {  	s11 =	simm.s32 $0x580;
	[sflag:s10] =	ssyncadd.s32 $0xFFFFE700  }
0x123: {  	[spmem:s2] =	stream.indirect.scatter.add.f32 [tilespmem:s12], [sflag:$0xC], $0x80, s11, s22, $0xb8;
	[tilespmem:$0x1CC80] =	vst v63  }
0x124: {  	_ =	swait.ge [sflag:s14], $0x1900  }
0x125: {  	[sflag:s14] =	ssyncset.done $0x0  }
0x126: {  	s13 =	simm.s32 $0x300;
	[sflag:s14] =	ssyncadd.s32 $0xFFFFE700  }
0x127: {  	[tilespmem:s29], [sflag:$0x7] =	stream.indirect.gather [hbm4b:s1+s22], $0x80, s13, s22, $0xb8;
	[tilespmem:$0x1CC80] =	vst v63  }
0x128: {  	_ =	swait.ge [sflag:s30], $0x1900  }
0x129: {  	[sflag:s30] =	ssyncset.done $0x0  }
0x12a: {  	s11 =	simm.s32 $0x600;
	[sflag:s30] =	ssyncadd.s32 $0xFFFFE700  }
0x12b: {  	[spmem:s2] =	stream.indirect.scatter.add.f32 [tilespmem:s23], [sflag:$0x9], $0x80, s11, s22, $0xb8;
	[tilespmem:$0x1CC80] =	vst v63  }
0x12c: {  	_ =	swait.ge [sflag:s7], $0x1900  }
0x12d: {  	[sflag:s7] =	ssyncset.done $0x0  }
0x12e: {  	s13 =	simm.s32 $0x380;
	[sflag:s7] =	ssyncadd.s32 $0xFFFFE700  }
0x12f: {  	[tilespmem:s12], [sflag:$0x8] =	stream.indirect.gather [hbm4b:s1+s22], $0x80, s13, s22, $0xb8;
	[tilespmem:$0x1CC80] =	vst v63  }
0x130: {  	_ =	swait.ge [sflag:s16], $0x1900  }
0x131: {  	[sflag:s16] =	ssyncset.done $0x0  }
0x132: {  	s11 =	simm.s32 $0x680;
	[sflag:s16] =	ssyncadd.s32 $0xFFFFE700  }
0x133: {  	[spmem:s2] =	stream.indirect.scatter.add.f32 [tilespmem:s26], [sflag:$0xA], $0x80, s11, s22, $0xb8;
	[tilespmem:$0x1CC80] =	vst v63  }
0x134: {  	_ =	swait.ge [sflag:s17], $0x1900  }
0x135: {  	[sflag:s17] =	ssyncset.done $0x0  }
0x136: {  	s6 =	simm.s32 @!p2 $0x3;
	[sflag:s17] =	ssyncadd.s32 $0xFFFFE700  }
0x137: {  	_ =	swait.ge @!p2 [sflag:s6], $0x400  }
0x138: {  	[sflag:s6] =	ssyncset.done @!p2 $0x0  }
0x139: {  	s11 =	simm.s32 @!p2 $0x4;
	[sflag:s6] =	ssyncadd.s32 @!p2 $0xFFFFFC00  }
0x13a: {  	_ =	swait.ge @!p2 [sflag:s11], $0x400  }
0x13b: {  	[sflag:s11] =	ssyncset.done @!p2 $0x0  }
0x13c: {  	s15 =	simm.s32 $0x800;
	[sflag:s11] =	ssyncadd.s32 @!p2 $0xFFFFFC00  }
0x13d: {  	[tilespmem:s23], [sflag:$0x5] =	stream.indirect.gather [hbm4b:s1+s22], $0x80, s15, s22, $0xb8;
	[tilespmem:$0x1CC80] =	vst v63  }
0x13e: {  	_ =	swait.ge [sflag:s0], $0x1900  }
0x13f: {  	[sflag:s0] =	ssyncset.done $0x0  }
0x140: {  	[sflag:s0] =	ssyncadd.s32 $0xFFFFE700  }
0x141: {  	[spmem:s2] =	stream.indirect.scatter.add.f32 [tilespmem:s29], [sflag:$0xB], $0x80, s20, s22, $0xb8;
	[tilespmem:$0x1CC80] =	vst v63  }
0x142: {  	_ =	swait.ge [sflag:s8], $0x1900  }
0x143: {  	[sflag:s8] =	ssyncset.done $0x0  }
0x144: {  	s13 =	rddreg [dreg:$0x7];
	[sflag:s8] =	ssyncadd.s32 $0xFFFFE700  }
0x145: {  	[tilespmem:s26], [sflag:$0x6] =	stream.indirect.gather [hbm4b:s1+s22], $0x80, s13, s22, $0xb8;
	[tilespmem:$0x1CC80] =	vst v63  }
0x146: {  	_ =	swait.ge [sflag:s10], $0x1900  }
0x147: {  	[sflag:s10] =	ssyncset.done $0x0  }
0x148: {  	[sflag:s10] =	ssyncadd.s32 $0xFFFFE700  }
0x149: {  	[spmem:s2] =	stream.indirect.scatter.add.f32 [tilespmem:s12], [sflag:$0xC], $0x80, s21, s22, $0xb8;
	[tilespmem:$0x1CC80] =	vst v63  }
0x14a: {  	_ =	swait.ge [sflag:s14], $0x1900  }
0x14b: {  	[sflag:s14] =	ssyncset.done $0x0  }
0x14c: {  	s11 =	rddreg [dreg:$0x8];
	[sflag:s14] =	ssyncadd.s32 $0xFFFFE700  }
0x14d: {  	[tilespmem:s29], [sflag:$0x7] =	stream.indirect.gather [hbm4b:s1+s22], $0x80, s11, s22, $0xb8;
	[tilespmem:$0x1CC80] =	vst v63  }
0x14e: {  	_ =	swait.ge [sflag:s30], $0x1900  }
0x14f: {  	[sflag:s30] =	ssyncset.done $0x0  }
0x150: {  	s25 =	simm.s32 $0xC00;
	[sflag:s30] =	ssyncadd.s32 $0xFFFFE700  }
0x151: {  	[spmem:s2] =	stream.indirect.scatter.add.f32 [tilespmem:s23], [sflag:$0x9], $0x80, s25, s22, $0xb8;
	[tilespmem:$0x1CC80] =	vst v63  }
0x152: {  	s3 =	sadd.s32 $0x800, s3;
	_ =	swait.ge [sflag:s7], $0x1900  }
0x153: {  	s13 =	sshrl.u32 s3, $0x3;
	[sflag:s7] =	ssyncset.done $0x0  }
0x154: {  	s6 =	sadd.s32 s5, s13;
	s11 =	rddreg [dreg:$0x6];
	[sflag:s7] =	ssyncadd.s32 $0xFFFFE700  }
0x155: {  	[tilespmem:s4], [sflag:$0x1] =	stream.linear.gather [hbm4b:s6+s4], $0x400, $0x38;
	[tilespmem:$0x1CC80] =	vst v63  }
0x156: {  	s9 =	sadd.s32 s9, s11  }
0x157: {  	[tilespmem:s19], [sflag:$0x2] =	stream.linear.gather [hbm4b:s9+s4], $0x400, $0x38;
	[tilespmem:$0x1CC80] =	vst v63  }
0x158: {  	s13 =	rddreg [dreg:$0x9]  }
0x159: {  	[tilespmem:s12], [sflag:$0x8] =	stream.indirect.gather [hbm4b:s1+s22], $0x80, s13, s22, $0xb8;
	[tilespmem:$0x1CC80] =	vst v63  }
0x15a: {  	_ =	swait.ge [sflag:s16], $0x1900  }
0x15b: {  	[sflag:s16] =	ssyncset.done $0x0  }
0x15c: {  	s11 =	rddreg [dreg:$0xa];
	[sflag:s16] =	ssyncadd.s32 $0xFFFFE700  }
0x15d: {  	[spmem:s2] =	stream.indirect.scatter.add.f32 [tilespmem:s26], [sflag:$0xA], $0x80, s11, s22, $0xb8;
	[tilespmem:$0x1CC80] =	vst v63  }
0x15e: {  	_ =	swait.ge [sflag:s17], $0x1900  }
0x15f: {  	[sflag:s17] =	ssyncset.done $0x0  }
0x160: {  	s9 =	rddreg [dreg:$0xb];
	[sflag:s17] =	ssyncadd.s32 $0xFFFFE700  }
0x161: {  	[tilespmem:s23], [sflag:$0x5] =	stream.indirect.gather [hbm4b:s1+s22], $0x80, s9, s22, $0xb8;
	[tilespmem:$0x1CC80] =	vst v63  }
0x162: {  	_ =	swait.ge [sflag:s0], $0x1900  }
0x163: {  	[sflag:s0] =	ssyncset.done $0x0  }
0x164: {  	s11 =	rddreg [dreg:$0xc];
	[sflag:s0] =	ssyncadd.s32 $0xFFFFE700  }
0x165: {  	[spmem:s2] =	stream.indirect.scatter.add.f32 [tilespmem:s29], [sflag:$0xB], $0x80, s11, s22, $0xb8;
	[tilespmem:$0x1CC80] =	vst v63  }
0x166: {  	_ =	swait.ge [sflag:s8], $0x1900  }
0x167: {  	[sflag:s8] =	ssyncset.done $0x0  }
0x168: {  	s9 =	rddreg [dreg:$0xd];
	[sflag:s8] =	ssyncadd.s32 $0xFFFFE700  }
0x169: {  	[tilespmem:s26], [sflag:$0x6] =	stream.indirect.gather [hbm4b:s1+s22], $0x80, s9, s22, $0xb8;
	[tilespmem:$0x1CC80] =	vst v63  }
0x16a: {  	_ =	swait.ge [sflag:s10], $0x1900  }
0x16b: {  	[sflag:s10] =	ssyncset.done $0x0  }
0x16c: {  	s11 =	rddreg [dreg:$0xe];
	[sflag:s10] =	ssyncadd.s32 $0xFFFFE700  }
0x16d: {  	[spmem:s2] =	stream.indirect.scatter.add.f32 [tilespmem:s12], [sflag:$0xC], $0x80, s11, s22, $0xb8;
	[tilespmem:$0x1CC80] =	vst v63  }
0x16e: {  	_ =	swait.ge [sflag:s14], $0x1900  }
0x16f: {  	[sflag:s14] =	ssyncset.done $0x0  }
0x170: {  	s9 =	rddreg [dreg:$0xf];
	[sflag:s14] =	ssyncadd.s32 $0xFFFFE700  }
0x171: {  	[tilespmem:s29], [sflag:$0x7] =	stream.indirect.gather [hbm4b:s1+s22], $0x80, s9, s22, $0xb8;
	[tilespmem:$0x1CC80] =	vst v63  }
0x172: {  	_ =	swait.ge [sflag:s30], $0x1900  }
0x173: {  	[sflag:s30] =	ssyncset.done $0x0  }
0x174: {  	s11 =	rddreg [dreg:$0x10];
	[sflag:s30] =	ssyncadd.s32 $0xFFFFE700  }
0x175: {  	[spmem:s2] =	stream.indirect.scatter.add.f32 [tilespmem:s23], [sflag:$0x9], $0x80, s11, s22, $0xb8;
	[tilespmem:$0x1CC80] =	vst v63  }
0x176: {  	_ =	swait.ge [sflag:s7], $0x1900  }
0x177: {  	[sflag:s7] =	ssyncset.done $0x0  }
0x178: {  	s9 =	rddreg [dreg:$0x11];
	[sflag:s7] =	ssyncadd.s32 $0xFFFFE700  }
0x179: {  	[tilespmem:s12], [sflag:$0x8] =	stream.indirect.gather [hbm4b:s1+s22], $0x80, s9, s22, $0xb8;
	[tilespmem:$0x1CC80] =	vst v63  }
0x17a: {  	_ =	swait.ge [sflag:s16], $0x1900  }
0x17b: {  	[sflag:s16] =	ssyncset.done $0x0  }
0x17c: {  	s11 =	rddreg [dreg:$0x12];
	[sflag:s16] =	ssyncadd.s32 $0xFFFFE700  }
0x17d: {  	[spmem:s2] =	stream.indirect.scatter.add.f32 [tilespmem:s26], [sflag:$0xA], $0x80, s11, s22, $0xb8;
	[tilespmem:$0x1CC80] =	vst v63  }
0x17e: {  	_ =	swait.ge [sflag:s17], $0x1900  }
0x17f: {  	[sflag:s17] =	ssyncset.done $0x0  }
0x180: {  	[sflag:s17] =	ssyncadd.s32 $0xFFFFE700  }
0x181: {  	_ =	swait.ge [sflag:s24], $0x400  }
0x182: {  	[sflag:s24] =	ssyncset.done $0x0  }
0x183: {  	[sflag:s24] =	ssyncadd.s32 $0xFFFFFC00  }
0x184: {  	_ =	swait.ge [sflag:s28], $0x400  }
0x185: {  	[sflag:s28] =	ssyncset.done $0x0  }
0x186: {  	[sflag:s28] =	ssyncadd.s32 $0xFFFFFC00  }
0x187: {  	[tilespmem:s23], [sflag:$0x5] =	stream.indirect.gather [hbm4b:s1+s22], $0x80, s4, s22, $0xb8;
	[tilespmem:$0x1CC80] =	vst v63  }
0x188: {  	_ =	swait.ge [sflag:s0], $0x1900  }
0x189: {  	[sflag:s0] =	ssyncset.done $0x0  }
0x18a: {  	s9 =	rddreg [dreg:$0x13];
	[sflag:s0] =	ssyncadd.s32 $0xFFFFE700  }
0x18b: {  	[spmem:s2] =	stream.indirect.scatter.add.f32 [tilespmem:s29], [sflag:$0xB], $0x80, s9, s22, $0xb8;
	[tilespmem:$0x1CC80] =	vst v63  }
0x18c: {  	_ =	swait.ge [sflag:s8], $0x1900  }
0x18d: {  	[sflag:s8] =	ssyncset.done $0x0  }
0x18e: {  	s31 =	sadd.s32 $0x100, s31;
	s13 =	simm.s32 $0x80;
	[sflag:s8] =	ssyncadd.s32 $0xFFFFE700  }
0x18f: {  	[tilespmem:s26], [sflag:$0x6] =	stream.indirect.gather [hbm4b:s1+s22], $0x80, s13, s22, $0xb8;
	[tilespmem:$0x1CC80] =	vst v63  }
0x190: {  	p1 =	sne.s32 s31, $0xC00;
	_ =	swait.ge [sflag:s10], $0x1900  }
.Ltmp3:
0x191: {  	[sflag:s10] =	ssyncset.done $0x0;
	(pc) =	sbr.rel @p1 .LBB2_6-.Ltmp3, $4  }
0x192: {  	s11 =	rddreg [dreg:$0x14];
	[sflag:s10] =	ssyncadd.s32 $0xFFFFE700  }
0x193: {  	[spmem:s2] =	stream.indirect.scatter.add.f32 [tilespmem:s12], [sflag:$0xC], $0x80, s11, s22, $0xb8;
	[tilespmem:$0x1CC80] =	vst v63  }
0x194: {  	_ =	swait.ge [sflag:s14], $0x1900  }
0x195: {  	[sflag:s14] =	ssyncset.done $0x0  }
0x196: {  	[sflag:s14] =	ssyncadd.s32 $0xFFFFE700;
	s3 =	simm.s32 $0x100  }
0x197: {  	[tilespmem:s29], [sflag:$0x7] =	stream.indirect.gather [hbm4b:s1+s22], $0x80, s3, s22, $0xb8;
	[tilespmem:$0x1CC80] =	vst v63  }
0x198: {  	_ =	swait.ge [sflag:s30], $0x1900  }
0x199: {  	[sflag:s30] =	ssyncset.done $0x0  }
0x19a: {  	[sflag:s30] =	ssyncadd.s32 $0xFFFFE700  }
0x19b: {  	[spmem:s2] =	stream.indirect.scatter.add.f32 [tilespmem:s23], [sflag:$0x9], $0x80, s19, s22, $0xb8;
	[tilespmem:$0x1CC80] =	vst v63  }
0x19c: {  	_ =	swait.ge [sflag:s7], $0x1900  }
0x19d: {  	[sflag:s7] =	ssyncset.done $0x0  }
0x19e: {  	s9 =	simm.s32 $0x180;
	[sflag:s7] =	ssyncadd.s32 $0xFFFFE700  }
0x19f: {  	[tilespmem:s12], [sflag:$0x8] =	stream.indirect.gather [hbm4b:s1+s22], $0x80, s9, s22, $0xb8;
	[tilespmem:$0x1CC80] =	vst v63  }
0x1a0: {  	_ =	swait.ge [sflag:s16], $0x1900  }
0x1a1: {  	[sflag:s16] =	ssyncset.done $0x0  }
0x1a2: {  	s11 =	simm.s32 $0x480;
	[sflag:s16] =	ssyncadd.s32 $0xFFFFE700  }
0x1a3: {  	[spmem:s2] =	stream.indirect.scatter.add.f32 [tilespmem:s26], [sflag:$0xA], $0x80, s11, s22, $0xb8;
	[tilespmem:$0x1CC80] =	vst v63  }
0x1a4: {  	_ =	swait.ge [sflag:s17], $0x1900  }
0x1a5: {  	[sflag:s17] =	ssyncset.done $0x0  }
0x1a6: {  	s31 =	simm.s32 $0x200;
	[sflag:s17] =	ssyncadd.s32 $0xFFFFE700  }
0x1a7: {  	[tilespmem:s23], [sflag:$0x5] =	stream.indirect.gather [hbm4b:s1+s22], $0x80, s31, s22, $0xb8;
	[tilespmem:$0x1CC80] =	vst v63  }
0x1a8: {  	_ =	swait.ge [sflag:s0], $0x1900  }
0x1a9: {  	[sflag:s0] =	ssyncset.done $0x0  }
0x1aa: {  	s6 =	simm.s32 $0x500;
	[sflag:s0] =	ssyncadd.s32 $0xFFFFE700  }
0x1ab: {  	[spmem:s2] =	stream.indirect.scatter.add.f32 [tilespmem:s29], [sflag:$0xB], $0x80, s6, s22, $0xb8;
	[tilespmem:$0x1CC80] =	vst v63  }
0x1ac: {  	_ =	swait.ge [sflag:s8], $0x1900  }
0x1ad: {  	[sflag:s8] =	ssyncset.done $0x0  }
0x1ae: {  	s9 =	simm.s32 $0x280;
	[sflag:s8] =	ssyncadd.s32 $0xFFFFE700  }
0x1af: {  	[tilespmem:s26], [sflag:$0x6] =	stream.indirect.gather [hbm4b:s1+s22], $0x80, s9, s22, $0xb8;
	[tilespmem:$0x1CC80] =	vst v63  }
0x1b0: {  	_ =	swait.ge [sflag:s10], $0x1900  }
0x1b1: {  	[sflag:s10] =	ssyncset.done $0x0  }
0x1b2: {  	s11 =	simm.s32 $0x580;
	[sflag:s10] =	ssyncadd.s32 $0xFFFFE700  }
0x1b3: {  	[spmem:s2] =	stream.indirect.scatter.add.f32 [tilespmem:s12], [sflag:$0xC], $0x80, s11, s22, $0xb8;
	[tilespmem:$0x1CC80] =	vst v63  }
0x1b4: {  	_ =	swait.ge [sflag:s14], $0x1900  }
0x1b5: {  	[sflag:s14] =	ssyncset.done $0x0  }
0x1b6: {  	s31 =	simm.s32 $0x300;
	[sflag:s14] =	ssyncadd.s32 $0xFFFFE700  }
0x1b7: {  	[tilespmem:s29], [sflag:$0x7] =	stream.indirect.gather [hbm4b:s1+s22], $0x80, s31, s22, $0xb8;
	[tilespmem:$0x1CC80] =	vst v63  }
0x1b8: {  	_ =	swait.ge [sflag:s30], $0x1900  }
0x1b9: {  	[sflag:s30] =	ssyncset.done $0x0  }
0x1ba: {  	s6 =	simm.s32 $0x600;
	[sflag:s30] =	ssyncadd.s32 $0xFFFFE700  }
0x1bb: {  	[spmem:s2] =	stream.indirect.scatter.add.f32 [tilespmem:s23], [sflag:$0x9], $0x80, s6, s22, $0xb8;
	[tilespmem:$0x1CC80] =	vst v63  }
0x1bc: {  	_ =	swait.ge [sflag:s7], $0x1900  }
0x1bd: {  	[sflag:s7] =	ssyncset.done $0x0  }
0x1be: {  	s9 =	simm.s32 $0x380;
	[sflag:s7] =	ssyncadd.s32 $0xFFFFE700  }
0x1bf: {  	[tilespmem:s12], [sflag:$0x8] =	stream.indirect.gather [hbm4b:s1+s22], $0x80, s9, s22, $0xb8;
	[tilespmem:$0x1CC80] =	vst v63  }
0x1c0: {  	_ =	swait.ge [sflag:s16], $0x1900  }
0x1c1: {  	[sflag:s16] =	ssyncset.done $0x0  }
0x1c2: {  	s11 =	simm.s32 $0x680;
	[sflag:s16] =	ssyncadd.s32 $0xFFFFE700  }
0x1c3: {  	[spmem:s2] =	stream.indirect.scatter.add.f32 [tilespmem:s26], [sflag:$0xA], $0x80, s11, s22, $0xb8;
	[tilespmem:$0x1CC80] =	vst v63  }
0x1c4: {  	_ =	swait.ge [sflag:s17], $0x1900  }
0x1c5: {  	[sflag:s17] =	ssyncset.done $0x0  }
0x1c6: {  	[sflag:s17] =	ssyncadd.s32 $0xFFFFE700  }
0x1c7: {  	_ =	swait.ge [sflag:s0], $0x1900  }
0x1c8: {  	[sflag:s0] =	ssyncset.done $0x0  }
0x1c9: {  	[sflag:s0] =	ssyncadd.s32 $0xFFFFE700  }
0x1ca: {  	[spmem:s2] =	stream.indirect.scatter.add.f32 [tilespmem:s29], [sflag:$0xB], $0x80, s20, s22, $0xb8;
	[tilespmem:$0x1CC80] =	vst v63  }
0x1cb: {  	_ =	swait.ge [sflag:s8], $0x1900  }
0x1cc: {  	[sflag:s8] =	ssyncset.done $0x0  }
0x1cd: {  	[sflag:s8] =	ssyncadd.s32 $0xFFFFE700  }
0x1ce: {  	_ =	swait.ge [sflag:s10], $0x1900  }
0x1cf: {  	[sflag:s10] =	ssyncset.done $0x0  }
0x1d0: {  	[sflag:s10] =	ssyncadd.s32 $0xFFFFE700  }
0x1d1: {  	[spmem:s2] =	stream.indirect.scatter.add.f32 [tilespmem:s12], [sflag:$0xC], $0x80, s21, s22, $0xb8;
	[tilespmem:$0x1CC80] =	vst v63  }
0x1d2: {  	_ =	swait.ge [sflag:s14], $0x1900  }
0x1d3: {  	[sflag:s14] =	ssyncset.done $0x0  }
0x1d4: {  	[sflag:s14] =	ssyncadd.s32 $0xFFFFE700  }
0x1d5: {  	_ =	swait.ge [sflag:s7], $0x1900  }
0x1d6: {  	[sflag:s7] =	ssyncset.done $0x0  }
0x1d7: {  	[sflag:s7] =	ssyncadd.s32 $0xFFFFE700  }
0x1d8: {  	[bflag:$0x0] =	sbarrier.arrive $0xFFFF  }
0x1d9: {  	s6 =	rddreg [dreg:$0x1c]  }
0x1da: {  	s3 =	simm.s32 @p0 $0x1FCD;
	s9 =	rddreg [dreg:$0x1f]  }
0x1db: {  	[hbm:s6], [sflag:s3] =	dma.local @p0 [spmem:s9], $0x1900  }
0x1dc: {  	s3 =	simm.s32 @p0 $0xD  }
0x1dd: {  	_ =	swait.ge @p0 [sflag:s3], $0x1900  }
0x1de: {  	s6 =	stileid.u32;
	s11 =	rddreg [dreg:$0x1b]  }
0x1df: {  	s6 =	sshll.u32 @!p0 s6, $0x6;
	[sflag:s3] =	ssyncset.done @p0 $0x0;
	s9 =	rddreg [dreg:$0x1a]  }
0x1e0: {  	[sflag:s3] =	ssyncadd.s32 @p0 $0xFFFFE700;
	s3 =	sor.u32 @!p0 $0x1C0D, s6;
	s6 =	sshrl.u32 @!p0 s11, $0x3  }
0x1e1: {  	[hbm:s9], [sflag:s3] =	dma.local @!p0 [spmem:s6], $0x2800  }
0x1e2: {  	s3 =	simm.s32 @!p0 $0xD  }
0x1e3: {  	_ =	swait.ge @!p0 [sflag:s3], $0x2800  }
0x1e4: {  	s20 =	sld [smem:$0x7FD];
	_ =	sdelay $0x2  }
0x1e5: {  	s31 =	rddreg [dreg:$0x1d];
	s9 =	sadd.s32 $0x1, s20  }
0x1e6: {  	p1 =	sne.s32 s9, s31  }
.Ltmp4:
0x1e7: {  	_ = 	snop;
	(pc) =	sbr.rel @p1 .LBB2_1-.Ltmp4, $3  }
0x1e8: {  	_ =	sdelay $0x1  }
0x1e9: {  	[sflag:s3] =	ssyncset.done @!p0 $0x0  }
0x1ea: {  	s6 =	simm.s32 $0x8000;
	[sflag:s3] =	ssyncadd.s32 @!p0 $0xFFFFD800;
	s20 =	simm.s32 $0x100  }
0x1eb: {  	_ =	sfence.sel $0x180000  }
0x1ec: {  	[bflag:$0x0] =	sbarrier.arrive $0xFFFF  }
0x1ed: {  	_ =	strace $0x90000047  }
0x1ee: {  	s0 =	stileid.u32;
	[bflag:$0x2] =	sbarrier.arrive $0xFFFF  }
0x1ef: {  	p0 =	sne.s32 s0, $0x0;
	s0 =	rddreg [dreg:$0x3]  }
0x1f0: {  	s0 =	sadd.s32 @!p0 $0x100000, s0  }
0x1f1: {  	[sflag:s0] =	ssyncadd.tile.s32 @!p0 $0x1;
	_ =	shalt  }
.Lfunc_end2:
_tile_overlayer_lowered:
.L_overlay_start_2:
0x1f2: {  	(tag) =	ssettag $0x2  }
0x1f3: {  	s0 =	rddreg [dreg:$0x0];
	s2 =	stileid.u32  }
0x1f4: {  	s1 =	rddreg [dreg:$0x1];
	p0 =	sne.s32 s2, $0x0  }
0x1f5: {  	s3 =	rddreg [dreg:$0x2];
	[bflag:$0x3] =	sbarrier.arrive $0xFFFF;
	s2 =	simm.s32 @!p0 $0x1C0D  }
0x1f6: {  	[timem:s3], [sflag:s2] =	dma.local @!p0 [hbm:s0], s1  }
0x1f7: {  	s0 =	simm.s32 @!p0 $0xD  }
0x1f8: {  	_ =	swait.ge @!p0 [sflag:s0], s1  }
0x1f9: {  	s1 =	ssub.s32 @!p0 $0x0, s1;
	[sflag:s0] =	ssyncset.done @!p0 $0x0  }
0x1fa: {  	[sflag:s0] =	ssyncadd.s32 @!p0 s1  }
0x1fb: {  	[bflag:$0x3] =	sbarrier.arrive $0xFFFF  }
0x1fc: {  	_ =	shalt  }

</sc_bundles>
